<compile_context>
chip_gen: v7x
topology: tpu7x:2x2x1
jax: 0.10.2.dev20260603
libtpu: 0.0.44.dev20260713+nightly
codegen_flags: <defaults>
</compile_context>

<pallas_src>
import functools

import jax
import jax.numpy as jnp
from jax import lax
from jax.experimental import pallas as pl
from jax.experimental.pallas import tpu as pltpu
from jax.experimental.pallas import tpu_sc as plsc

_N = 10000
_E = 320000
_D = 128
_EPS = 1e-5
_BNS = 1.0 / (1.0 + _EPS) ** 0.5

_NC = 2
_NS = 16
_NW = _NC * _NS
_CH = 128
_NB = 2
_NBI = 4
_NPAD = 10240
_RPT = _NPAD // _NS
_NCHK = 80
_NCHKT = _NCHK + _NBI
_EP = _NCHK * _CH
_EPAD = _EP * _NW

_BM = 256
_NG = _NPAD // _BM


def _sc_mesh():
    return plsc.VectorSubcoreMesh(
        core_axis_name="c", subcore_axis_name="s",
        num_cores=_NC, num_subcores=_NS)


@functools.partial(
    pl.kernel,
    out_type=jax.ShapeDtypeStruct((_NC, _NPAD), jnp.float32),
    mesh=_sc_mesh(),
    scratch_types=[
        pltpu.VMEM((_NCHK, _CH), jnp.int32),
        pltpu.VMEM((_CH,), jnp.float32),
        pltpu.VMEM((_RPT,), jnp.float32),
        pltpu.VMEM_SHARED((_NPAD,), jnp.float32),
    ],
)
def _deg(dstp_hbm, degp_hbm, dloc, ones_v, zb, dacc):
    c = lax.axis_index("c")
    s = lax.axis_index("s")
    wid = s * _NC + c
    z16 = jnp.zeros((16,), jnp.float32)
    o16 = jnp.ones((16,), jnp.float32)

    def fz(i, _):
        zb[pl.ds(i * 16, 16)] = z16
        return 0
    lax.fori_loop(0, _RPT // 16, fz, 0)

    def fo(i, _):
        ones_v[pl.ds(i * 16, 16)] = o16
        return 0
    lax.fori_loop(0, _CH // 16, fo, 0)

    pltpu.sync_copy(dstp_hbm.at[wid], dloc)
    pltpu.sync_copy(zb, dacc.at[pl.ds(s * _RPT, _RPT)])
    plsc.subcore_barrier()

    def step(g, _):
        pltpu.sync_copy(ones_v, dacc.at[dloc.at[g]], add=True)
        return 0
    lax.fori_loop(0, _NCHK, step, 0)

    plsc.subcore_barrier()
    sl = pl.ds(s * _RPT, _RPT)
    pltpu.sync_copy(dacc.at[sl], degp_hbm.at[c, sl])


@functools.partial(
    pl.kernel,
    out_type=jax.ShapeDtypeStruct((_NC, _NPAD, _D), jnp.float32),
    mesh=_sc_mesh(),
    scratch_types=[
        pltpu.VMEM((_CH,), jnp.int32),
        pltpu.VMEM((_CH,), jnp.int32),
        pltpu.VMEM((_CH, _D), jnp.float32),
        pltpu.VMEM_SHARED((_NPAD, _D), jnp.float32),
    ],
)
def _agg(hp_hbm, srcp_hbm, dstp_hbm, out_hbm, sidx, didx, rows, acc):
    c = lax.axis_index("c")
    s = lax.axis_index("s")
    wid = s * _NC + c
    z16 = jnp.zeros((16,), jnp.float32)

    def fz(i, _):
        rows[i // (_D // 16), pl.ds((i % (_D // 16)) * 16, 16)] = z16
        return 0
    lax.fori_loop(0, _CH * _D // 16, fz, 0)
    for j in range(_RPT // _CH):
        pltpu.sync_copy(rows, acc.at[pl.ds(s * _RPT + j * _CH, _CH)])
    plsc.subcore_barrier()

    eb = wid * _EP

    def step(g, _):
        off = eb + g * _CH
        pltpu.sync_copy(srcp_hbm.at[pl.ds(off, _CH)], sidx)
        pltpu.sync_copy(dstp_hbm.at[pl.ds(off, _CH)], didx)
        pltpu.sync_copy(hp_hbm.at[sidx], rows)
        pltpu.sync_copy(rows, acc.at[didx], add=True)
        return 0
    lax.fori_loop(0, _NCHK, step, 0)

    plsc.subcore_barrier()
    for j in range(_RPT // _CH):
        sl = pl.ds(s * _RPT + j * _CH, _CH)
        pltpu.sync_copy(acc.at[sl], out_hbm.at[c, sl])


def _b0_body(x_ref, degp_ref, w_ref, b_ref, o_ref):
    i = pl.program_id(0)
    deg = degp_ref[0] + degp_ref[1] + 1.0
    dinv = lax.rsqrt(deg)
    h = jnp.dot(x_ref[...], w_ref[...],
                preferred_element_type=jnp.float32) + b_ref[...]
    rowid = i * _BM + lax.broadcasted_iota(jnp.int32, (_BM, 1), 0)
    o_ref[...] = jnp.where(rowid < _N, dinv[:, None] * h, 0.0)


_b0 = pl.pallas_call(
    _b0_body,
    grid=(_NG,),
    in_specs=[
        pl.BlockSpec((_BM, _D), lambda i: (i, 0)),
        pl.BlockSpec((_NC, _BM), lambda i: (0, i)),
        pl.BlockSpec((_D, _D), lambda i: (0, 0)),
        pl.BlockSpec((1, _D), lambda i: (0, 0)),
    ],
    out_specs=pl.BlockSpec((_BM, _D), lambda i: (i, 0)),
    out_shape=jax.ShapeDtypeStruct((_NPAD, _D), jnp.float32),
)


def _mid_body(p_ref, hp_ref, degp_ref, g_ref, be_ref, w_ref, b_ref, o_ref):
    i = pl.program_id(0)
    deg = degp_ref[0] + degp_ref[1] + 1.0
    dinv = lax.rsqrt(deg)
    agg = p_ref[0] + p_ref[1] + hp_ref[...]
    y = jnp.maximum(g_ref[...] * _BNS * (dinv[:, None] * agg) + be_ref[...],
                    0.0)
    h = jnp.dot(y, w_ref[...], preferred_element_type=jnp.float32) + b_ref[...]
    rowid = i * _BM + lax.broadcasted_iota(jnp.int32, (_BM, 1), 0)
    o_ref[...] = jnp.where(rowid < _N, dinv[:, None] * h, 0.0)


_mid = pl.pallas_call(
    _mid_body,
    grid=(_NG,),
    in_specs=[
        pl.BlockSpec((_NC, _BM, _D), lambda i: (0, i, 0)),
        pl.BlockSpec((_BM, _D), lambda i: (i, 0)),
        pl.BlockSpec((_NC, _BM), lambda i: (0, i)),
        pl.BlockSpec((1, _D), lambda i: (0, 0)),
        pl.BlockSpec((1, _D), lambda i: (0, 0)),
        pl.BlockSpec((_D, _D), lambda i: (0, 0)),
        pl.BlockSpec((1, _D), lambda i: (0, 0)),
    ],
    out_specs=pl.BlockSpec((_BM, _D), lambda i: (i, 0)),
    out_shape=jax.ShapeDtypeStruct((_NPAD, _D), jnp.float32),
)


def _fin_body(p_ref, hp_ref, degp_ref, g_ref, be_ref, fw1_ref, fb1_ref,
              fg_ref, fbe_ref, fw2_ref, fb2_ref, o_ref, acc_ref):
    i = pl.program_id(0)
    deg = degp_ref[0] + degp_ref[1] + 1.0
    dinv = lax.rsqrt(deg)
    agg = p_ref[0] + p_ref[1] + hp_ref[...]
    y = jnp.maximum(g_ref[...] * _BNS * (dinv[:, None] * agg) + be_ref[...],
                    0.0)
    rowid = i * _BM + lax.broadcasted_iota(jnp.int32, (_BM, 1), 0)
    y = jnp.where(rowid < _N, y, 0.0)
    part = jnp.sum(y, axis=0, keepdims=True)

    @pl.when(i == 0)
    def _():
        acc_ref[...] = jnp.zeros_like(acc_ref)

    acc_ref[...] += part

    @pl.when(i == _NG - 1)
    def _():
        pooled = acc_ref[...] * (1.0 / _N)
        z = jnp.dot(pooled, fw1_ref[...],
                    preferred_element_type=jnp.float32) + fb1_ref[...]
        z = jnp.maximum(fg_ref[...] * _BNS * z + fbe_ref[...], 0.0)
        o_ref[...] = jnp.sum(z * fw2_ref[...], axis=1,
                             keepdims=True) + fb2_ref[...]


_fin = pl.pallas_call(
    _fin_body,
    grid=(_NG,),
    in_specs=[
        pl.BlockSpec((_NC, _BM, _D), lambda i: (0, i, 0)),
        pl.BlockSpec((_BM, _D), lambda i: (i, 0)),
        pl.BlockSpec((_NC, _BM), lambda i: (0, i)),
        pl.BlockSpec((1, _D), lambda i: (0, 0)),
        pl.BlockSpec((1, _D), lambda i: (0, 0)),
        pl.BlockSpec((_D, _D // 2), lambda i: (0, 0)),
        pl.BlockSpec((1, _D // 2), lambda i: (0, 0)),
        pl.BlockSpec((1, _D // 2), lambda i: (0, 0)),
        pl.BlockSpec((1, _D // 2), lambda i: (0, 0)),
        pl.BlockSpec((1, _D // 2), lambda i: (0, 0)),
        pl.BlockSpec((1, 1), lambda i: (0, 0)),
    ],
    out_specs=pl.BlockSpec((1, 1), lambda i: (0, 0)),
    out_shape=jax.ShapeDtypeStruct((1, 1), jnp.float32),
    scratch_shapes=[pltpu.VMEM((1, _D), jnp.float32)],
)


def kernel(x, edge_index, W0, b0, g0, be0, W1, b1, g1, be1, W2, b2, g2, be2,
           fW1, fb1, fg, fbe, fW2, fb2):
    src = edge_index[0].astype(jnp.int32)
    dst = edge_index[1].astype(jnp.int32)
    npad_e = _EPAD - _E + _CH
    pad = _N + (jnp.arange(npad_e, dtype=jnp.int32) % (_NPAD - _N))
    srcp = jnp.concatenate([src, pad])
    dstp = jnp.concatenate([dst, pad])
    dstp3 = dstp[:_EPAD].reshape(_NW, _NCHK, _CH)
    xp = jnp.pad(x, ((0, _NPAD - _N), (0, 0)))

    degp = _deg(dstp3)
    hp = _b0(xp, degp, W0, b0.reshape(1, -1))
    for (W, b, g, be) in ((W1, b1, g0, be0), (W2, b2, g1, be1)):
        P = _agg(hp, srcp, dstp)
        hp = _mid(P, hp, degp, g.reshape(1, -1), be.reshape(1, -1),
                  W, b.reshape(1, -1))
    P = _agg(hp, srcp, dstp)
    out = _fin(P, hp, degp, g2.reshape(1, -1), be2.reshape(1, -1),
               fW1, fb1.reshape(1, -1), fg.reshape(1, -1), fbe.reshape(1, -1),
               fW2.reshape(1, -1), fb2.reshape(1, 1))
    return out

# --- scband reference (transcript-rebuilt; emitter-appended) ---
"""Pipeline reference for scband-gnnmodel-5772436045873 (READ-ONLY COPY).

The authoritative reference and input builder live on the scoring server;
editing this copy changes nothing except your own understanding.
"""

import jax, jax.numpy as jnp
import numpy as np

N = 10000
E = 320000
D = 128
H = 128
EPS = 1e-5


def setup_inputs(seed: int = 0) -> dict:
    key = jax.random.key(seed)
    ks = jax.random.split(key, 16)
    inp = {}
    inp['x'] = jax.random.normal(ks[0], (N, D), dtype=jnp.float32)
    inp['edge_index'] = jax.random.randint(ks[1], (2, E), 0, N, dtype=jnp.int32)
    # GCN layer params (Glorot-ish init)
    s0 = 1.0 / np.sqrt(D)
    s1 = 1.0 / np.sqrt(H)
    inp['W0'] = jax.random.uniform(ks[2], (D, H), jnp.float32, -s0, s0)
    inp['b0'] = jnp.zeros((H,), jnp.float32)
    inp['g0'] = jnp.ones((H,), jnp.float32)
    inp['be0'] = jnp.zeros((H,), jnp.float32)
    inp['W1'] = jax.random.uniform(ks[3], (H, H), jnp.float32, -s1, s1)
    inp['b1'] = jnp.zeros((H,), jnp.float32)
    inp['g1'] = jnp.ones((H,), jnp.float32)
    inp['be1'] = jnp.zeros((H,), jnp.float32)
    inp['W2'] = jax.random.uniform(ks[4], (H, H), jnp.float32, -s1, s1)
    inp['b2'] = jnp.zeros((H,), jnp.float32)
    inp['g2'] = jnp.ones((H,), jnp.float32)
    inp['be2'] = jnp.zeros((H,), jnp.float32)
    # fc head: Linear(128,64) -> BN(64) -> ReLU -> Linear(64,1)
    inp['fW1'] = jax.random.uniform(ks[5], (H, H // 2), jnp.float32, -s1, s1)
    inp['fb1'] = jnp.zeros((H // 2,), jnp.float32)
    inp['fg'] = jnp.ones((H // 2,), jnp.float32)
    inp['fbe'] = jnp.zeros((H // 2,), jnp.float32)
    s2 = 1.0 / np.sqrt(H // 2)
    inp['fW2'] = jax.random.uniform(ks[6], (H // 2, 1), jnp.float32, -s2, s2)
    inp['fb2'] = jnp.zeros((1,), jnp.float32)
    return inp


def _bn_eval(x, gamma, beta):
    # BatchNorm1d in eval mode with running_mean=0, running_var=1
    return gamma * x / jnp.sqrt(1.0 + EPS) + beta


def _gcn_layer(x, edge_index, W, b, gamma, beta):
    h = x @ W + b
    src = edge_index[0]
    dst = edge_index[1]
    loop = jnp.arange(N, dtype=src.dtype)
    s = jnp.concatenate([src, loop])
    d = jnp.concatenate([dst, loop])
    deg = jnp.zeros((N,), h.dtype).at[d].add(1.0)
    dinv = jax.lax.rsqrt(jnp.maximum(deg, 1.0))
    norm = dinv[s] * dinv[d]
    out = jnp.zeros((N, h.shape[1]), h.dtype).at[d].add(norm[:, None] * h[s])
    out = _bn_eval(out, gamma, beta)
    out = jax.nn.relu(out)
    # dropout is identity in eval mode
    return out


def reference(x, edge_index, W0, b0, g0, be0, W1, b1, g1, be1, W2, b2, g2, be2, fW1, fb1, fg, fbe, fW2, fb2):
    h = _gcn_layer(x, edge_index, W0, b0, g0, be0)
    h = _gcn_layer(h, edge_index, W1, b1, g1, be1)
    h = _gcn_layer(h, edge_index, W2, b2, g2, be2)
    # batch is None -> global mean over nodes
    pooled = h.mean(axis=0, keepdims=True)
    z = pooled @ fW1 + fb1
    z = _bn_eval(z, fg, fbe)
    z = jax.nn.relu(z)
    out = z @ fW2 + fb2
    return out

if __name__ == "__main__":
    import jax
    _d = setup_inputs()
    print(jax.jit(kernel)(*tuple(_d.values())))

</pallas_src>

<mosaic_0001>
#map = affine_map<(d0, d1) -> (0, 0, 0)>
#map1 = affine_map<(d0, d1) -> (0, 0)>
module attributes {stable_mosaic.version = 14 : i64} {
  func.func @_deg(%arg0: i32, %arg1: i32, %arg2: memref<32x80x128xi32, #tpu.memory_space<hbm>>, %arg3: memref<2x10240xf32, #tpu.memory_space<hbm>>, %arg4: memref<80x128xi32, #tpu.memory_space<vmem>>, %arg5: memref<128xf32, #tpu.memory_space<vmem>>, %arg6: memref<640xf32, #tpu.memory_space<vmem>>, %arg7: memref<10240xf32, #tpu.memory_space<vmem_shared>>) attributes {dimension_semantics = [#tpu.dimension_semantics<core_parallel>, #tpu.dimension_semantics<subcore_parallel>], iteration_bounds = array<i64: 2, 16>, scalar_prefetch = 0 : i64, scratch_operands = 4 : i64, tpu.core_type = #tpu.core_type<sc_vector_subcore>, window_params = [{transform_indices = #map}, {transform_indices = #map1}]} {
    %mul3A = arith.constant 2 : i32
    %mul3A_0 = arith.muli %arg1, %mul3A : i32
    %add3A = arith.addi %mul3A_0, %arg0 : i32
    %broadcast_in_dim3A = arith.constant 0.000000e+00 : f32
    %broadcast_in_dim3A_1 = vector.broadcast %broadcast_in_dim3A : f32 to vector<16xf32>
    %broadcast_in_dim3A_2 = arith.constant 1.000000e+00 : f32
    %broadcast_in_dim3A_3 = vector.broadcast %broadcast_in_dim3A_2 : f32 to vector<16xf32>
    %scan3A = arith.constant 0 : i32
    %scan3A_4 = arith.constant 0 : i32
    %scan3A_5 = arith.constant 40 : i32
    %scan3A_6 = arith.addi %scan3A_4, %scan3A_5 : i32
    %scan3A_7 = arith.constant 1 : i32
    %scan3A_8 = scf.for %scan3A_29 = %scan3A_4 to %scan3A_6 step %scan3A_7 iter_args(%scan3A_30 = %scan3A) -> (i32)  : i32 {
      %mul3A_31 = arith.constant 16 : i32
      %mul3A_32 = arith.muli %scan3A_29, %mul3A_31 : i32
      %swap3A = arith.index_cast %mul3A_32 : i32 to index
      %swap3A_33 = tpu.vector_load %arg6[%swap3A] {strides = array<i32>} : memref<640xf32, #tpu.memory_space<vmem>>, vector<16xf32>,
      %swap3A_34 = vector.shape_cast %swap3A_33 : vector<16xf32> to vector<16xf32>
      %swap3A_35 = vector.shape_cast %broadcast_in_dim3A_1 : vector<16xf32> to vector<16xf32>
      tpu.vector_store %arg6[%swap3A], %swap3A_35 {strides = array<i32>} : memref<640xf32, #tpu.memory_space<vmem>>, vector<16xf32>,
      %scan3A_36 = arith.constant 0 : i32
      scf.yield %scan3A_36 : i32
    }
    %scan3A_9 = arith.constant 40 : i32
    %scan3A_10 = arith.constant 0 : i32
    %scan3A_11 = arith.constant 0 : i32
    %scan3A_12 = arith.constant 8 : i32
    %scan3A_13 = arith.addi %scan3A_11, %scan3A_12 : i32
    %scan3A_14 = arith.constant 1 : i32
    %scan3A_15 = scf.for %scan3A_29 = %scan3A_11 to %scan3A_13 step %scan3A_14 iter_args(%scan3A_30 = %scan3A_10) -> (i32)  : i32 {
      %mul3A_31 = arith.constant 16 : i32
      %mul3A_32 = arith.muli %scan3A_29, %mul3A_31 : i32
      %swap3A = arith.index_cast %mul3A_32 : i32 to index
      %swap3A_33 = tpu.vector_load %arg5[%swap3A] {strides = array<i32>} : memref<128xf32, #tpu.memory_space<vmem>>, vector<16xf32>,
      %swap3A_34 = vector.shape_cast %swap3A_33 : vector<16xf32> to vector<16xf32>
      %swap3A_35 = vector.shape_cast %broadcast_in_dim3A_3 : vector<16xf32> to vector<16xf32>
      tpu.vector_store %arg5[%swap3A], %swap3A_35 {strides = array<i32>} : memref<128xf32, #tpu.memory_space<vmem>>, vector<16xf32>,
      %scan3A_36 = arith.constant 0 : i32
      scf.yield %scan3A_36 : i32
    }
    %scan3A_16 = arith.constant 8 : i32
    "tpu.region"() ({
      %run_scoped3A = tpu.sem_alloc : memref<!tpu.dma_semaphore, #tpu.memory_space<semaphore_mem>>
      %dma_start3A = arith.constant 0 : i32
      %dma_start3A_29 = arith.constant 0 : i32
      %dma_start3A_30 = tpu.memref_slice %arg2[%add3A, %dma_start3A, %dma_start3A_29] : memref<32x80x128xi32, #tpu.memory_space<hbm>> -> memref<1x80x128xi32, #tpu.memory_space<hbm>>
      %dma_start3A_31 = tpu.memref_squeeze %dma_start3A_30 : memref<1x80x128xi32, #tpu.memory_space<hbm>> -> memref<80x128xi32, #tpu.memory_space<hbm>>
      %dma_start3A_32 = arith.constant 0 : i32
      %dma_start3A_33 = arith.constant 0 : i32
      %dma_start3A_34 = tpu.memref_slice %arg2[%add3A, %dma_start3A_32, %dma_start3A_33] : memref<32x80x128xi32, #tpu.memory_space<hbm>> -> memref<1x80x128xi32, #tpu.memory_space<hbm>>
      %dma_start3A_35 = tpu.memref_squeeze %dma_start3A_34 : memref<1x80x128xi32, #tpu.memory_space<hbm>> -> memref<80x128xi32, #tpu.memory_space<hbm>>
      tpu.enqueue_dma source(%dma_start3A_35 : memref<80x128xi32, #tpu.memory_space<hbm>>) target(%arg4 : memref<80x128xi32, #tpu.memory_space<vmem>>) target_semaphore(%run_scoped3A : memref<!tpu.dma_semaphore, #tpu.memory_space<semaphore_mem>>)
      %dma_wait3A = arith.constant 0 : i32
      %dma_wait3A_36 = arith.constant 0 : i32
      %dma_wait3A_37 = tpu.memref_slice %arg2[%add3A, %dma_wait3A, %dma_wait3A_36] : memref<32x80x128xi32, #tpu.memory_space<hbm>> -> memref<1x80x128xi32, #tpu.memory_space<hbm>>
      %dma_wait3A_38 = tpu.memref_squeeze %dma_wait3A_37 : memref<1x80x128xi32, #tpu.memory_space<hbm>> -> memref<80x128xi32, #tpu.memory_space<hbm>>
      %dma_wait3A_39 = arith.constant 0 : i32
      %dma_wait3A_40 = arith.constant 0 : i32
      %dma_wait3A_41 = tpu.memref_slice %arg2[%add3A, %dma_wait3A_39, %dma_wait3A_40] : memref<32x80x128xi32, #tpu.memory_space<hbm>> -> memref<1x80x128xi32, #tpu.memory_space<hbm>>
      %dma_wait3A_42 = tpu.memref_squeeze %dma_wait3A_41 : memref<1x80x128xi32, #tpu.memory_space<hbm>> -> memref<80x128xi32, #tpu.memory_space<hbm>>
      tpu.wait_dma2 semaphore(%run_scoped3A : memref<!tpu.dma_semaphore, #tpu.memory_space<semaphore_mem>>) src(%dma_wait3A_42 : memref<80x128xi32, #tpu.memory_space<hbm>>) dst(%arg4 : memref<80x128xi32, #tpu.memory_space<vmem>>)
      tpu.yield
    }) : () -> ()
    %mul3A_17 = arith.constant 640 : i32
    %mul3A_18 = arith.muli %arg1, %mul3A_17 : i32
    "tpu.region"() ({
      %run_scoped3A = tpu.sem_alloc : memref<!tpu.dma_semaphore, #tpu.memory_space<semaphore_mem>>
      %dma_start3A = tpu.memref_slice %arg7[%mul3A_18] : memref<10240xf32, #tpu.memory_space<vmem_shared>> -> memref<640xf32, #tpu.memory_space<vmem_shared>>
      %dma_start3A_29 = tpu.memref_slice %arg7[%mul3A_18] : memref<10240xf32, #tpu.memory_space<vmem_shared>> -> memref<640xf32, #tpu.memory_space<vmem_shared>>
      tpu.enqueue_dma source(%arg6 : memref<640xf32, #tpu.memory_space<vmem>>) target(%dma_start3A_29 : memref<640xf32, #tpu.memory_space<vmem_shared>>) target_semaphore(%run_scoped3A : memref<!tpu.dma_semaphore, #tpu.memory_space<semaphore_mem>>)
      %dma_wait3A = tpu.memref_slice %arg7[%mul3A_18] : memref<10240xf32, #tpu.memory_space<vmem_shared>> -> memref<640xf32, #tpu.memory_space<vmem_shared>>
      %dma_wait3A_30 = tpu.memref_slice %arg7[%mul3A_18] : memref<10240xf32, #tpu.memory_space<vmem_shared>> -> memref<640xf32, #tpu.memory_space<vmem_shared>>
      tpu.wait_dma2 semaphore(%run_scoped3A : memref<!tpu.dma_semaphore, #tpu.memory_space<semaphore_mem>>) src(%arg6 : memref<640xf32, #tpu.memory_space<vmem>>) dst(%dma_wait3A_30 : memref<640xf32, #tpu.memory_space<vmem_shared>>)
      tpu.yield
    }) : () -> ()
    %barrier3A = arith.constant 0 : index
    tpu.barrier barrier_id(%barrier3A)
    %scan3A_19 = arith.constant 0 : i32
    %scan3A_20 = arith.constant 0 : i32
    %scan3A_21 = arith.constant 80 : i32
    %scan3A_22 = arith.addi %scan3A_20, %scan3A_21 : i32
    %scan3A_23 = arith.constant 1 : i32
    %scan3A_24 = scf.for %scan3A_29 = %scan3A_20 to %scan3A_22 step %scan3A_23 iter_args(%scan3A_30 = %scan3A_19) -> (i32)  : i32 {
      "tpu.region"() ({
        %run_scoped3A = tpu.sem_alloc : memref<!tpu.dma_semaphore, #tpu.memory_space<semaphore_mem>>
        %dma_start3A = arith.constant 0 : i32
        %dma_start3A_32 = tpu.memref_slice %arg4[%scan3A_29, %dma_start3A] : memref<80x128xi32, #tpu.memory_space<vmem>> -> memref<1x128xi32, #tpu.memory_space<vmem>>
        %dma_start3A_33 = tpu.memref_squeeze %dma_start3A_32 : memref<1x128xi32, #tpu.memory_space<vmem>> -> memref<128xi32, #tpu.memory_space<vmem>>
        %dma_start3A_34 = arith.constant 0 : i32
        %dma_start3A_35 = tpu.memref_slice %arg7[%dma_start3A_34] : memref<10240xf32, #tpu.memory_space<vmem_shared>> -> memref<10240xf32, #tpu.memory_space<vmem_shared>>
        tpu.enqueue_indirect_dma source(%arg5 : memref<128xf32, #tpu.memory_space<vmem>>) target(%dma_start3A_35 : memref<10240xf32, #tpu.memory_space<vmem_shared>>) offsets(%dma_start3A_33 : memref<128xi32, #tpu.memory_space<vmem>>) semaphore(%run_scoped3A : memref<!tpu.dma_semaphore, #tpu.memory_space<semaphore_mem>>) {add = true}
        %dma_wait3A = arith.constant 0 : i32
        %dma_wait3A_36 = tpu.memref_slice %arg4[%scan3A_29, %dma_wait3A] : memref<80x128xi32, #tpu.memory_space<vmem>> -> memref<1x128xi32, #tpu.memory_space<vmem>>
        %dma_wait3A_37 = tpu.memref_squeeze %dma_wait3A_36 : memref<1x128xi32, #tpu.memory_space<vmem>> -> memref<128xi32, #tpu.memory_space<vmem>>
        %dma_wait3A_38 = arith.constant 0 : i32
        %dma_wait3A_39 = tpu.memref_slice %arg7[%dma_wait3A_38] : memref<10240xf32, #tpu.memory_space<vmem_shared>> -> memref<10240xf32, #tpu.memory_space<vmem_shared>>
        tpu.wait_indirect_dma semaphore(%run_scoped3A : memref<!tpu.dma_semaphore, #tpu.memory_space<semaphore_mem>>) src(%arg5 : memref<128xf32, #tpu.memory_space<vmem>>) dst(%dma_wait3A_39 : memref<10240xf32, #tpu.memory_space<vmem_shared>>)
        tpu.yield
      }) : () -> ()
      %scan3A_31 = arith.constant 0 : i32
      scf.yield %scan3A_31 : i32
    }
    %scan3A_25 = arith.constant 80 : i32
    %barrier3A_26 = arith.constant 0 : index
    tpu.barrier barrier_id(%barrier3A_26)
    %mul3A_27 = arith.constant 640 : i32
    %mul3A_28 = arith.muli %arg1, %mul3A_27 : i32
    "tpu.region"() ({
      %run_scoped3A = tpu.sem_alloc : memref<!tpu.dma_semaphore, #tpu.memory_space<semaphore_mem>>
      %dma_start3A = tpu.memref_slice %arg3[%arg0, %mul3A_28] : memref<2x10240xf32, #tpu.memory_space<hbm>> -> memref<1x640xf32, #tpu.memory_space<hbm>>
      %dma_start3A_29 = tpu.memref_squeeze %dma_start3A : memref<1x640xf32, #tpu.memory_space<hbm>> -> memref<640xf32, #tpu.memory_space<hbm>>
      %dma_start3A_30 = tpu.memref_slice %arg7[%mul3A_28] : memref<10240xf32, #tpu.memory_space<vmem_shared>> -> memref<640xf32, #tpu.memory_space<vmem_shared>>
      tpu.enqueue_dma source(%dma_start3A_30 : memref<640xf32, #tpu.memory_space<vmem_shared>>) target(%dma_start3A_29 : memref<640xf32, #tpu.memory_space<hbm>>) target_semaphore(%run_scoped3A : memref<!tpu.dma_semaphore, #tpu.memory_space<semaphore_mem>>)
      %dma_wait3A = tpu.memref_slice %arg3[%arg0, %mul3A_28] : memref<2x10240xf32, #tpu.memory_space<hbm>> -> memref<1x640xf32, #tpu.memory_space<hbm>>
      %dma_wait3A_31 = tpu.memref_squeeze %dma_wait3A : memref<1x640xf32, #tpu.memory_space<hbm>> -> memref<640xf32, #tpu.memory_space<hbm>>
      %dma_wait3A_32 = tpu.memref_slice %arg7[%mul3A_28] : memref<10240xf32, #tpu.memory_space<vmem_shared>> -> memref<640xf32, #tpu.memory_space<vmem_shared>>
      tpu.wait_dma2 semaphore(%run_scoped3A : memref<!tpu.dma_semaphore, #tpu.memory_space<semaphore_mem>>) src(%dma_wait3A_32 : memref<640xf32, #tpu.memory_space<vmem_shared>>) dst(%dma_wait3A_31 : memref<640xf32, #tpu.memory_space<hbm>>)
      tpu.yield
    }) : () -> ()
    return
  }
}

#map = affine_map<(d0, d1) -> (0, 0)>
#map1 = affine_map<(d0, d1) -> (0)>
#map2 = affine_map<(d0, d1) -> (0, 0, 0)>
module attributes {stable_mosaic.version = 14 : i64} {
  func.func @_agg(%arg0: i32, %arg1: i32, %arg2: memref<10240x128xf32, #tpu.memory_space<hbm>>, %arg3: memref<327808xi32, #tpu.memory_space<hbm>>, %arg4: memref<327808xi32, #tpu.memory_space<hbm>>, %arg5: memref<2x10240x128xf32, #tpu.memory_space<hbm>>, %arg6: memref<128xi32, #tpu.memory_space<vmem>>, %arg7: memref<128xi32, #tpu.memory_space<vmem>>, %arg8: memref<128x128xf32, #tpu.memory_space<vmem>>, %arg9: memref<10240x128xf32, #tpu.memory_space<vmem_shared>>) attributes {dimension_semantics = [#tpu.dimension_semantics<core_parallel>, #tpu.dimension_semantics<subcore_parallel>], iteration_bounds = array<i64: 2, 16>, scalar_prefetch = 0 : i64, scratch_operands = 4 : i64, tpu.core_type = #tpu.core_type<sc_vector_subcore>, window_params = [{transform_indices = #map}, {transform_indices = #map1}, {transform_indices = #map1}, {transform_indices = #map2}]} {
    %mul3A = arith.constant 2 : i32
    %mul3A_0 = arith.muli %arg1, %mul3A : i32
    %add3A = arith.addi %mul3A_0, %arg0 : i32
    %broadcast_in_dim3A = arith.constant 0.000000e+00 : f32
    %broadcast_in_dim3A_1 = vector.broadcast %broadcast_in_dim3A : f32 to vector<16xf32>
    %scan3A = arith.constant 0 : i32
    %scan3A_2 = arith.constant 0 : i32
    %scan3A_3 = arith.constant 1024 : i32
    %scan3A_4 = arith.addi %scan3A_2, %scan3A_3 : i32
    %scan3A_5 = arith.constant 1 : i32
    %scan3A_6 = scf.for %scan3A_58 = %scan3A_2 to %scan3A_4 step %scan3A_5 iter_args(%scan3A_59 = %scan3A) -> (i32)  : i32 {
      %jit3A = arith.constant 8 : i32
      %div3A = arith.divsi %scan3A_58, %jit3A : i32
      %sign3A = arith.constant 0 : i32
      %sign3A_60 = arith.cmpi sgt, %scan3A_58, %sign3A : i32
      %sign3A_61 = arith.extui %sign3A_60 : i1 to i32
      %sign3A_62 = arith.constant 0 : i32
      %sign3A_63 = arith.cmpi slt, %scan3A_58, %sign3A_62 : i32
      %sign3A_64 = arith.extui %sign3A_63 : i1 to i32
      %sign3A_65 = arith.subi %sign3A_61, %sign3A_64 : i32
      %sign3A_66 = arith.constant 0 : i32
      %sign3A_67 = arith.cmpi sgt, %jit3A, %sign3A_66 : i32
      %sign3A_68 = arith.extui %sign3A_67 : i1 to i32
      %sign3A_69 = arith.constant 0 : i32
      %sign3A_70 = arith.cmpi slt, %jit3A, %sign3A_69 : i32
      %sign3A_71 = arith.extui %sign3A_70 : i1 to i32
      %sign3A_72 = arith.subi %sign3A_68, %sign3A_71 : i32
      %ne3A = arith.cmpi ne, %sign3A_65, %sign3A_72 : i32
      %rem3A = arith.remsi %scan3A_58, %jit3A : i32
      %ne3A_73 = arith.constant 0 : i32
      %ne3A_74 = arith.cmpi ne, %rem3A, %ne3A_73 : i32
      %and3A = arith.andi %ne3A, %ne3A_74 : i1
      %sub3A = arith.constant 1 : i32
      %sub3A_75 = arith.subi %div3A, %sub3A : i32
      %select_n3A = arith.select %and3A, %sub3A_75, %div3A : i32
      %jit3A_76 = arith.constant 8 : i32
      %eq3A = arith.constant 0 : i32
      %eq3A_77 = arith.cmpi eq, %jit3A_76, %eq3A : i32
      %jit3A_78 = arith.constant 1 : i32
      %select_n3A_79 = arith.select %eq3A_77, %jit3A_78, %jit3A_76 : i32
      %rem3A_80 = arith.remsi %scan3A_58, %select_n3A_79 : i32
      %ne3A_81 = arith.constant 0 : i32
      %ne3A_82 = arith.cmpi ne, %rem3A_80, %ne3A_81 : i32
      %lt3A = arith.constant 0 : i32
      %lt3A_83 = arith.cmpi slt, %rem3A_80, %lt3A : i32
      %lt3A_84 = arith.constant 0 : i32
      %lt3A_85 = arith.cmpi slt, %select_n3A_79, %lt3A_84 : i32
      %ne3A_86 = arith.xori %lt3A_83, %lt3A_85 : i1
      %and3A_87 = arith.andi %ne3A_86, %ne3A_82 : i1
      %add3A_88 = arith.addi %rem3A_80, %select_n3A_79 : i32
      %select_n3A_89 = arith.select %and3A_87, %add3A_88, %rem3A_80 : i32
      %mul3A_90 = arith.constant 16 : i32
      %mul3A_91 = arith.muli %select_n3A_89, %mul3A_90 : i32
      %swap3A = arith.index_cast %select_n3A : i32 to index
      %swap3A_92 = arith.index_cast %mul3A_91 : i32 to index
      %swap3A_93 = tpu.vector_load %arg8[%swap3A, %swap3A_92] {strides = array<i32>} : memref<128x128xf32, #tpu.memory_space<vmem>>, vector<1x16xf32>,
      %swap3A_94 = vector.shape_cast %swap3A_93 : vector<1x16xf32> to vector<16xf32>
      %swap3A_95 = vector.shape_cast %broadcast_in_dim3A_1 : vector<16xf32> to vector<1x16xf32>
      tpu.vector_store %arg8[%swap3A, %swap3A_92], %swap3A_95 {strides = array<i32>} : memref<128x128xf32, #tpu.memory_space<vmem>>, vector<1x16xf32>,
      %scan3A_96 = arith.constant 0 : i32
      scf.yield %scan3A_96 : i32
    }
    %scan3A_7 = arith.constant 1024 : i32
    %mul3A_8 = arith.constant 640 : i32
    %mul3A_9 = arith.muli %arg1, %mul3A_8 : i32
    %add3A_10 = arith.constant 0 : i32
    %add3A_11 = arith.addi %mul3A_9, %add3A_10 : i32
    "tpu.region"() ({
      %run_scoped3A = tpu.sem_alloc : memref<!tpu.dma_semaphore, #tpu.memory_space<semaphore_mem>>
      %dma_start3A = arith.constant 0 : i32
      %dma_start3A_58 = tpu.memref_slice %arg9[%add3A_11, %dma_start3A] : memref<10240x128xf32, #tpu.memory_space<vmem_shared>> -> memref<128x128xf32, #tpu.memory_space<vmem_shared>>
      %dma_start3A_59 = arith.constant 0 : i32
      %dma_start3A_60 = tpu.memref_slice %arg9[%add3A_11, %dma_start3A_59] : memref<10240x128xf32, #tpu.memory_space<vmem_shared>> -> memref<128x128xf32, #tpu.memory_space<vmem_shared>>
      tpu.enqueue_dma source(%arg8 : memref<128x128xf32, #tpu.memory_space<vmem>>) target(%dma_start3A_60 : memref<128x128xf32, #tpu.memory_space<vmem_shared>>) target_semaphore(%run_scoped3A : memref<!tpu.dma_semaphore, #tpu.memory_space<semaphore_mem>>)
      %dma_wait3A = arith.constant 0 : i32
      %dma_wait3A_61 = tpu.memref_slice %arg9[%add3A_11, %dma_wait3A] : memref<10240x128xf32, #tpu.memory_space<vmem_shared>> -> memref<128x128xf32, #tpu.memory_space<vmem_shared>>
      %dma_wait3A_62 = arith.constant 0 : i32
      %dma_wait3A_63 = tpu.memref_slice %arg9[%add3A_11, %dma_wait3A_62] : memref<10240x128xf32, #tpu.memory_space<vmem_shared>> -> memref<128x128xf32, #tpu.memory_space<vmem_shared>>
      tpu.wait_dma2 semaphore(%run_scoped3A : memref<!tpu.dma_semaphore, #tpu.memory_space<semaphore_mem>>) src(%arg8 : memref<128x128xf32, #tpu.memory_space<vmem>>) dst(%dma_wait3A_63 : memref<128x128xf32, #tpu.memory_space<vmem_shared>>)
      tpu.yield
    }) : () -> ()
    %mul3A_12 = arith.constant 640 : i32
    %mul3A_13 = arith.muli %arg1, %mul3A_12 : i32
    %add3A_14 = arith.constant 128 : i32
    %add3A_15 = arith.addi %mul3A_13, %add3A_14 : i32
    "tpu.region"() ({
      %run_scoped3A = tpu.sem_alloc : memref<!tpu.dma_semaphore, #tpu.memory_space<semaphore_mem>>
      %dma_start3A = arith.constant 0 : i32
      %dma_start3A_58 = tpu.memref_slice %arg9[%add3A_15, %dma_start3A] : memref<10240x128xf32, #tpu.memory_space<vmem_shared>> -> memref<128x128xf32, #tpu.memory_space<vmem_shared>>
      %dma_start3A_59 = arith.constant 0 : i32
      %dma_start3A_60 = tpu.memref_slice %arg9[%add3A_15, %dma_start3A_59] : memref<10240x128xf32, #tpu.memory_space<vmem_shared>> -> memref<128x128xf32, #tpu.memory_space<vmem_shared>>
      tpu.enqueue_dma source(%arg8 : memref<128x128xf32, #tpu.memory_space<vmem>>) target(%dma_start3A_60 : memref<128x128xf32, #tpu.memory_space<vmem_shared>>) target_semaphore(%run_scoped3A : memref<!tpu.dma_semaphore, #tpu.memory_space<semaphore_mem>>)
      %dma_wait3A = arith.constant 0 : i32
      %dma_wait3A_61 = tpu.memref_slice %arg9[%add3A_15, %dma_wait3A] : memref<10240x128xf32, #tpu.memory_space<vmem_shared>> -> memref<128x128xf32, #tpu.memory_space<vmem_shared>>
      %dma_wait3A_62 = arith.constant 0 : i32
      %dma_wait3A_63 = tpu.memref_slice %arg9[%add3A_15, %dma_wait3A_62] : memref<10240x128xf32, #tpu.memory_space<vmem_shared>> -> memref<128x128xf32, #tpu.memory_space<vmem_shared>>
      tpu.wait_dma2 semaphore(%run_scoped3A : memref<!tpu.dma_semaphore, #tpu.memory_space<semaphore_mem>>) src(%arg8 : memref<128x128xf32, #tpu.memory_space<vmem>>) dst(%dma_wait3A_63 : memref<128x128xf32, #tpu.memory_space<vmem_shared>>)
      tpu.yield
    }) : () -> ()
    %mul3A_16 = arith.constant 640 : i32
    %mul3A_17 = arith.muli %arg1, %mul3A_16 : i32
    %add3A_18 = arith.constant 256 : i32
    %add3A_19 = arith.addi %mul3A_17, %add3A_18 : i32
    "tpu.region"() ({
      %run_scoped3A = tpu.sem_alloc : memref<!tpu.dma_semaphore, #tpu.memory_space<semaphore_mem>>
      %dma_start3A = arith.constant 0 : i32
      %dma_start3A_58 = tpu.memref_slice %arg9[%add3A_19, %dma_start3A] : memref<10240x128xf32, #tpu.memory_space<vmem_shared>> -> memref<128x128xf32, #tpu.memory_space<vmem_shared>>
      %dma_start3A_59 = arith.constant 0 : i32
      %dma_start3A_60 = tpu.memref_slice %arg9[%add3A_19, %dma_start3A_59] : memref<10240x128xf32, #tpu.memory_space<vmem_shared>> -> memref<128x128xf32, #tpu.memory_space<vmem_shared>>
      tpu.enqueue_dma source(%arg8 : memref<128x128xf32, #tpu.memory_space<vmem>>) target(%dma_start3A_60 : memref<128x128xf32, #tpu.memory_space<vmem_shared>>) target_semaphore(%run_scoped3A : memref<!tpu.dma_semaphore, #tpu.memory_space<semaphore_mem>>)
      %dma_wait3A = arith.constant 0 : i32
      %dma_wait3A_61 = tpu.memref_slice %arg9[%add3A_19, %dma_wait3A] : memref<10240x128xf32, #tpu.memory_space<vmem_shared>> -> memref<128x128xf32, #tpu.memory_space<vmem_shared>>
      %dma_wait3A_62 = arith.constant 0 : i32
      %dma_wait3A_63 = tpu.memref_slice %arg9[%add3A_19, %dma_wait3A_62] : memref<10240x128xf32, #tpu.memory_space<vmem_shared>> -> memref<128x128xf32, #tpu.memory_space<vmem_shared>>
      tpu.wait_dma2 semaphore(%run_scoped3A : memref<!tpu.dma_semaphore, #tpu.memory_space<semaphore_mem>>) src(%arg8 : memref<128x128xf32, #tpu.memory_space<vmem>>) dst(%dma_wait3A_63 : memref<128x128xf32, #tpu.memory_space<vmem_shared>>)
      tpu.yield
    }) : () -> ()
    %mul3A_20 = arith.constant 640 : i32
    %mul3A_21 = arith.muli %arg1, %mul3A_20 : i32
    %add3A_22 = arith.constant 384 : i32
    %add3A_23 = arith.addi %mul3A_21, %add3A_22 : i32
    "tpu.region"() ({
      %run_scoped3A = tpu.sem_alloc : memref<!tpu.dma_semaphore, #tpu.memory_space<semaphore_mem>>
      %dma_start3A = arith.constant 0 : i32
      %dma_start3A_58 = tpu.memref_slice %arg9[%add3A_23, %dma_start3A] : memref<10240x128xf32, #tpu.memory_space<vmem_shared>> -> memref<128x128xf32, #tpu.memory_space<vmem_shared>>
      %dma_start3A_59 = arith.constant 0 : i32
      %dma_start3A_60 = tpu.memref_slice %arg9[%add3A_23, %dma_start3A_59] : memref<10240x128xf32, #tpu.memory_space<vmem_shared>> -> memref<128x128xf32, #tpu.memory_space<vmem_shared>>
      tpu.enqueue_dma source(%arg8 : memref<128x128xf32, #tpu.memory_space<vmem>>) target(%dma_start3A_60 : memref<128x128xf32, #tpu.memory_space<vmem_shared>>) target_semaphore(%run_scoped3A : memref<!tpu.dma_semaphore, #tpu.memory_space<semaphore_mem>>)
      %dma_wait3A = arith.constant 0 : i32
      %dma_wait3A_61 = tpu.memref_slice %arg9[%add3A_23, %dma_wait3A] : memref<10240x128xf32, #tpu.memory_space<vmem_shared>> -> memref<128x128xf32, #tpu.memory_space<vmem_shared>>
      %dma_wait3A_62 = arith.constant 0 : i32
      %dma_wait3A_63 = tpu.memref_slice %arg9[%add3A_23, %dma_wait3A_62] : memref<10240x128xf32, #tpu.memory_space<vmem_shared>> -> memref<128x128xf32, #tpu.memory_space<vmem_shared>>
      tpu.wait_dma2 semaphore(%run_scoped3A : memref<!tpu.dma_semaphore, #tpu.memory_space<semaphore_mem>>) src(%arg8 : memref<128x128xf32, #tpu.memory_space<vmem>>) dst(%dma_wait3A_63 : memref<128x128xf32, #tpu.memory_space<vmem_shared>>)
      tpu.yield
    }) : () -> ()
    %mul3A_24 = arith.constant 640 : i32
    %mul3A_25 = arith.muli %arg1, %mul3A_24 : i32
    %add3A_26 = arith.constant 512 : i32
    %add3A_27 = arith.addi %mul3A_25, %add3A_26 : i32
    "tpu.region"() ({
      %run_scoped3A = tpu.sem_alloc : memref<!tpu.dma_semaphore, #tpu.memory_space<semaphore_mem>>
      %dma_start3A = arith.constant 0 : i32
      %dma_start3A_58 = tpu.memref_slice %arg9[%add3A_27, %dma_start3A] : memref<10240x128xf32, #tpu.memory_space<vmem_shared>> -> memref<128x128xf32, #tpu.memory_space<vmem_shared>>
      %dma_start3A_59 = arith.constant 0 : i32
      %dma_start3A_60 = tpu.memref_slice %arg9[%add3A_27, %dma_start3A_59] : memref<10240x128xf32, #tpu.memory_space<vmem_shared>> -> memref<128x128xf32, #tpu.memory_space<vmem_shared>>
      tpu.enqueue_dma source(%arg8 : memref<128x128xf32, #tpu.memory_space<vmem>>) target(%dma_start3A_60 : memref<128x128xf32, #tpu.memory_space<vmem_shared>>) target_semaphore(%run_scoped3A : memref<!tpu.dma_semaphore, #tpu.memory_space<semaphore_mem>>)
      %dma_wait3A = arith.constant 0 : i32
      %dma_wait3A_61 = tpu.memref_slice %arg9[%add3A_27, %dma_wait3A] : memref<10240x128xf32, #tpu.memory_space<vmem_shared>> -> memref<128x128xf32, #tpu.memory_space<vmem_shared>>
      %dma_wait3A_62 = arith.constant 0 : i32
      %dma_wait3A_63 = tpu.memref_slice %arg9[%add3A_27, %dma_wait3A_62] : memref<10240x128xf32, #tpu.memory_space<vmem_shared>> -> memref<128x128xf32, #tpu.memory_space<vmem_shared>>
      tpu.wait_dma2 semaphore(%run_scoped3A : memref<!tpu.dma_semaphore, #tpu.memory_space<semaphore_mem>>) src(%arg8 : memref<128x128xf32, #tpu.memory_space<vmem>>) dst(%dma_wait3A_63 : memref<128x128xf32, #tpu.memory_space<vmem_shared>>)
      tpu.yield
    }) : () -> ()
    %barrier3A = arith.constant 0 : index
    tpu.barrier barrier_id(%barrier3A)
    %mul3A_28 = arith.constant 10240 : i32
    %mul3A_29 = arith.muli %add3A, %mul3A_28 : i32
    %scan3A_30 = arith.constant 0 : i32
    %scan3A_31 = arith.constant 0 : i32
    %scan3A_32 = arith.constant 80 : i32
    %scan3A_33 = arith.addi %scan3A_31, %scan3A_32 : i32
    %scan3A_34 = arith.constant 1 : i32
    %scan3A_35 = scf.for %scan3A_58 = %scan3A_31 to %scan3A_33 step %scan3A_34 iter_args(%scan3A_59 = %scan3A_30) -> (i32)  : i32 {
      %mul3A_60 = arith.constant 128 : i32
      %mul3A_61 = arith.muli %scan3A_58, %mul3A_60 : i32
      %add3A_62 = arith.addi %mul3A_29, %mul3A_61 : i32
      "tpu.region"() ({
        %run_scoped3A = tpu.sem_alloc : memref<!tpu.dma_semaphore, #tpu.memory_space<semaphore_mem>>
        %dma_start3A = tpu.memref_slice %arg3[%add3A_62] : memref<327808xi32, #tpu.memory_space<hbm>> -> memref<128xi32, #tpu.memory_space<hbm>>
        %dma_start3A_64 = tpu.memref_slice %arg3[%add3A_62] : memref<327808xi32, #tpu.memory_space<hbm>> -> memref<128xi32, #tpu.memory_space<hbm>>
        tpu.enqueue_dma source(%dma_start3A_64 : memref<128xi32, #tpu.memory_space<hbm>>) target(%arg6 : memref<128xi32, #tpu.memory_space<vmem>>) target_semaphore(%run_scoped3A : memref<!tpu.dma_semaphore, #tpu.memory_space<semaphore_mem>>)
        %dma_wait3A = tpu.memref_slice %arg3[%add3A_62] : memref<327808xi32, #tpu.memory_space<hbm>> -> memref<128xi32, #tpu.memory_space<hbm>>
        %dma_wait3A_65 = tpu.memref_slice %arg3[%add3A_62] : memref<327808xi32, #tpu.memory_space<hbm>> -> memref<128xi32, #tpu.memory_space<hbm>>
        tpu.wait_dma2 semaphore(%run_scoped3A : memref<!tpu.dma_semaphore, #tpu.memory_space<semaphore_mem>>) src(%dma_wait3A_65 : memref<128xi32, #tpu.memory_space<hbm>>) dst(%arg6 : memref<128xi32, #tpu.memory_space<vmem>>)
        tpu.yield
      }) : () -> ()
      "tpu.region"() ({
        %run_scoped3A = tpu.sem_alloc : memref<!tpu.dma_semaphore, #tpu.memory_space<semaphore_mem>>
        %dma_start3A = tpu.memref_slice %arg4[%add3A_62] : memref<327808xi32, #tpu.memory_space<hbm>> -> memref<128xi32, #tpu.memory_space<hbm>>
        %dma_start3A_64 = tpu.memref_slice %arg4[%add3A_62] : memref<327808xi32, #tpu.memory_space<hbm>> -> memref<128xi32, #tpu.memory_space<hbm>>
        tpu.enqueue_dma source(%dma_start3A_64 : memref<128xi32, #tpu.memory_space<hbm>>) target(%arg7 : memref<128xi32, #tpu.memory_space<vmem>>) target_semaphore(%run_scoped3A : memref<!tpu.dma_semaphore, #tpu.memory_space<semaphore_mem>>)
        %dma_wait3A = tpu.memref_slice %arg4[%add3A_62] : memref<327808xi32, #tpu.memory_space<hbm>> -> memref<128xi32, #tpu.memory_space<hbm>>
        %dma_wait3A_65 = tpu.memref_slice %arg4[%add3A_62] : memref<327808xi32, #tpu.memory_space<hbm>> -> memref<128xi32, #tpu.memory_space<hbm>>
        tpu.wait_dma2 semaphore(%run_scoped3A : memref<!tpu.dma_semaphore, #tpu.memory_space<semaphore_mem>>) src(%dma_wait3A_65 : memref<128xi32, #tpu.memory_space<hbm>>) dst(%arg7 : memref<128xi32, #tpu.memory_space<vmem>>)
        tpu.yield
      }) : () -> ()
      "tpu.region"() ({
        %run_scoped3A = tpu.sem_alloc : memref<!tpu.dma_semaphore, #tpu.memory_space<semaphore_mem>>
        %dma_start3A = arith.constant 0 : i32
        %dma_start3A_64 = arith.constant 0 : i32
        %dma_start3A_65 = tpu.memref_slice %arg2[%dma_start3A, %dma_start3A_64] : memref<10240x128xf32, #tpu.memory_space<hbm>> -> memref<10240x128xf32, #tpu.memory_space<hbm>>
        tpu.enqueue_indirect_dma source(%dma_start3A_65 : memref<10240x128xf32, #tpu.memory_space<hbm>>) target(%arg8 : memref<128x128xf32, #tpu.memory_space<vmem>>) offsets(%arg6 : memref<128xi32, #tpu.memory_space<vmem>>) semaphore(%run_scoped3A : memref<!tpu.dma_semaphore, #tpu.memory_space<semaphore_mem>>)
        %dma_wait3A = arith.constant 0 : i32
        %dma_wait3A_66 = arith.constant 0 : i32
        %dma_wait3A_67 = tpu.memref_slice %arg2[%dma_wait3A, %dma_wait3A_66] : memref<10240x128xf32, #tpu.memory_space<hbm>> -> memref<10240x128xf32, #tpu.memory_space<hbm>>
        tpu.wait_indirect_dma semaphore(%run_scoped3A : memref<!tpu.dma_semaphore, #tpu.memory_space<semaphore_mem>>) src(%dma_wait3A_67 : memref<10240x128xf32, #tpu.memory_space<hbm>>) dst(%arg8 : memref<128x128xf32, #tpu.memory_space<vmem>>)
        tpu.yield
      }) : () -> ()
      "tpu.region"() ({
        %run_scoped3A = tpu.sem_alloc : memref<!tpu.dma_semaphore, #tpu.memory_space<semaphore_mem>>
        %dma_start3A = arith.constant 0 : i32
        %dma_start3A_64 = arith.constant 0 : i32
        %dma_start3A_65 = tpu.memref_slice %arg9[%dma_start3A, %dma_start3A_64] : memref<10240x128xf32, #tpu.memory_space<vmem_shared>> -> memref<10240x128xf32, #tpu.memory_space<vmem_shared>>
        tpu.enqueue_indirect_dma source(%arg8 : memref<128x128xf32, #tpu.memory_space<vmem>>) target(%dma_start3A_65 : memref<10240x128xf32, #tpu.memory_space<vmem_shared>>) offsets(%arg7 : memref<128xi32, #tpu.memory_space<vmem>>) semaphore(%run_scoped3A : memref<!tpu.dma_semaphore, #tpu.memory_space<semaphore_mem>>) {add = true}
        %dma_wait3A = arith.constant 0 : i32
        %dma_wait3A_66 = arith.constant 0 : i32
        %dma_wait3A_67 = tpu.memref_slice %arg9[%dma_wait3A, %dma_wait3A_66] : memref<10240x128xf32, #tpu.memory_space<vmem_shared>> -> memref<10240x128xf32, #tpu.memory_space<vmem_shared>>
        tpu.wait_indirect_dma semaphore(%run_scoped3A : memref<!tpu.dma_semaphore, #tpu.memory_space<semaphore_mem>>) src(%arg8 : memref<128x128xf32, #tpu.memory_space<vmem>>) dst(%dma_wait3A_67 : memref<10240x128xf32, #tpu.memory_space<vmem_shared>>)
        tpu.yield
      }) : () -> ()
      %scan3A_63 = arith.constant 0 : i32
      scf.yield %scan3A_63 : i32
    }
    %scan3A_36 = arith.constant 80 : i32
    %barrier3A_37 = arith.constant 0 : index
    tpu.barrier barrier_id(%barrier3A_37)
    %mul3A_38 = arith.constant 640 : i32
    %mul3A_39 = arith.muli %arg1, %mul3A_38 : i32
    %add3A_40 = arith.constant 0 : i32
    %add3A_41 = arith.addi %mul3A_39, %add3A_40 : i32
    "tpu.region"() ({
      %run_scoped3A = tpu.sem_alloc : memref<!tpu.dma_semaphore, #tpu.memory_space<semaphore_mem>>
      %dma_start3A = arith.constant 0 : i32
      %dma_start3A_58 = tpu.memref_slice %arg5[%arg0, %add3A_41, %dma_start3A] : memref<2x10240x128xf32, #tpu.memory_space<hbm>> -> memref<1x128x128xf32, #tpu.memory_space<hbm>>
      %dma_start3A_59 = tpu.memref_squeeze %dma_start3A_58 : memref<1x128x128xf32, #tpu.memory_space<hbm>> -> memref<128x128xf32, #tpu.memory_space<hbm>>
      %dma_start3A_60 = arith.constant 0 : i32
      %dma_start3A_61 = tpu.memref_slice %arg9[%add3A_41, %dma_start3A_60] : memref<10240x128xf32, #tpu.memory_space<vmem_shared>> -> memref<128x128xf32, #tpu.memory_space<vmem_shared>>
      tpu.enqueue_dma source(%dma_start3A_61 : memref<128x128xf32, #tpu.memory_space<vmem_shared>>) target(%dma_start3A_59 : memref<128x128xf32, #tpu.memory_space<hbm>>) target_semaphore(%run_scoped3A : memref<!tpu.dma_semaphore, #tpu.memory_space<semaphore_mem>>)
      %dma_wait3A = arith.constant 0 : i32
      %dma_wait3A_62 = tpu.memref_slice %arg5[%arg0, %add3A_41, %dma_wait3A] : memref<2x10240x128xf32, #tpu.memory_space<hbm>> -> memref<1x128x128xf32, #tpu.memory_space<hbm>>
      %dma_wait3A_63 = tpu.memref_squeeze %dma_wait3A_62 : memref<1x128x128xf32, #tpu.memory_space<hbm>> -> memref<128x128xf32, #tpu.memory_space<hbm>>
      %dma_wait3A_64 = arith.constant 0 : i32
      %dma_wait3A_65 = tpu.memref_slice %arg9[%add3A_41, %dma_wait3A_64] : memref<10240x128xf32, #tpu.memory_space<vmem_shared>> -> memref<128x128xf32, #tpu.memory_space<vmem_shared>>
      tpu.wait_dma2 semaphore(%run_scoped3A : memref<!tpu.dma_semaphore, #tpu.memory_space<semaphore_mem>>) src(%dma_wait3A_65 : memref<128x128xf32, #tpu.memory_space<vmem_shared>>) dst(%dma_wait3A_63 : memref<128x128xf32, #tpu.memory_space<hbm>>)
      tpu.yield
    }) : () -> ()
    %mul3A_42 = arith.constant 640 : i32
    %mul3A_43 = arith.muli %arg1, %mul3A_42 : i32
    %add3A_44 = arith.constant 128 : i32
    %add3A_45 = arith.addi %mul3A_43, %add3A_44 : i32
    "tpu.region"() ({
      %run_scoped3A = tpu.sem_alloc : memref<!tpu.dma_semaphore, #tpu.memory_space<semaphore_mem>>
      %dma_start3A = arith.constant 0 : i32
      %dma_start3A_58 = tpu.memref_slice %arg5[%arg0, %add3A_45, %dma_start3A] : memref<2x10240x128xf32, #tpu.memory_space<hbm>> -> memref<1x128x128xf32, #tpu.memory_space<hbm>>
      %dma_start3A_59 = tpu.memref_squeeze %dma_start3A_58 : memref<1x128x128xf32, #tpu.memory_space<hbm>> -> memref<128x128xf32, #tpu.memory_space<hbm>>
      %dma_start3A_60 = arith.constant 0 : i32
      %dma_start3A_61 = tpu.memref_slice %arg9[%add3A_45, %dma_start3A_60] : memref<10240x128xf32, #tpu.memory_space<vmem_shared>> -> memref<128x128xf32, #tpu.memory_space<vmem_shared>>
      tpu.enqueue_dma source(%dma_start3A_61 : memref<128x128xf32, #tpu.memory_space<vmem_shared>>) target(%dma_start3A_59 : memref<128x128xf32, #tpu.memory_space<hbm>>) target_semaphore(%run_scoped3A : memref<!tpu.dma_semaphore, #tpu.memory_space<semaphore_mem>>)
      %dma_wait3A = arith.constant 0 : i32
      %dma_wait3A_62 = tpu.memref_slice %arg5[%arg0, %add3A_45, %dma_wait3A] : memref<2x10240x128xf32, #tpu.memory_space<hbm>> -> memref<1x128x128xf32, #tpu.memory_space<hbm>>
      %dma_wait3A_63 = tpu.memref_squeeze %dma_wait3A_62 : memref<1x128x128xf32, #tpu.memory_space<hbm>> -> memref<128x128xf32, #tpu.memory_space<hbm>>
      %dma_wait3A_64 = arith.constant 0 : i32
      %dma_wait3A_65 = tpu.memref_slice %arg9[%add3A_45, %dma_wait3A_64] : memref<10240x128xf32, #tpu.memory_space<vmem_shared>> -> memref<128x128xf32, #tpu.memory_space<vmem_shared>>
      tpu.wait_dma2 semaphore(%run_scoped3A : memref<!tpu.dma_semaphore, #tpu.memory_space<semaphore_mem>>) src(%dma_wait3A_65 : memref<128x128xf32, #tpu.memory_space<vmem_shared>>) dst(%dma_wait3A_63 : memref<128x128xf32, #tpu.memory_space<hbm>>)
      tpu.yield
    }) : () -> ()
    %mul3A_46 = arith.constant 640 : i32
    %mul3A_47 = arith.muli %arg1, %mul3A_46 : i32
    %add3A_48 = arith.constant 256 : i32
    %add3A_49 = arith.addi %mul3A_47, %add3A_48 : i32
    "tpu.region"() ({
      %run_scoped3A = tpu.sem_alloc : memref<!tpu.dma_semaphore, #tpu.memory_space<semaphore_mem>>
      %dma_start3A = arith.constant 0 : i32
      %dma_start3A_58 = tpu.memref_slice %arg5[%arg0, %add3A_49, %dma_start3A] : memref<2x10240x128xf32, #tpu.memory_space<hbm>> -> memref<1x128x128xf32, #tpu.memory_space<hbm>>
      %dma_start3A_59 = tpu.memref_squeeze %dma_start3A_58 : memref<1x128x128xf32, #tpu.memory_space<hbm>> -> memref<128x128xf32, #tpu.memory_space<hbm>>
      %dma_start3A_60 = arith.constant 0 : i32
      %dma_start3A_61 = tpu.memref_slice %arg9[%add3A_49, %dma_start3A_60] : memref<10240x128xf32, #tpu.memory_space<vmem_shared>> -> memref<128x128xf32, #tpu.memory_space<vmem_shared>>
      tpu.enqueue_dma source(%dma_start3A_61 : memref<128x128xf32, #tpu.memory_space<vmem_shared>>) target(%dma_start3A_59 : memref<128x128xf32, #tpu.memory_space<hbm>>) target_semaphore(%run_scoped3A : memref<!tpu.dma_semaphore, #tpu.memory_space<semaphore_mem>>)
      %dma_wait3A = arith.constant 0 : i32
      %dma_wait3A_62 = tpu.memref_slice %arg5[%arg0, %add3A_49, %dma_wait3A] : memref<2x10240x128xf32, #tpu.memory_space<hbm>> -> memref<1x128x128xf32, #tpu.memory_space<hbm>>
      %dma_wait3A_63 = tpu.memref_squeeze %dma_wait3A_62 : memref<1x128x128xf32, #tpu.memory_space<hbm>> -> memref<128x128xf32, #tpu.memory_space<hbm>>
      %dma_wait3A_64 = arith.constant 0 : i32
      %dma_wait3A_65 = tpu.memref_slice %arg9[%add3A_49, %dma_wait3A_64] : memref<10240x128xf32, #tpu.memory_space<vmem_shared>> -> memref<128x128xf32, #tpu.memory_space<vmem_shared>>
      tpu.wait_dma2 semaphore(%run_scoped3A : memref<!tpu.dma_semaphore, #tpu.memory_space<semaphore_mem>>) src(%dma_wait3A_65 : memref<128x128xf32, #tpu.memory_space<vmem_shared>>) dst(%dma_wait3A_63 : memref<128x128xf32, #tpu.memory_space<hbm>>)
      tpu.yield
    }) : () -> ()
    %mul3A_50 = arith.constant 640 : i32
    %mul3A_51 = arith.muli %arg1, %mul3A_50 : i32
    %add3A_52 = arith.constant 384 : i32
    %add3A_53 = arith.addi %mul3A_51, %add3A_52 : i32
    "tpu.region"() ({
      %run_scoped3A = tpu.sem_alloc : memref<!tpu.dma_semaphore, #tpu.memory_space<semaphore_mem>>
      %dma_start3A = arith.constant 0 : i32
      %dma_start3A_58 = tpu.memref_slice %arg5[%arg0, %add3A_53, %dma_start3A] : memref<2x10240x128xf32, #tpu.memory_space<hbm>> -> memref<1x128x128xf32, #tpu.memory_space<hbm>>
      %dma_start3A_59 = tpu.memref_squeeze %dma_start3A_58 : memref<1x128x128xf32, #tpu.memory_space<hbm>> -> memref<128x128xf32, #tpu.memory_space<hbm>>
      %dma_start3A_60 = arith.constant 0 : i32
      %dma_start3A_61 = tpu.memref_slice %arg9[%add3A_53, %dma_start3A_60] : memref<10240x128xf32, #tpu.memory_space<vmem_shared>> -> memref<128x128xf32, #tpu.memory_space<vmem_shared>>
      tpu.enqueue_dma source(%dma_start3A_61 : memref<128x128xf32, #tpu.memory_space<vmem_shared>>) target(%dma_start3A_59 : memref<128x128xf32, #tpu.memory_space<hbm>>) target_semaphore(%run_scoped3A : memref<!tpu.dma_semaphore, #tpu.memory_space<semaphore_mem>>)
      %dma_wait3A = arith.constant 0 : i32
      %dma_wait3A_62 = tpu.memref_slice %arg5[%arg0, %add3A_53, %dma_wait3A] : memref<2x10240x128xf32, #tpu.memory_space<hbm>> -> memref<1x128x128xf32, #tpu.memory_space<hbm>>
      %dma_wait3A_63 = tpu.memref_squeeze %dma_wait3A_62 : memref<1x128x128xf32, #tpu.memory_space<hbm>> -> memref<128x128xf32, #tpu.memory_space<hbm>>
      %dma_wait3A_64 = arith.constant 0 : i32
      %dma_wait3A_65 = tpu.memref_slice %arg9[%add3A_53, %dma_wait3A_64] : memref<10240x128xf32, #tpu.memory_space<vmem_shared>> -> memref<128x128xf32, #tpu.memory_space<vmem_shared>>
      tpu.wait_dma2 semaphore(%run_scoped3A : memref<!tpu.dma_semaphore, #tpu.memory_space<semaphore_mem>>) src(%dma_wait3A_65 : memref<128x128xf32, #tpu.memory_space<vmem_shared>>) dst(%dma_wait3A_63 : memref<128x128xf32, #tpu.memory_space<hbm>>)
      tpu.yield
    }) : () -> ()
    %mul3A_54 = arith.constant 640 : i32
    %mul3A_55 = arith.muli %arg1, %mul3A_54 : i32
    %add3A_56 = arith.constant 512 : i32
    %add3A_57 = arith.addi %mul3A_55, %add3A_56 : i32
    "tpu.region"() ({
      %run_scoped3A = tpu.sem_alloc : memref<!tpu.dma_semaphore, #tpu.memory_space<semaphore_mem>>
      %dma_start3A = arith.constant 0 : i32
      %dma_start3A_58 = tpu.memref_slice %arg5[%arg0, %add3A_57, %dma_start3A] : memref<2x10240x128xf32, #tpu.memory_space<hbm>> -> memref<1x128x128xf32, #tpu.memory_space<hbm>>
      %dma_start3A_59 = tpu.memref_squeeze %dma_start3A_58 : memref<1x128x128xf32, #tpu.memory_space<hbm>> -> memref<128x128xf32, #tpu.memory_space<hbm>>
      %dma_start3A_60 = arith.constant 0 : i32
      %dma_start3A_61 = tpu.memref_slice %arg9[%add3A_57, %dma_start3A_60] : memref<10240x128xf32, #tpu.memory_space<vmem_shared>> -> memref<128x128xf32, #tpu.memory_space<vmem_shared>>
      tpu.enqueue_dma source(%dma_start3A_61 : memref<128x128xf32, #tpu.memory_space<vmem_shared>>) target(%dma_start3A_59 : memref<128x128xf32, #tpu.memory_space<hbm>>) target_semaphore(%run_scoped3A : memref<!tpu.dma_semaphore, #tpu.memory_space<semaphore_mem>>)
      %dma_wait3A = arith.constant 0 : i32
      %dma_wait3A_62 = tpu.memref_slice %arg5[%arg0, %add3A_57, %dma_wait3A] : memref<2x10240x128xf32, #tpu.memory_space<hbm>> -> memref<1x128x128xf32, #tpu.memory_space<hbm>>
      %dma_wait3A_63 = tpu.memref_squeeze %dma_wait3A_62 : memref<1x128x128xf32, #tpu.memory_space<hbm>> -> memref<128x128xf32, #tpu.memory_space<hbm>>
      %dma_wait3A_64 = arith.constant 0 : i32
      %dma_wait3A_65 = tpu.memref_slice %arg9[%add3A_57, %dma_wait3A_64] : memref<10240x128xf32, #tpu.memory_space<vmem_shared>> -> memref<128x128xf32, #tpu.memory_space<vmem_shared>>
      tpu.wait_dma2 semaphore(%run_scoped3A : memref<!tpu.dma_semaphore, #tpu.memory_space<semaphore_mem>>) src(%dma_wait3A_65 : memref<128x128xf32, #tpu.memory_space<vmem_shared>>) dst(%dma_wait3A_63 : memref<128x128xf32, #tpu.memory_space<hbm>>)
      tpu.yield
    }) : () -> ()
    return
  }
}

#map = affine_map<(d0, d1) -> (0, 0)>
#map1 = affine_map<(d0, d1) -> (0)>
#map2 = affine_map<(d0, d1) -> (0, 0, 0)>
module attributes {stable_mosaic.version = 14 : i64} {
  func.func @_agg(%arg0: i32, %arg1: i32, %arg2: memref<10240x128xf32, #tpu.memory_space<hbm>>, %arg3: memref<327808xi32, #tpu.memory_space<hbm>>, %arg4: memref<327808xi32, #tpu.memory_space<hbm>>, %arg5: memref<2x10240x128xf32, #tpu.memory_space<hbm>>, %arg6: memref<128xi32, #tpu.memory_space<vmem>>, %arg7: memref<128xi32, #tpu.memory_space<vmem>>, %arg8: memref<128x128xf32, #tpu.memory_space<vmem>>, %arg9: memref<10240x128xf32, #tpu.memory_space<vmem_shared>>) attributes {dimension_semantics = [#tpu.dimension_semantics<core_parallel>, #tpu.dimension_semantics<subcore_parallel>], iteration_bounds = array<i64: 2, 16>, scalar_prefetch = 0 : i64, scratch_operands = 4 : i64, tpu.core_type = #tpu.core_type<sc_vector_subcore>, window_params = [{transform_indices = #map}, {transform_indices = #map1}, {transform_indices = #map1}, {transform_indices = #map2}]} {
    %mul3A = arith.constant 2 : i32
    %mul3A_0 = arith.muli %arg1, %mul3A : i32
    %add3A = arith.addi %mul3A_0, %arg0 : i32
    %broadcast_in_dim3A = arith.constant 0.000000e+00 : f32
    %broadcast_in_dim3A_1 = vector.broadcast %broadcast_in_dim3A : f32 to vector<16xf32>
    %scan3A = arith.constant 0 : i32
    %scan3A_2 = arith.constant 0 : i32
    %scan3A_3 = arith.constant 1024 : i32
    %scan3A_4 = arith.addi %scan3A_2, %scan3A_3 : i32
    %scan3A_5 = arith.constant 1 : i32
    %scan3A_6 = scf.for %scan3A_58 = %scan3A_2 to %scan3A_4 step %scan3A_5 iter_args(%scan3A_59 = %scan3A) -> (i32)  : i32 {
      %jit3A = arith.constant 8 : i32
      %div3A = arith.divsi %scan3A_58, %jit3A : i32
      %sign3A = arith.constant 0 : i32
      %sign3A_60 = arith.cmpi sgt, %scan3A_58, %sign3A : i32
      %sign3A_61 = arith.extui %sign3A_60 : i1 to i32
      %sign3A_62 = arith.constant 0 : i32
      %sign3A_63 = arith.cmpi slt, %scan3A_58, %sign3A_62 : i32
      %sign3A_64 = arith.extui %sign3A_63 : i1 to i32
      %sign3A_65 = arith.subi %sign3A_61, %sign3A_64 : i32
      %sign3A_66 = arith.constant 0 : i32
      %sign3A_67 = arith.cmpi sgt, %jit3A, %sign3A_66 : i32
      %sign3A_68 = arith.extui %sign3A_67 : i1 to i32
      %sign3A_69 = arith.constant 0 : i32
      %sign3A_70 = arith.cmpi slt, %jit3A, %sign3A_69 : i32
      %sign3A_71 = arith.extui %sign3A_70 : i1 to i32
      %sign3A_72 = arith.subi %sign3A_68, %sign3A_71 : i32
      %ne3A = arith.cmpi ne, %sign3A_65, %sign3A_72 : i32
      %rem3A = arith.remsi %scan3A_58, %jit3A : i32
      %ne3A_73 = arith.constant 0 : i32
      %ne3A_74 = arith.cmpi ne, %rem3A, %ne3A_73 : i32
      %and3A = arith.andi %ne3A, %ne3A_74 : i1
      %sub3A = arith.constant 1 : i32
      %sub3A_75 = arith.subi %div3A, %sub3A : i32
      %select_n3A = arith.select %and3A, %sub3A_75, %div3A : i32
      %jit3A_76 = arith.constant 8 : i32
      %eq3A = arith.constant 0 : i32
      %eq3A_77 = arith.cmpi eq, %jit3A_76, %eq3A : i32
      %jit3A_78 = arith.constant 1 : i32
      %select_n3A_79 = arith.select %eq3A_77, %jit3A_78, %jit3A_76 : i32
      %rem3A_80 = arith.remsi %scan3A_58, %select_n3A_79 : i32
      %ne3A_81 = arith.constant 0 : i32
      %ne3A_82 = arith.cmpi ne, %rem3A_80, %ne3A_81 : i32
      %lt3A = arith.constant 0 : i32
      %lt3A_83 = arith.cmpi slt, %rem3A_80, %lt3A : i32
      %lt3A_84 = arith.constant 0 : i32
      %lt3A_85 = arith.cmpi slt, %select_n3A_79, %lt3A_84 : i32
      %ne3A_86 = arith.xori %lt3A_83, %lt3A_85 : i1
      %and3A_87 = arith.andi %ne3A_86, %ne3A_82 : i1
      %add3A_88 = arith.addi %rem3A_80, %select_n3A_79 : i32
      %select_n3A_89 = arith.select %and3A_87, %add3A_88, %rem3A_80 : i32
      %mul3A_90 = arith.constant 16 : i32
      %mul3A_91 = arith.muli %select_n3A_89, %mul3A_90 : i32
      %swap3A = arith.index_cast %select_n3A : i32 to index
      %swap3A_92 = arith.index_cast %mul3A_91 : i32 to index
      %swap3A_93 = tpu.vector_load %arg8[%swap3A, %swap3A_92] {strides = array<i32>} : memref<128x128xf32, #tpu.memory_space<vmem>>, vector<1x16xf32>,
      %swap3A_94 = vector.shape_cast %swap3A_93 : vector<1x16xf32> to vector<16xf32>
      %swap3A_95 = vector.shape_cast %broadcast_in_dim3A_1 : vector<16xf32> to vector<1x16xf32>
      tpu.vector_store %arg8[%swap3A, %swap3A_92], %swap3A_95 {strides = array<i32>} : memref<128x128xf32, #tpu.memory_space<vmem>>, vector<1x16xf32>,
      %scan3A_96 = arith.constant 0 : i32
      scf.yield %scan3A_96 : i32
    }
    %scan3A_7 = arith.constant 1024 : i32
    %mul3A_8 = arith.constant 640 : i32
    %mul3A_9 = arith.muli %arg1, %mul3A_8 : i32
    %add3A_10 = arith.constant 0 : i32
    %add3A_11 = arith.addi %mul3A_9, %add3A_10 : i32
    "tpu.region"() ({
      %run_scoped3A = tpu.sem_alloc : memref<!tpu.dma_semaphore, #tpu.memory_space<semaphore_mem>>
      %dma_start3A = arith.constant 0 : i32
      %dma_start3A_58 = tpu.memref_slice %arg9[%add3A_11, %dma_start3A] : memref<10240x128xf32, #tpu.memory_space<vmem_shared>> -> memref<128x128xf32, #tpu.memory_space<vmem_shared>>
      %dma_start3A_59 = arith.constant 0 : i32
      %dma_start3A_60 = tpu.memref_slice %arg9[%add3A_11, %dma_start3A_59] : memref<10240x128xf32, #tpu.memory_space<vmem_shared>> -> memref<128x128xf32, #tpu.memory_space<vmem_shared>>
      tpu.enqueue_dma source(%arg8 : memref<128x128xf32, #tpu.memory_space<vmem>>) target(%dma_start3A_60 : memref<128x128xf32, #tpu.memory_space<vmem_shared>>) target_semaphore(%run_scoped3A : memref<!tpu.dma_semaphore, #tpu.memory_space<semaphore_mem>>)
      %dma_wait3A = arith.constant 0 : i32
      %dma_wait3A_61 = tpu.memref_slice %arg9[%add3A_11, %dma_wait3A] : memref<10240x128xf32, #tpu.memory_space<vmem_shared>> -> memref<128x128xf32, #tpu.memory_space<vmem_shared>>
      %dma_wait3A_62 = arith.constant 0 : i32
      %dma_wait3A_63 = tpu.memref_slice %arg9[%add3A_11, %dma_wait3A_62] : memref<10240x128xf32, #tpu.memory_space<vmem_shared>> -> memref<128x128xf32, #tpu.memory_space<vmem_shared>>
      tpu.wait_dma2 semaphore(%run_scoped3A : memref<!tpu.dma_semaphore, #tpu.memory_space<semaphore_mem>>) src(%arg8 : memref<128x128xf32, #tpu.memory_space<vmem>>) dst(%dma_wait3A_63 : memref<128x128xf32, #tpu.memory_space<vmem_shared>>)
      tpu.yield
    }) : () -> ()
    %mul3A_12 = arith.constant 640 : i32
    %mul3A_13 = arith.muli %arg1, %mul3A_12 : i32
    %add3A_14 = arith.constant 128 : i32
    %add3A_15 = arith.addi %mul3A_13, %add3A_14 : i32
    "tpu.region"() ({
      %run_scoped3A = tpu.sem_alloc : memref<!tpu.dma_semaphore, #tpu.memory_space<semaphore_mem>>
      %dma_start3A = arith.constant 0 : i32
      %dma_start3A_58 = tpu.memref_slice %arg9[%add3A_15, %dma_start3A] : memref<10240x128xf32, #tpu.memory_space<vmem_shared>> -> memref<128x128xf32, #tpu.memory_space<vmem_shared>>
      %dma_start3A_59 = arith.constant 0 : i32
      %dma_start3A_60 = tpu.memref_slice %arg9[%add3A_15, %dma_start3A_59] : memref<10240x128xf32, #tpu.memory_space<vmem_shared>> -> memref<128x128xf32, #tpu.memory_space<vmem_shared>>
      tpu.enqueue_dma source(%arg8 : memref<128x128xf32, #tpu.memory_space<vmem>>) target(%dma_start3A_60 : memref<128x128xf32, #tpu.memory_space<vmem_shared>>) target_semaphore(%run_scoped3A : memref<!tpu.dma_semaphore, #tpu.memory_space<semaphore_mem>>)
      %dma_wait3A = arith.constant 0 : i32
      %dma_wait3A_61 = tpu.memref_slice %arg9[%add3A_15, %dma_wait3A] : memref<10240x128xf32, #tpu.memory_space<vmem_shared>> -> memref<128x128xf32, #tpu.memory_space<vmem_shared>>
      %dma_wait3A_62 = arith.constant 0 : i32
      %dma_wait3A_63 = tpu.memref_slice %arg9[%add3A_15, %dma_wait3A_62] : memref<10240x128xf32, #tpu.memory_space<vmem_shared>> -> memref<128x128xf32, #tpu.memory_space<vmem_shared>>
      tpu.wait_dma2 semaphore(%run_scoped3A : memref<!tpu.dma_semaphore, #tpu.memory_space<semaphore_mem>>) src(%arg8 : memref<128x128xf32, #tpu.memory_space<vmem>>) dst(%dma_wait3A_63 : memref<128x128xf32, #tpu.memory_space<vmem_shared>>)
      tpu.yield
    }) : () -> ()
    %mul3A_16 = arith.constant 640 : i32
    %mul3A_17 = arith.muli %arg1, %mul3A_16 : i32
    %add3A_18 = arith.constant 256 : i32
    %add3A_19 = arith.addi %mul3A_17, %add3A_18 : i32
    "tpu.region"() ({
      %run_scoped3A = tpu.sem_alloc : memref<!tpu.dma_semaphore, #tpu.memory_space<semaphore_mem>>
      %dma_start3A = arith.constant 0 : i32
      %dma_start3A_58 = tpu.memref_slice %arg9[%add3A_19, %dma_start3A] : memref<10240x128xf32, #tpu.memory_space<vmem_shared>> -> memref<128x128xf32, #tpu.memory_space<vmem_shared>>
      %dma_start3A_59 = arith.constant 0 : i32
      %dma_start3A_60 = tpu.memref_slice %arg9[%add3A_19, %dma_start3A_59] : memref<10240x128xf32, #tpu.memory_space<vmem_shared>> -> memref<128x128xf32, #tpu.memory_space<vmem_shared>>
      tpu.enqueue_dma source(%arg8 : memref<128x128xf32, #tpu.memory_space<vmem>>) target(%dma_start3A_60 : memref<128x128xf32, #tpu.memory_space<vmem_shared>>) target_semaphore(%run_scoped3A : memref<!tpu.dma_semaphore, #tpu.memory_space<semaphore_mem>>)
      %dma_wait3A = arith.constant 0 : i32
      %dma_wait3A_61 = tpu.memref_slice %arg9[%add3A_19, %dma_wait3A] : memref<10240x128xf32, #tpu.memory_space<vmem_shared>> -> memref<128x128xf32, #tpu.memory_space<vmem_shared>>
      %dma_wait3A_62 = arith.constant 0 : i32
      %dma_wait3A_63 = tpu.memref_slice %arg9[%add3A_19, %dma_wait3A_62] : memref<10240x128xf32, #tpu.memory_space<vmem_shared>> -> memref<128x128xf32, #tpu.memory_space<vmem_shared>>
      tpu.wait_dma2 semaphore(%run_scoped3A : memref<!tpu.dma_semaphore, #tpu.memory_space<semaphore_mem>>) src(%arg8 : memref<128x128xf32, #tpu.memory_space<vmem>>) dst(%dma_wait3A_63 : memref<128x128xf32, #tpu.memory_space<vmem_shared>>)
      tpu.yield
    }) : () -> ()
    %mul3A_20 = arith.constant 640 : i32
    %mul3A_21 = arith.muli %arg1, %mul3A_20 : i32
    %add3A_22 = arith.constant 384 : i32
    %add3A_23 = arith.addi %mul3A_21, %add3A_22 : i32
    "tpu.region"() ({
      %run_scoped3A = tpu.sem_alloc : memref<!tpu.dma_semaphore, #tpu.memory_space<semaphore_mem>>
      %dma_start3A = arith.constant 0 : i32
      %dma_start3A_58 = tpu.memref_slice %arg9[%add3A_23, %dma_start3A] : memref<10240x128xf32, #tpu.memory_space<vmem_shared>> -> memref<128x128xf32, #tpu.memory_space<vmem_shared>>
      %dma_start3A_59 = arith.constant 0 : i32
      %dma_start3A_60 = tpu.memref_slice %arg9[%add3A_23, %dma_start3A_59] : memref<10240x128xf32, #tpu.memory_space<vmem_shared>> -> memref<128x128xf32, #tpu.memory_space<vmem_shared>>
      tpu.enqueue_dma source(%arg8 : memref<128x128xf32, #tpu.memory_space<vmem>>) target(%dma_start3A_60 : memref<128x128xf32, #tpu.memory_space<vmem_shared>>) target_semaphore(%run_scoped3A : memref<!tpu.dma_semaphore, #tpu.memory_space<semaphore_mem>>)
      %dma_wait3A = arith.constant 0 : i32
      %dma_wait3A_61 = tpu.memref_slice %arg9[%add3A_23, %dma_wait3A] : memref<10240x128xf32, #tpu.memory_space<vmem_shared>> -> memref<128x128xf32, #tpu.memory_space<vmem_shared>>
      %dma_wait3A_62 = arith.constant 0 : i32
      %dma_wait3A_63 = tpu.memref_slice %arg9[%add3A_23, %dma_wait3A_62] : memref<10240x128xf32, #tpu.memory_space<vmem_shared>> -> memref<128x128xf32, #tpu.memory_space<vmem_shared>>
      tpu.wait_dma2 semaphore(%run_scoped3A : memref<!tpu.dma_semaphore, #tpu.memory_space<semaphore_mem>>) src(%arg8 : memref<128x128xf32, #tpu.memory_space<vmem>>) dst(%dma_wait3A_63 : memref<128x128xf32, #tpu.memory_space<vmem_shared>>)
      tpu.yield
    }) : () -> ()
    %mul3A_24 = arith.constant 640 : i32
    %mul3A_25 = arith.muli %arg1, %mul3A_24 : i32
    %add3A_26 = arith.constant 512 : i32
    %add3A_27 = arith.addi %mul3A_25, %add3A_26 : i32
    "tpu.region"() ({
      %run_scoped3A = tpu.sem_alloc : memref<!tpu.dma_semaphore, #tpu.memory_space<semaphore_mem>>
      %dma_start3A = arith.constant 0 : i32
      %dma_start3A_58 = tpu.memref_slice %arg9[%add3A_27, %dma_start3A] : memref<10240x128xf32, #tpu.memory_space<vmem_shared>> -> memref<128x128xf32, #tpu.memory_space<vmem_shared>>
      %dma_start3A_59 = arith.constant 0 : i32
      %dma_start3A_60 = tpu.memref_slice %arg9[%add3A_27, %dma_start3A_59] : memref<10240x128xf32, #tpu.memory_space<vmem_shared>> -> memref<128x128xf32, #tpu.memory_space<vmem_shared>>
      tpu.enqueue_dma source(%arg8 : memref<128x128xf32, #tpu.memory_space<vmem>>) target(%dma_start3A_60 : memref<128x128xf32, #tpu.memory_space<vmem_shared>>) target_semaphore(%run_scoped3A : memref<!tpu.dma_semaphore, #tpu.memory_space<semaphore_mem>>)
      %dma_wait3A = arith.constant 0 : i32
      %dma_wait3A_61 = tpu.memref_slice %arg9[%add3A_27, %dma_wait3A] : memref<10240x128xf32, #tpu.memory_space<vmem_shared>> -> memref<128x128xf32, #tpu.memory_space<vmem_shared>>
      %dma_wait3A_62 = arith.constant 0 : i32
      %dma_wait3A_63 = tpu.memref_slice %arg9[%add3A_27, %dma_wait3A_62] : memref<10240x128xf32, #tpu.memory_space<vmem_shared>> -> memref<128x128xf32, #tpu.memory_space<vmem_shared>>
      tpu.wait_dma2 semaphore(%run_scoped3A : memref<!tpu.dma_semaphore, #tpu.memory_space<semaphore_mem>>) src(%arg8 : memref<128x128xf32, #tpu.memory_space<vmem>>) dst(%dma_wait3A_63 : memref<128x128xf32, #tpu.memory_space<vmem_shared>>)
      tpu.yield
    }) : () -> ()
    %barrier3A = arith.constant 0 : index
    tpu.barrier barrier_id(%barrier3A)
    %mul3A_28 = arith.constant 10240 : i32
    %mul3A_29 = arith.muli %add3A, %mul3A_28 : i32
    %scan3A_30 = arith.constant 0 : i32
    %scan3A_31 = arith.constant 0 : i32
    %scan3A_32 = arith.constant 80 : i32
    %scan3A_33 = arith.addi %scan3A_31, %scan3A_32 : i32
    %scan3A_34 = arith.constant 1 : i32
    %scan3A_35 = scf.for %scan3A_58 = %scan3A_31 to %scan3A_33 step %scan3A_34 iter_args(%scan3A_59 = %scan3A_30) -> (i32)  : i32 {
      %mul3A_60 = arith.constant 128 : i32
      %mul3A_61 = arith.muli %scan3A_58, %mul3A_60 : i32
      %add3A_62 = arith.addi %mul3A_29, %mul3A_61 : i32
      "tpu.region"() ({
        %run_scoped3A = tpu.sem_alloc : memref<!tpu.dma_semaphore, #tpu.memory_space<semaphore_mem>>
        %dma_start3A = tpu.memref_slice %arg3[%add3A_62] : memref<327808xi32, #tpu.memory_space<hbm>> -> memref<128xi32, #tpu.memory_space<hbm>>
        %dma_start3A_64 = tpu.memref_slice %arg3[%add3A_62] : memref<327808xi32, #tpu.memory_space<hbm>> -> memref<128xi32, #tpu.memory_space<hbm>>
        tpu.enqueue_dma source(%dma_start3A_64 : memref<128xi32, #tpu.memory_space<hbm>>) target(%arg6 : memref<128xi32, #tpu.memory_space<vmem>>) target_semaphore(%run_scoped3A : memref<!tpu.dma_semaphore, #tpu.memory_space<semaphore_mem>>)
        %dma_wait3A = tpu.memref_slice %arg3[%add3A_62] : memref<327808xi32, #tpu.memory_space<hbm>> -> memref<128xi32, #tpu.memory_space<hbm>>
        %dma_wait3A_65 = tpu.memref_slice %arg3[%add3A_62] : memref<327808xi32, #tpu.memory_space<hbm>> -> memref<128xi32, #tpu.memory_space<hbm>>
        tpu.wait_dma2 semaphore(%run_scoped3A : memref<!tpu.dma_semaphore, #tpu.memory_space<semaphore_mem>>) src(%dma_wait3A_65 : memref<128xi32, #tpu.memory_space<hbm>>) dst(%arg6 : memref<128xi32, #tpu.memory_space<vmem>>)
        tpu.yield
      }) : () -> ()
      "tpu.region"() ({
        %run_scoped3A = tpu.sem_alloc : memref<!tpu.dma_semaphore, #tpu.memory_space<semaphore_mem>>
        %dma_start3A = tpu.memref_slice %arg4[%add3A_62] : memref<327808xi32, #tpu.memory_space<hbm>> -> memref<128xi32, #tpu.memory_space<hbm>>
        %dma_start3A_64 = tpu.memref_slice %arg4[%add3A_62] : memref<327808xi32, #tpu.memory_space<hbm>> -> memref<128xi32, #tpu.memory_space<hbm>>
        tpu.enqueue_dma source(%dma_start3A_64 : memref<128xi32, #tpu.memory_space<hbm>>) target(%arg7 : memref<128xi32, #tpu.memory_space<vmem>>) target_semaphore(%run_scoped3A : memref<!tpu.dma_semaphore, #tpu.memory_space<semaphore_mem>>)
        %dma_wait3A = tpu.memref_slice %arg4[%add3A_62] : memref<327808xi32, #tpu.memory_space<hbm>> -> memref<128xi32, #tpu.memory_space<hbm>>
        %dma_wait3A_65 = tpu.memref_slice %arg4[%add3A_62] : memref<327808xi32, #tpu.memory_space<hbm>> -> memref<128xi32, #tpu.memory_space<hbm>>
        tpu.wait_dma2 semaphore(%run_scoped3A : memref<!tpu.dma_semaphore, #tpu.memory_space<semaphore_mem>>) src(%dma_wait3A_65 : memref<128xi32, #tpu.memory_space<hbm>>) dst(%arg7 : memref<128xi32, #tpu.memory_space<vmem>>)
        tpu.yield
      }) : () -> ()
      "tpu.region"() ({
        %run_scoped3A = tpu.sem_alloc : memref<!tpu.dma_semaphore, #tpu.memory_space<semaphore_mem>>
        %dma_start3A = arith.constant 0 : i32
        %dma_start3A_64 = arith.constant 0 : i32
        %dma_start3A_65 = tpu.memref_slice %arg2[%dma_start3A, %dma_start3A_64] : memref<10240x128xf32, #tpu.memory_space<hbm>> -> memref<10240x128xf32, #tpu.memory_space<hbm>>
        tpu.enqueue_indirect_dma source(%dma_start3A_65 : memref<10240x128xf32, #tpu.memory_space<hbm>>) target(%arg8 : memref<128x128xf32, #tpu.memory_space<vmem>>) offsets(%arg6 : memref<128xi32, #tpu.memory_space<vmem>>) semaphore(%run_scoped3A : memref<!tpu.dma_semaphore, #tpu.memory_space<semaphore_mem>>)
        %dma_wait3A = arith.constant 0 : i32
        %dma_wait3A_66 = arith.constant 0 : i32
        %dma_wait3A_67 = tpu.memref_slice %arg2[%dma_wait3A, %dma_wait3A_66] : memref<10240x128xf32, #tpu.memory_space<hbm>> -> memref<10240x128xf32, #tpu.memory_space<hbm>>
        tpu.wait_indirect_dma semaphore(%run_scoped3A : memref<!tpu.dma_semaphore, #tpu.memory_space<semaphore_mem>>) src(%dma_wait3A_67 : memref<10240x128xf32, #tpu.memory_space<hbm>>) dst(%arg8 : memref<128x128xf32, #tpu.memory_space<vmem>>)
        tpu.yield
      }) : () -> ()
      "tpu.region"() ({
        %run_scoped3A = tpu.sem_alloc : memref<!tpu.dma_semaphore, #tpu.memory_space<semaphore_mem>>
        %dma_start3A = arith.constant 0 : i32
        %dma_start3A_64 = arith.constant 0 : i32
        %dma_start3A_65 = tpu.memref_slice %arg9[%dma_start3A, %dma_start3A_64] : memref<10240x128xf32, #tpu.memory_space<vmem_shared>> -> memref<10240x128xf32, #tpu.memory_space<vmem_shared>>
        tpu.enqueue_indirect_dma source(%arg8 : memref<128x128xf32, #tpu.memory_space<vmem>>) target(%dma_start3A_65 : memref<10240x128xf32, #tpu.memory_space<vmem_shared>>) offsets(%arg7 : memref<128xi32, #tpu.memory_space<vmem>>) semaphore(%run_scoped3A : memref<!tpu.dma_semaphore, #tpu.memory_space<semaphore_mem>>) {add = true}
        %dma_wait3A = arith.constant 0 : i32
        %dma_wait3A_66 = arith.constant 0 : i32
        %dma_wait3A_67 = tpu.memref_slice %arg9[%dma_wait3A, %dma_wait3A_66] : memref<10240x128xf32, #tpu.memory_space<vmem_shared>> -> memref<10240x128xf32, #tpu.memory_space<vmem_shared>>
        tpu.wait_indirect_dma semaphore(%run_scoped3A : memref<!tpu.dma_semaphore, #tpu.memory_space<semaphore_mem>>) src(%arg8 : memref<128x128xf32, #tpu.memory_space<vmem>>) dst(%dma_wait3A_67 : memref<10240x128xf32, #tpu.memory_space<vmem_shared>>)
        tpu.yield
      }) : () -> ()
      %scan3A_63 = arith.constant 0 : i32
      scf.yield %scan3A_63 : i32
    }
    %scan3A_36 = arith.constant 80 : i32
    %barrier3A_37 = arith.constant 0 : index
    tpu.barrier barrier_id(%barrier3A_37)
    %mul3A_38 = arith.constant 640 : i32
    %mul3A_39 = arith.muli %arg1, %mul3A_38 : i32
    %add3A_40 = arith.constant 0 : i32
    %add3A_41 = arith.addi %mul3A_39, %add3A_40 : i32
    "tpu.region"() ({
      %run_scoped3A = tpu.sem_alloc : memref<!tpu.dma_semaphore, #tpu.memory_space<semaphore_mem>>
      %dma_start3A = arith.constant 0 : i32
      %dma_start3A_58 = tpu.memref_slice %arg5[%arg0, %add3A_41, %dma_start3A] : memref<2x10240x128xf32, #tpu.memory_space<hbm>> -> memref<1x128x128xf32, #tpu.memory_space<hbm>>
      %dma_start3A_59 = tpu.memref_squeeze %dma_start3A_58 : memref<1x128x128xf32, #tpu.memory_space<hbm>> -> memref<128x128xf32, #tpu.memory_space<hbm>>
      %dma_start3A_60 = arith.constant 0 : i32
      %dma_start3A_61 = tpu.memref_slice %arg9[%add3A_41, %dma_start3A_60] : memref<10240x128xf32, #tpu.memory_space<vmem_shared>> -> memref<128x128xf32, #tpu.memory_space<vmem_shared>>
      tpu.enqueue_dma source(%dma_start3A_61 : memref<128x128xf32, #tpu.memory_space<vmem_shared>>) target(%dma_start3A_59 : memref<128x128xf32, #tpu.memory_space<hbm>>) target_semaphore(%run_scoped3A : memref<!tpu.dma_semaphore, #tpu.memory_space<semaphore_mem>>)
      %dma_wait3A = arith.constant 0 : i32
      %dma_wait3A_62 = tpu.memref_slice %arg5[%arg0, %add3A_41, %dma_wait3A] : memref<2x10240x128xf32, #tpu.memory_space<hbm>> -> memref<1x128x128xf32, #tpu.memory_space<hbm>>
      %dma_wait3A_63 = tpu.memref_squeeze %dma_wait3A_62 : memref<1x128x128xf32, #tpu.memory_space<hbm>> -> memref<128x128xf32, #tpu.memory_space<hbm>>
      %dma_wait3A_64 = arith.constant 0 : i32
      %dma_wait3A_65 = tpu.memref_slice %arg9[%add3A_41, %dma_wait3A_64] : memref<10240x128xf32, #tpu.memory_space<vmem_shared>> -> memref<128x128xf32, #tpu.memory_space<vmem_shared>>
      tpu.wait_dma2 semaphore(%run_scoped3A : memref<!tpu.dma_semaphore, #tpu.memory_space<semaphore_mem>>) src(%dma_wait3A_65 : memref<128x128xf32, #tpu.memory_space<vmem_shared>>) dst(%dma_wait3A_63 : memref<128x128xf32, #tpu.memory_space<hbm>>)
      tpu.yield
    }) : () -> ()
    %mul3A_42 = arith.constant 640 : i32
    %mul3A_43 = arith.muli %arg1, %mul3A_42 : i32
    %add3A_44 = arith.constant 128 : i32
    %add3A_45 = arith.addi %mul3A_43, %add3A_44 : i32
    "tpu.region"() ({
      %run_scoped3A = tpu.sem_alloc : memref<!tpu.dma_semaphore, #tpu.memory_space<semaphore_mem>>
      %dma_start3A = arith.constant 0 : i32
      %dma_start3A_58 = tpu.memref_slice %arg5[%arg0, %add3A_45, %dma_start3A] : memref<2x10240x128xf32, #tpu.memory_space<hbm>> -> memref<1x128x128xf32, #tpu.memory_space<hbm>>
      %dma_start3A_59 = tpu.memref_squeeze %dma_start3A_58 : memref<1x128x128xf32, #tpu.memory_space<hbm>> -> memref<128x128xf32, #tpu.memory_space<hbm>>
      %dma_start3A_60 = arith.constant 0 : i32
      %dma_start3A_61 = tpu.memref_slice %arg9[%add3A_45, %dma_start3A_60] : memref<10240x128xf32, #tpu.memory_space<vmem_shared>> -> memref<128x128xf32, #tpu.memory_space<vmem_shared>>
      tpu.enqueue_dma source(%dma_start3A_61 : memref<128x128xf32, #tpu.memory_space<vmem_shared>>) target(%dma_start3A_59 : memref<128x128xf32, #tpu.memory_space<hbm>>) target_semaphore(%run_scoped3A : memref<!tpu.dma_semaphore, #tpu.memory_space<semaphore_mem>>)
      %dma_wait3A = arith.constant 0 : i32
      %dma_wait3A_62 = tpu.memref_slice %arg5[%arg0, %add3A_45, %dma_wait3A] : memref<2x10240x128xf32, #tpu.memory_space<hbm>> -> memref<1x128x128xf32, #tpu.memory_space<hbm>>
      %dma_wait3A_63 = tpu.memref_squeeze %dma_wait3A_62 : memref<1x128x128xf32, #tpu.memory_space<hbm>> -> memref<128x128xf32, #tpu.memory_space<hbm>>
      %dma_wait3A_64 = arith.constant 0 : i32
      %dma_wait3A_65 = tpu.memref_slice %arg9[%add3A_45, %dma_wait3A_64] : memref<10240x128xf32, #tpu.memory_space<vmem_shared>> -> memref<128x128xf32, #tpu.memory_space<vmem_shared>>
      tpu.wait_dma2 semaphore(%run_scoped3A : memref<!tpu.dma_semaphore, #tpu.memory_space<semaphore_mem>>) src(%dma_wait3A_65 : memref<128x128xf32, #tpu.memory_space<vmem_shared>>) dst(%dma_wait3A_63 : memref<128x128xf32, #tpu.memory_space<hbm>>)
      tpu.yield
    }) : () -> ()
    %mul3A_46 = arith.constant 640 : i32
    %mul3A_47 = arith.muli %arg1, %mul3A_46 : i32
    %add3A_48 = arith.constant 256 : i32
    %add3A_49 = arith.addi %mul3A_47, %add3A_48 : i32
    "tpu.region"() ({
      %run_scoped3A = tpu.sem_alloc : memref<!tpu.dma_semaphore, #tpu.memory_space<semaphore_mem>>
      %dma_start3A = arith.constant 0 : i32
      %dma_start3A_58 = tpu.memref_slice %arg5[%arg0, %add3A_49, %dma_start3A] : memref<2x10240x128xf32, #tpu.memory_space<hbm>> -> memref<1x128x128xf32, #tpu.memory_space<hbm>>
      %dma_start3A_59 = tpu.memref_squeeze %dma_start3A_58 : memref<1x128x128xf32, #tpu.memory_space<hbm>> -> memref<128x128xf32, #tpu.memory_space<hbm>>
      %dma_start3A_60 = arith.constant 0 : i32
      %dma_start3A_61 = tpu.memref_slice %arg9[%add3A_49, %dma_start3A_60] : memref<10240x128xf32, #tpu.memory_space<vmem_shared>> -> memref<128x128xf32, #tpu.memory_space<vmem_shared>>
      tpu.enqueue_dma source(%dma_start3A_61 : memref<128x128xf32, #tpu.memory_space<vmem_shared>>) target(%dma_start3A_59 : memref<128x128xf32, #tpu.memory_space<hbm>>) target_semaphore(%run_scoped3A : memref<!tpu.dma_semaphore, #tpu.memory_space<semaphore_mem>>)
      %dma_wait3A = arith.constant 0 : i32
      %dma_wait3A_62 = tpu.memref_slice %arg5[%arg0, %add3A_49, %dma_wait3A] : memref<2x10240x128xf32, #tpu.memory_space<hbm>> -> memref<1x128x128xf32, #tpu.memory_space<hbm>>
      %dma_wait3A_63 = tpu.memref_squeeze %dma_wait3A_62 : memref<1x128x128xf32, #tpu.memory_space<hbm>> -> memref<128x128xf32, #tpu.memory_space<hbm>>
      %dma_wait3A_64 = arith.constant 0 : i32
      %dma_wait3A_65 = tpu.memref_slice %arg9[%add3A_49, %dma_wait3A_64] : memref<10240x128xf32, #tpu.memory_space<vmem_shared>> -> memref<128x128xf32, #tpu.memory_space<vmem_shared>>
      tpu.wait_dma2 semaphore(%run_scoped3A : memref<!tpu.dma_semaphore, #tpu.memory_space<semaphore_mem>>) src(%dma_wait3A_65 : memref<128x128xf32, #tpu.memory_space<vmem_shared>>) dst(%dma_wait3A_63 : memref<128x128xf32, #tpu.memory_space<hbm>>)
      tpu.yield
    }) : () -> ()
    %mul3A_50 = arith.constant 640 : i32
    %mul3A_51 = arith.muli %arg1, %mul3A_50 : i32
    %add3A_52 = arith.constant 384 : i32
    %add3A_53 = arith.addi %mul3A_51, %add3A_52 : i32
    "tpu.region"() ({
      %run_scoped3A = tpu.sem_alloc : memref<!tpu.dma_semaphore, #tpu.memory_space<semaphore_mem>>
      %dma_start3A = arith.constant 0 : i32
      %dma_start3A_58 = tpu.memref_slice %arg5[%arg0, %add3A_53, %dma_start3A] : memref<2x10240x128xf32, #tpu.memory_space<hbm>> -> memref<1x128x128xf32, #tpu.memory_space<hbm>>
      %dma_start3A_59 = tpu.memref_squeeze %dma_start3A_58 : memref<1x128x128xf32, #tpu.memory_space<hbm>> -> memref<128x128xf32, #tpu.memory_space<hbm>>
      %dma_start3A_60 = arith.constant 0 : i32
      %dma_start3A_61 = tpu.memref_slice %arg9[%add3A_53, %dma_start3A_60] : memref<10240x128xf32, #tpu.memory_space<vmem_shared>> -> memref<128x128xf32, #tpu.memory_space<vmem_shared>>
      tpu.enqueue_dma source(%dma_start3A_61 : memref<128x128xf32, #tpu.memory_space<vmem_shared>>) target(%dma_start3A_59 : memref<128x128xf32, #tpu.memory_space<hbm>>) target_semaphore(%run_scoped3A : memref<!tpu.dma_semaphore, #tpu.memory_space<semaphore_mem>>)
      %dma_wait3A = arith.constant 0 : i32
      %dma_wait3A_62 = tpu.memref_slice %arg5[%arg0, %add3A_53, %dma_wait3A] : memref<2x10240x128xf32, #tpu.memory_space<hbm>> -> memref<1x128x128xf32, #tpu.memory_space<hbm>>
      %dma_wait3A_63 = tpu.memref_squeeze %dma_wait3A_62 : memref<1x128x128xf32, #tpu.memory_space<hbm>> -> memref<128x128xf32, #tpu.memory_space<hbm>>
      %dma_wait3A_64 = arith.constant 0 : i32
      %dma_wait3A_65 = tpu.memref_slice %arg9[%add3A_53, %dma_wait3A_64] : memref<10240x128xf32, #tpu.memory_space<vmem_shared>> -> memref<128x128xf32, #tpu.memory_space<vmem_shared>>
      tpu.wait_dma2 semaphore(%run_scoped3A : memref<!tpu.dma_semaphore, #tpu.memory_space<semaphore_mem>>) src(%dma_wait3A_65 : memref<128x128xf32, #tpu.memory_space<vmem_shared>>) dst(%dma_wait3A_63 : memref<128x128xf32, #tpu.memory_space<hbm>>)
      tpu.yield
    }) : () -> ()
    %mul3A_54 = arith.constant 640 : i32
    %mul3A_55 = arith.muli %arg1, %mul3A_54 : i32
    %add3A_56 = arith.constant 512 : i32
    %add3A_57 = arith.addi %mul3A_55, %add3A_56 : i32
    "tpu.region"() ({
      %run_scoped3A = tpu.sem_alloc : memref<!tpu.dma_semaphore, #tpu.memory_space<semaphore_mem>>
      %dma_start3A = arith.constant 0 : i32
      %dma_start3A_58 = tpu.memref_slice %arg5[%arg0, %add3A_57, %dma_start3A] : memref<2x10240x128xf32, #tpu.memory_space<hbm>> -> memref<1x128x128xf32, #tpu.memory_space<hbm>>
      %dma_start3A_59 = tpu.memref_squeeze %dma_start3A_58 : memref<1x128x128xf32, #tpu.memory_space<hbm>> -> memref<128x128xf32, #tpu.memory_space<hbm>>
      %dma_start3A_60 = arith.constant 0 : i32
      %dma_start3A_61 = tpu.memref_slice %arg9[%add3A_57, %dma_start3A_60] : memref<10240x128xf32, #tpu.memory_space<vmem_shared>> -> memref<128x128xf32, #tpu.memory_space<vmem_shared>>
      tpu.enqueue_dma source(%dma_start3A_61 : memref<128x128xf32, #tpu.memory_space<vmem_shared>>) target(%dma_start3A_59 : memref<128x128xf32, #tpu.memory_space<hbm>>) target_semaphore(%run_scoped3A : memref<!tpu.dma_semaphore, #tpu.memory_space<semaphore_mem>>)
      %dma_wait3A = arith.constant 0 : i32
      %dma_wait3A_62 = tpu.memref_slice %arg5[%arg0, %add3A_57, %dma_wait3A] : memref<2x10240x128xf32, #tpu.memory_space<hbm>> -> memref<1x128x128xf32, #tpu.memory_space<hbm>>
      %dma_wait3A_63 = tpu.memref_squeeze %dma_wait3A_62 : memref<1x128x128xf32, #tpu.memory_space<hbm>> -> memref<128x128xf32, #tpu.memory_space<hbm>>
      %dma_wait3A_64 = arith.constant 0 : i32
      %dma_wait3A_65 = tpu.memref_slice %arg9[%add3A_57, %dma_wait3A_64] : memref<10240x128xf32, #tpu.memory_space<vmem_shared>> -> memref<128x128xf32, #tpu.memory_space<vmem_shared>>
      tpu.wait_dma2 semaphore(%run_scoped3A : memref<!tpu.dma_semaphore, #tpu.memory_space<semaphore_mem>>) src(%dma_wait3A_65 : memref<128x128xf32, #tpu.memory_space<vmem_shared>>) dst(%dma_wait3A_63 : memref<128x128xf32, #tpu.memory_space<hbm>>)
      tpu.yield
    }) : () -> ()
    return
  }
}

#map = affine_map<(d0, d1) -> (0, 0)>
#map1 = affine_map<(d0, d1) -> (0)>
#map2 = affine_map<(d0, d1) -> (0, 0, 0)>
module attributes {stable_mosaic.version = 14 : i64} {
  func.func @_agg(%arg0: i32, %arg1: i32, %arg2: memref<10240x128xf32, #tpu.memory_space<hbm>>, %arg3: memref<327808xi32, #tpu.memory_space<hbm>>, %arg4: memref<327808xi32, #tpu.memory_space<hbm>>, %arg5: memref<2x10240x128xf32, #tpu.memory_space<hbm>>, %arg6: memref<128xi32, #tpu.memory_space<vmem>>, %arg7: memref<128xi32, #tpu.memory_space<vmem>>, %arg8: memref<128x128xf32, #tpu.memory_space<vmem>>, %arg9: memref<10240x128xf32, #tpu.memory_space<vmem_shared>>) attributes {dimension_semantics = [#tpu.dimension_semantics<core_parallel>, #tpu.dimension_semantics<subcore_parallel>], iteration_bounds = array<i64: 2, 16>, scalar_prefetch = 0 : i64, scratch_operands = 4 : i64, tpu.core_type = #tpu.core_type<sc_vector_subcore>, window_params = [{transform_indices = #map}, {transform_indices = #map1}, {transform_indices = #map1}, {transform_indices = #map2}]} {
    %mul3A = arith.constant 2 : i32
    %mul3A_0 = arith.muli %arg1, %mul3A : i32
    %add3A = arith.addi %mul3A_0, %arg0 : i32
    %broadcast_in_dim3A = arith.constant 0.000000e+00 : f32
    %broadcast_in_dim3A_1 = vector.broadcast %broadcast_in_dim3A : f32 to vector<16xf32>
    %scan3A = arith.constant 0 : i32
    %scan3A_2 = arith.constant 0 : i32
    %scan3A_3 = arith.constant 1024 : i32
    %scan3A_4 = arith.addi %scan3A_2, %scan3A_3 : i32
    %scan3A_5 = arith.constant 1 : i32
    %scan3A_6 = scf.for %scan3A_58 = %scan3A_2 to %scan3A_4 step %scan3A_5 iter_args(%scan3A_59 = %scan3A) -> (i32)  : i32 {
      %jit3A = arith.constant 8 : i32
      %div3A = arith.divsi %scan3A_58, %jit3A : i32
      %sign3A = arith.constant 0 : i32
      %sign3A_60 = arith.cmpi sgt, %scan3A_58, %sign3A : i32
      %sign3A_61 = arith.extui %sign3A_60 : i1 to i32
      %sign3A_62 = arith.constant 0 : i32
      %sign3A_63 = arith.cmpi slt, %scan3A_58, %sign3A_62 : i32
      %sign3A_64 = arith.extui %sign3A_63 : i1 to i32
      %sign3A_65 = arith.subi %sign3A_61, %sign3A_64 : i32
      %sign3A_66 = arith.constant 0 : i32
      %sign3A_67 = arith.cmpi sgt, %jit3A, %sign3A_66 : i32
      %sign3A_68 = arith.extui %sign3A_67 : i1 to i32
      %sign3A_69 = arith.constant 0 : i32
      %sign3A_70 = arith.cmpi slt, %jit3A, %sign3A_69 : i32
      %sign3A_71 = arith.extui %sign3A_70 : i1 to i32
      %sign3A_72 = arith.subi %sign3A_68, %sign3A_71 : i32
      %ne3A = arith.cmpi ne, %sign3A_65, %sign3A_72 : i32
      %rem3A = arith.remsi %scan3A_58, %jit3A : i32
      %ne3A_73 = arith.constant 0 : i32
      %ne3A_74 = arith.cmpi ne, %rem3A, %ne3A_73 : i32
      %and3A = arith.andi %ne3A, %ne3A_74 : i1
      %sub3A = arith.constant 1 : i32
      %sub3A_75 = arith.subi %div3A, %sub3A : i32
      %select_n3A = arith.select %and3A, %sub3A_75, %div3A : i32
      %jit3A_76 = arith.constant 8 : i32
      %eq3A = arith.constant 0 : i32
      %eq3A_77 = arith.cmpi eq, %jit3A_76, %eq3A : i32
      %jit3A_78 = arith.constant 1 : i32
      %select_n3A_79 = arith.select %eq3A_77, %jit3A_78, %jit3A_76 : i32
      %rem3A_80 = arith.remsi %scan3A_58, %select_n3A_79 : i32
      %ne3A_81 = arith.constant 0 : i32
      %ne3A_82 = arith.cmpi ne, %rem3A_80, %ne3A_81 : i32
      %lt3A = arith.constant 0 : i32
      %lt3A_83 = arith.cmpi slt, %rem3A_80, %lt3A : i32
      %lt3A_84 = arith.constant 0 : i32
      %lt3A_85 = arith.cmpi slt, %select_n3A_79, %lt3A_84 : i32
      %ne3A_86 = arith.xori %lt3A_83, %lt3A_85 : i1
      %and3A_87 = arith.andi %ne3A_86, %ne3A_82 : i1
      %add3A_88 = arith.addi %rem3A_80, %select_n3A_79 : i32
      %select_n3A_89 = arith.select %and3A_87, %add3A_88, %rem3A_80 : i32
      %mul3A_90 = arith.constant 16 : i32
      %mul3A_91 = arith.muli %select_n3A_89, %mul3A_90 : i32
      %swap3A = arith.index_cast %select_n3A : i32 to index
      %swap3A_92 = arith.index_cast %mul3A_91 : i32 to index
      %swap3A_93 = tpu.vector_load %arg8[%swap3A, %swap3A_92] {strides = array<i32>} : memref<128x128xf32, #tpu.memory_space<vmem>>, vector<1x16xf32>,
      %swap3A_94 = vector.shape_cast %swap3A_93 : vector<1x16xf32> to vector<16xf32>
      %swap3A_95 = vector.shape_cast %broadcast_in_dim3A_1 : vector<16xf32> to vector<1x16xf32>
      tpu.vector_store %arg8[%swap3A, %swap3A_92], %swap3A_95 {strides = array<i32>} : memref<128x128xf32, #tpu.memory_space<vmem>>, vector<1x16xf32>,
      %scan3A_96 = arith.constant 0 : i32
      scf.yield %scan3A_96 : i32
    }
    %scan3A_7 = arith.constant 1024 : i32
    %mul3A_8 = arith.constant 640 : i32
    %mul3A_9 = arith.muli %arg1, %mul3A_8 : i32
    %add3A_10 = arith.constant 0 : i32
    %add3A_11 = arith.addi %mul3A_9, %add3A_10 : i32
    "tpu.region"() ({
      %run_scoped3A = tpu.sem_alloc : memref<!tpu.dma_semaphore, #tpu.memory_space<semaphore_mem>>
      %dma_start3A = arith.constant 0 : i32
      %dma_start3A_58 = tpu.memref_slice %arg9[%add3A_11, %dma_start3A] : memref<10240x128xf32, #tpu.memory_space<vmem_shared>> -> memref<128x128xf32, #tpu.memory_space<vmem_shared>>
      %dma_start3A_59 = arith.constant 0 : i32
      %dma_start3A_60 = tpu.memref_slice %arg9[%add3A_11, %dma_start3A_59] : memref<10240x128xf32, #tpu.memory_space<vmem_shared>> -> memref<128x128xf32, #tpu.memory_space<vmem_shared>>
      tpu.enqueue_dma source(%arg8 : memref<128x128xf32, #tpu.memory_space<vmem>>) target(%dma_start3A_60 : memref<128x128xf32, #tpu.memory_space<vmem_shared>>) target_semaphore(%run_scoped3A : memref<!tpu.dma_semaphore, #tpu.memory_space<semaphore_mem>>)
      %dma_wait3A = arith.constant 0 : i32
      %dma_wait3A_61 = tpu.memref_slice %arg9[%add3A_11, %dma_wait3A] : memref<10240x128xf32, #tpu.memory_space<vmem_shared>> -> memref<128x128xf32, #tpu.memory_space<vmem_shared>>
      %dma_wait3A_62 = arith.constant 0 : i32
      %dma_wait3A_63 = tpu.memref_slice %arg9[%add3A_11, %dma_wait3A_62] : memref<10240x128xf32, #tpu.memory_space<vmem_shared>> -> memref<128x128xf32, #tpu.memory_space<vmem_shared>>
      tpu.wait_dma2 semaphore(%run_scoped3A : memref<!tpu.dma_semaphore, #tpu.memory_space<semaphore_mem>>) src(%arg8 : memref<128x128xf32, #tpu.memory_space<vmem>>) dst(%dma_wait3A_63 : memref<128x128xf32, #tpu.memory_space<vmem_shared>>)
      tpu.yield
    }) : () -> ()
    %mul3A_12 = arith.constant 640 : i32
    %mul3A_13 = arith.muli %arg1, %mul3A_12 : i32
    %add3A_14 = arith.constant 128 : i32
    %add3A_15 = arith.addi %mul3A_13, %add3A_14 : i32
    "tpu.region"() ({
      %run_scoped3A = tpu.sem_alloc : memref<!tpu.dma_semaphore, #tpu.memory_space<semaphore_mem>>
      %dma_start3A = arith.constant 0 : i32
      %dma_start3A_58 = tpu.memref_slice %arg9[%add3A_15, %dma_start3A] : memref<10240x128xf32, #tpu.memory_space<vmem_shared>> -> memref<128x128xf32, #tpu.memory_space<vmem_shared>>
      %dma_start3A_59 = arith.constant 0 : i32
      %dma_start3A_60 = tpu.memref_slice %arg9[%add3A_15, %dma_start3A_59] : memref<10240x128xf32, #tpu.memory_space<vmem_shared>> -> memref<128x128xf32, #tpu.memory_space<vmem_shared>>
      tpu.enqueue_dma source(%arg8 : memref<128x128xf32, #tpu.memory_space<vmem>>) target(%dma_start3A_60 : memref<128x128xf32, #tpu.memory_space<vmem_shared>>) target_semaphore(%run_scoped3A : memref<!tpu.dma_semaphore, #tpu.memory_space<semaphore_mem>>)
      %dma_wait3A = arith.constant 0 : i32
      %dma_wait3A_61 = tpu.memref_slice %arg9[%add3A_15, %dma_wait3A] : memref<10240x128xf32, #tpu.memory_space<vmem_shared>> -> memref<128x128xf32, #tpu.memory_space<vmem_shared>>
      %dma_wait3A_62 = arith.constant 0 : i32
      %dma_wait3A_63 = tpu.memref_slice %arg9[%add3A_15, %dma_wait3A_62] : memref<10240x128xf32, #tpu.memory_space<vmem_shared>> -> memref<128x128xf32, #tpu.memory_space<vmem_shared>>
      tpu.wait_dma2 semaphore(%run_scoped3A : memref<!tpu.dma_semaphore, #tpu.memory_space<semaphore_mem>>) src(%arg8 : memref<128x128xf32, #tpu.memory_space<vmem>>) dst(%dma_wait3A_63 : memref<128x128xf32, #tpu.memory_space<vmem_shared>>)
      tpu.yield
    }) : () -> ()
    %mul3A_16 = arith.constant 640 : i32
    %mul3A_17 = arith.muli %arg1, %mul3A_16 : i32
    %add3A_18 = arith.constant 256 : i32
    %add3A_19 = arith.addi %mul3A_17, %add3A_18 : i32
    "tpu.region"() ({
      %run_scoped3A = tpu.sem_alloc : memref<!tpu.dma_semaphore, #tpu.memory_space<semaphore_mem>>
      %dma_start3A = arith.constant 0 : i32
      %dma_start3A_58 = tpu.memref_slice %arg9[%add3A_19, %dma_start3A] : memref<10240x128xf32, #tpu.memory_space<vmem_shared>> -> memref<128x128xf32, #tpu.memory_space<vmem_shared>>
      %dma_start3A_59 = arith.constant 0 : i32
      %dma_start3A_60 = tpu.memref_slice %arg9[%add3A_19, %dma_start3A_59] : memref<10240x128xf32, #tpu.memory_space<vmem_shared>> -> memref<128x128xf32, #tpu.memory_space<vmem_shared>>
      tpu.enqueue_dma source(%arg8 : memref<128x128xf32, #tpu.memory_space<vmem>>) target(%dma_start3A_60 : memref<128x128xf32, #tpu.memory_space<vmem_shared>>) target_semaphore(%run_scoped3A : memref<!tpu.dma_semaphore, #tpu.memory_space<semaphore_mem>>)
      %dma_wait3A = arith.constant 0 : i32
      %dma_wait3A_61 = tpu.memref_slice %arg9[%add3A_19, %dma_wait3A] : memref<10240x128xf32, #tpu.memory_space<vmem_shared>> -> memref<128x128xf32, #tpu.memory_space<vmem_shared>>
      %dma_wait3A_62 = arith.constant 0 : i32
      %dma_wait3A_63 = tpu.memref_slice %arg9[%add3A_19, %dma_wait3A_62] : memref<10240x128xf32, #tpu.memory_space<vmem_shared>> -> memref<128x128xf32, #tpu.memory_space<vmem_shared>>
      tpu.wait_dma2 semaphore(%run_scoped3A : memref<!tpu.dma_semaphore, #tpu.memory_space<semaphore_mem>>) src(%arg8 : memref<128x128xf32, #tpu.memory_space<vmem>>) dst(%dma_wait3A_63 : memref<128x128xf32, #tpu.memory_space<vmem_shared>>)
      tpu.yield
    }) : () -> ()
    %mul3A_20 = arith.constant 640 : i32
    %mul3A_21 = arith.muli %arg1, %mul3A_20 : i32
    %add3A_22 = arith.constant 384 : i32
    %add3A_23 = arith.addi %mul3A_21, %add3A_22 : i32
    "tpu.region"() ({
      %run_scoped3A = tpu.sem_alloc : memref<!tpu.dma_semaphore, #tpu.memory_space<semaphore_mem>>
      %dma_start3A = arith.constant 0 : i32
      %dma_start3A_58 = tpu.memref_slice %arg9[%add3A_23, %dma_start3A] : memref<10240x128xf32, #tpu.memory_space<vmem_shared>> -> memref<128x128xf32, #tpu.memory_space<vmem_shared>>
      %dma_start3A_59 = arith.constant 0 : i32
      %dma_start3A_60 = tpu.memref_slice %arg9[%add3A_23, %dma_start3A_59] : memref<10240x128xf32, #tpu.memory_space<vmem_shared>> -> memref<128x128xf32, #tpu.memory_space<vmem_shared>>
      tpu.enqueue_dma source(%arg8 : memref<128x128xf32, #tpu.memory_space<vmem>>) target(%dma_start3A_60 : memref<128x128xf32, #tpu.memory_space<vmem_shared>>) target_semaphore(%run_scoped3A : memref<!tpu.dma_semaphore, #tpu.memory_space<semaphore_mem>>)
      %dma_wait3A = arith.constant 0 : i32
      %dma_wait3A_61 = tpu.memref_slice %arg9[%add3A_23, %dma_wait3A] : memref<10240x128xf32, #tpu.memory_space<vmem_shared>> -> memref<128x128xf32, #tpu.memory_space<vmem_shared>>
      %dma_wait3A_62 = arith.constant 0 : i32
      %dma_wait3A_63 = tpu.memref_slice %arg9[%add3A_23, %dma_wait3A_62] : memref<10240x128xf32, #tpu.memory_space<vmem_shared>> -> memref<128x128xf32, #tpu.memory_space<vmem_shared>>
      tpu.wait_dma2 semaphore(%run_scoped3A : memref<!tpu.dma_semaphore, #tpu.memory_space<semaphore_mem>>) src(%arg8 : memref<128x128xf32, #tpu.memory_space<vmem>>) dst(%dma_wait3A_63 : memref<128x128xf32, #tpu.memory_space<vmem_shared>>)
      tpu.yield
    }) : () -> ()
    %mul3A_24 = arith.constant 640 : i32
    %mul3A_25 = arith.muli %arg1, %mul3A_24 : i32
    %add3A_26 = arith.constant 512 : i32
    %add3A_27 = arith.addi %mul3A_25, %add3A_26 : i32
    "tpu.region"() ({
      %run_scoped3A = tpu.sem_alloc : memref<!tpu.dma_semaphore, #tpu.memory_space<semaphore_mem>>
      %dma_start3A = arith.constant 0 : i32
      %dma_start3A_58 = tpu.memref_slice %arg9[%add3A_27, %dma_start3A] : memref<10240x128xf32, #tpu.memory_space<vmem_shared>> -> memref<128x128xf32, #tpu.memory_space<vmem_shared>>
      %dma_start3A_59 = arith.constant 0 : i32
      %dma_start3A_60 = tpu.memref_slice %arg9[%add3A_27, %dma_start3A_59] : memref<10240x128xf32, #tpu.memory_space<vmem_shared>> -> memref<128x128xf32, #tpu.memory_space<vmem_shared>>
      tpu.enqueue_dma source(%arg8 : memref<128x128xf32, #tpu.memory_space<vmem>>) target(%dma_start3A_60 : memref<128x128xf32, #tpu.memory_space<vmem_shared>>) target_semaphore(%run_scoped3A : memref<!tpu.dma_semaphore, #tpu.memory_space<semaphore_mem>>)
      %dma_wait3A = arith.constant 0 : i32
      %dma_wait3A_61 = tpu.memref_slice %arg9[%add3A_27, %dma_wait3A] : memref<10240x128xf32, #tpu.memory_space<vmem_shared>> -> memref<128x128xf32, #tpu.memory_space<vmem_shared>>
      %dma_wait3A_62 = arith.constant 0 : i32
      %dma_wait3A_63 = tpu.memref_slice %arg9[%add3A_27, %dma_wait3A_62] : memref<10240x128xf32, #tpu.memory_space<vmem_shared>> -> memref<128x128xf32, #tpu.memory_space<vmem_shared>>
      tpu.wait_dma2 semaphore(%run_scoped3A : memref<!tpu.dma_semaphore, #tpu.memory_space<semaphore_mem>>) src(%arg8 : memref<128x128xf32, #tpu.memory_space<vmem>>) dst(%dma_wait3A_63 : memref<128x128xf32, #tpu.memory_space<vmem_shared>>)
      tpu.yield
    }) : () -> ()
    %barrier3A = arith.constant 0 : index
    tpu.barrier barrier_id(%barrier3A)
    %mul3A_28 = arith.constant 10240 : i32
    %mul3A_29 = arith.muli %add3A, %mul3A_28 : i32
    %scan3A_30 = arith.constant 0 : i32
    %scan3A_31 = arith.constant 0 : i32
    %scan3A_32 = arith.constant 80 : i32
    %scan3A_33 = arith.addi %scan3A_31, %scan3A_32 : i32
    %scan3A_34 = arith.constant 1 : i32
    %scan3A_35 = scf.for %scan3A_58 = %scan3A_31 to %scan3A_33 step %scan3A_34 iter_args(%scan3A_59 = %scan3A_30) -> (i32)  : i32 {
      %mul3A_60 = arith.constant 128 : i32
      %mul3A_61 = arith.muli %scan3A_58, %mul3A_60 : i32
      %add3A_62 = arith.addi %mul3A_29, %mul3A_61 : i32
      "tpu.region"() ({
        %run_scoped3A = tpu.sem_alloc : memref<!tpu.dma_semaphore, #tpu.memory_space<semaphore_mem>>
        %dma_start3A = tpu.memref_slice %arg3[%add3A_62] : memref<327808xi32, #tpu.memory_space<hbm>> -> memref<128xi32, #tpu.memory_space<hbm>>
        %dma_start3A_64 = tpu.memref_slice %arg3[%add3A_62] : memref<327808xi32, #tpu.memory_space<hbm>> -> memref<128xi32, #tpu.memory_space<hbm>>
        tpu.enqueue_dma source(%dma_start3A_64 : memref<128xi32, #tpu.memory_space<hbm>>) target(%arg6 : memref<128xi32, #tpu.memory_space<vmem>>) target_semaphore(%run_scoped3A : memref<!tpu.dma_semaphore, #tpu.memory_space<semaphore_mem>>)
        %dma_wait3A = tpu.memref_slice %arg3[%add3A_62] : memref<327808xi32, #tpu.memory_space<hbm>> -> memref<128xi32, #tpu.memory_space<hbm>>
        %dma_wait3A_65 = tpu.memref_slice %arg3[%add3A_62] : memref<327808xi32, #tpu.memory_space<hbm>> -> memref<128xi32, #tpu.memory_space<hbm>>
        tpu.wait_dma2 semaphore(%run_scoped3A : memref<!tpu.dma_semaphore, #tpu.memory_space<semaphore_mem>>) src(%dma_wait3A_65 : memref<128xi32, #tpu.memory_space<hbm>>) dst(%arg6 : memref<128xi32, #tpu.memory_space<vmem>>)
        tpu.yield
      }) : () -> ()
      "tpu.region"() ({
        %run_scoped3A = tpu.sem_alloc : memref<!tpu.dma_semaphore, #tpu.memory_space<semaphore_mem>>
        %dma_start3A = tpu.memref_slice %arg4[%add3A_62] : memref<327808xi32, #tpu.memory_space<hbm>> -> memref<128xi32, #tpu.memory_space<hbm>>
        %dma_start3A_64 = tpu.memref_slice %arg4[%add3A_62] : memref<327808xi32, #tpu.memory_space<hbm>> -> memref<128xi32, #tpu.memory_space<hbm>>
        tpu.enqueue_dma source(%dma_start3A_64 : memref<128xi32, #tpu.memory_space<hbm>>) target(%arg7 : memref<128xi32, #tpu.memory_space<vmem>>) target_semaphore(%run_scoped3A : memref<!tpu.dma_semaphore, #tpu.memory_space<semaphore_mem>>)
        %dma_wait3A = tpu.memref_slice %arg4[%add3A_62] : memref<327808xi32, #tpu.memory_space<hbm>> -> memref<128xi32, #tpu.memory_space<hbm>>
        %dma_wait3A_65 = tpu.memref_slice %arg4[%add3A_62] : memref<327808xi32, #tpu.memory_space<hbm>> -> memref<128xi32, #tpu.memory_space<hbm>>
        tpu.wait_dma2 semaphore(%run_scoped3A : memref<!tpu.dma_semaphore, #tpu.memory_space<semaphore_mem>>) src(%dma_wait3A_65 : memref<128xi32, #tpu.memory_space<hbm>>) dst(%arg7 : memref<128xi32, #tpu.memory_space<vmem>>)
        tpu.yield
      }) : () -> ()
      "tpu.region"() ({
        %run_scoped3A = tpu.sem_alloc : memref<!tpu.dma_semaphore, #tpu.memory_space<semaphore_mem>>
        %dma_start3A = arith.constant 0 : i32
        %dma_start3A_64 = arith.constant 0 : i32
        %dma_start3A_65 = tpu.memref_slice %arg2[%dma_start3A, %dma_start3A_64] : memref<10240x128xf32, #tpu.memory_space<hbm>> -> memref<10240x128xf32, #tpu.memory_space<hbm>>
        tpu.enqueue_indirect_dma source(%dma_start3A_65 : memref<10240x128xf32, #tpu.memory_space<hbm>>) target(%arg8 : memref<128x128xf32, #tpu.memory_space<vmem>>) offsets(%arg6 : memref<128xi32, #tpu.memory_space<vmem>>) semaphore(%run_scoped3A : memref<!tpu.dma_semaphore, #tpu.memory_space<semaphore_mem>>)
        %dma_wait3A = arith.constant 0 : i32
        %dma_wait3A_66 = arith.constant 0 : i32
        %dma_wait3A_67 = tpu.memref_slice %arg2[%dma_wait3A, %dma_wait3A_66] : memref<10240x128xf32, #tpu.memory_space<hbm>> -> memref<10240x128xf32, #tpu.memory_space<hbm>>
        tpu.wait_indirect_dma semaphore(%run_scoped3A : memref<!tpu.dma_semaphore, #tpu.memory_space<semaphore_mem>>) src(%dma_wait3A_67 : memref<10240x128xf32, #tpu.memory_space<hbm>>) dst(%arg8 : memref<128x128xf32, #tpu.memory_space<vmem>>)
        tpu.yield
      }) : () -> ()
      "tpu.region"() ({
        %run_scoped3A = tpu.sem_alloc : memref<!tpu.dma_semaphore, #tpu.memory_space<semaphore_mem>>
        %dma_start3A = arith.constant 0 : i32
        %dma_start3A_64 = arith.constant 0 : i32
        %dma_start3A_65 = tpu.memref_slice %arg9[%dma_start3A, %dma_start3A_64] : memref<10240x128xf32, #tpu.memory_space<vmem_shared>> -> memref<10240x128xf32, #tpu.memory_space<vmem_shared>>
        tpu.enqueue_indirect_dma source(%arg8 : memref<128x128xf32, #tpu.memory_space<vmem>>) target(%dma_start3A_65 : memref<10240x128xf32, #tpu.memory_space<vmem_shared>>) offsets(%arg7 : memref<128xi32, #tpu.memory_space<vmem>>) semaphore(%run_scoped3A : memref<!tpu.dma_semaphore, #tpu.memory_space<semaphore_mem>>) {add = true}
        %dma_wait3A = arith.constant 0 : i32
        %dma_wait3A_66 = arith.constant 0 : i32
        %dma_wait3A_67 = tpu.memref_slice %arg9[%dma_wait3A, %dma_wait3A_66] : memref<10240x128xf32, #tpu.memory_space<vmem_shared>> -> memref<10240x128xf32, #tpu.memory_space<vmem_shared>>
        tpu.wait_indirect_dma semaphore(%run_scoped3A : memref<!tpu.dma_semaphore, #tpu.memory_space<semaphore_mem>>) src(%arg8 : memref<128x128xf32, #tpu.memory_space<vmem>>) dst(%dma_wait3A_67 : memref<10240x128xf32, #tpu.memory_space<vmem_shared>>)
        tpu.yield
      }) : () -> ()
      %scan3A_63 = arith.constant 0 : i32
      scf.yield %scan3A_63 : i32
    }
    %scan3A_36 = arith.constant 80 : i32
    %barrier3A_37 = arith.constant 0 : index
    tpu.barrier barrier_id(%barrier3A_37)
    %mul3A_38 = arith.constant 640 : i32
    %mul3A_39 = arith.muli %arg1, %mul3A_38 : i32
    %add3A_40 = arith.constant 0 : i32
    %add3A_41 = arith.addi %mul3A_39, %add3A_40 : i32
    "tpu.region"() ({
      %run_scoped3A = tpu.sem_alloc : memref<!tpu.dma_semaphore, #tpu.memory_space<semaphore_mem>>
      %dma_start3A = arith.constant 0 : i32
      %dma_start3A_58 = tpu.memref_slice %arg5[%arg0, %add3A_41, %dma_start3A] : memref<2x10240x128xf32, #tpu.memory_space<hbm>> -> memref<1x128x128xf32, #tpu.memory_space<hbm>>
      %dma_start3A_59 = tpu.memref_squeeze %dma_start3A_58 : memref<1x128x128xf32, #tpu.memory_space<hbm>> -> memref<128x128xf32, #tpu.memory_space<hbm>>
      %dma_start3A_60 = arith.constant 0 : i32
      %dma_start3A_61 = tpu.memref_slice %arg9[%add3A_41, %dma_start3A_60] : memref<10240x128xf32, #tpu.memory_space<vmem_shared>> -> memref<128x128xf32, #tpu.memory_space<vmem_shared>>
      tpu.enqueue_dma source(%dma_start3A_61 : memref<128x128xf32, #tpu.memory_space<vmem_shared>>) target(%dma_start3A_59 : memref<128x128xf32, #tpu.memory_space<hbm>>) target_semaphore(%run_scoped3A : memref<!tpu.dma_semaphore, #tpu.memory_space<semaphore_mem>>)
      %dma_wait3A = arith.constant 0 : i32
      %dma_wait3A_62 = tpu.memref_slice %arg5[%arg0, %add3A_41, %dma_wait3A] : memref<2x10240x128xf32, #tpu.memory_space<hbm>> -> memref<1x128x128xf32, #tpu.memory_space<hbm>>
      %dma_wait3A_63 = tpu.memref_squeeze %dma_wait3A_62 : memref<1x128x128xf32, #tpu.memory_space<hbm>> -> memref<128x128xf32, #tpu.memory_space<hbm>>
      %dma_wait3A_64 = arith.constant 0 : i32
      %dma_wait3A_65 = tpu.memref_slice %arg9[%add3A_41, %dma_wait3A_64] : memref<10240x128xf32, #tpu.memory_space<vmem_shared>> -> memref<128x128xf32, #tpu.memory_space<vmem_shared>>
      tpu.wait_dma2 semaphore(%run_scoped3A : memref<!tpu.dma_semaphore, #tpu.memory_space<semaphore_mem>>) src(%dma_wait3A_65 : memref<128x128xf32, #tpu.memory_space<vmem_shared>>) dst(%dma_wait3A_63 : memref<128x128xf32, #tpu.memory_space<hbm>>)
      tpu.yield
    }) : () -> ()
    %mul3A_42 = arith.constant 640 : i32
    %mul3A_43 = arith.muli %arg1, %mul3A_42 : i32
    %add3A_44 = arith.constant 128 : i32
    %add3A_45 = arith.addi %mul3A_43, %add3A_44 : i32
    "tpu.region"() ({
      %run_scoped3A = tpu.sem_alloc : memref<!tpu.dma_semaphore, #tpu.memory_space<semaphore_mem>>
      %dma_start3A = arith.constant 0 : i32
      %dma_start3A_58 = tpu.memref_slice %arg5[%arg0, %add3A_45, %dma_start3A] : memref<2x10240x128xf32, #tpu.memory_space<hbm>> -> memref<1x128x128xf32, #tpu.memory_space<hbm>>
      %dma_start3A_59 = tpu.memref_squeeze %dma_start3A_58 : memref<1x128x128xf32, #tpu.memory_space<hbm>> -> memref<128x128xf32, #tpu.memory_space<hbm>>
      %dma_start3A_60 = arith.constant 0 : i32
      %dma_start3A_61 = tpu.memref_slice %arg9[%add3A_45, %dma_start3A_60] : memref<10240x128xf32, #tpu.memory_space<vmem_shared>> -> memref<128x128xf32, #tpu.memory_space<vmem_shared>>
      tpu.enqueue_dma source(%dma_start3A_61 : memref<128x128xf32, #tpu.memory_space<vmem_shared>>) target(%dma_start3A_59 : memref<128x128xf32, #tpu.memory_space<hbm>>) target_semaphore(%run_scoped3A : memref<!tpu.dma_semaphore, #tpu.memory_space<semaphore_mem>>)
      %dma_wait3A = arith.constant 0 : i32
      %dma_wait3A_62 = tpu.memref_slice %arg5[%arg0, %add3A_45, %dma_wait3A] : memref<2x10240x128xf32, #tpu.memory_space<hbm>> -> memref<1x128x128xf32, #tpu.memory_space<hbm>>
      %dma_wait3A_63 = tpu.memref_squeeze %dma_wait3A_62 : memref<1x128x128xf32, #tpu.memory_space<hbm>> -> memref<128x128xf32, #tpu.memory_space<hbm>>
      %dma_wait3A_64 = arith.constant 0 : i32
      %dma_wait3A_65 = tpu.memref_slice %arg9[%add3A_45, %dma_wait3A_64] : memref<10240x128xf32, #tpu.memory_space<vmem_shared>> -> memref<128x128xf32, #tpu.memory_space<vmem_shared>>
      tpu.wait_dma2 semaphore(%run_scoped3A : memref<!tpu.dma_semaphore, #tpu.memory_space<semaphore_mem>>) src(%dma_wait3A_65 : memref<128x128xf32, #tpu.memory_space<vmem_shared>>) dst(%dma_wait3A_63 : memref<128x128xf32, #tpu.memory_space<hbm>>)
      tpu.yield
    }) : () -> ()
    %mul3A_46 = arith.constant 640 : i32
    %mul3A_47 = arith.muli %arg1, %mul3A_46 : i32
    %add3A_48 = arith.constant 256 : i32
    %add3A_49 = arith.addi %mul3A_47, %add3A_48 : i32
    "tpu.region"() ({
      %run_scoped3A = tpu.sem_alloc : memref<!tpu.dma_semaphore, #tpu.memory_space<semaphore_mem>>
      %dma_start3A = arith.constant 0 : i32
      %dma_start3A_58 = tpu.memref_slice %arg5[%arg0, %add3A_49, %dma_start3A] : memref<2x10240x128xf32, #tpu.memory_space<hbm>> -> memref<1x128x128xf32, #tpu.memory_space<hbm>>
      %dma_start3A_59 = tpu.memref_squeeze %dma_start3A_58 : memref<1x128x128xf32, #tpu.memory_space<hbm>> -> memref<128x128xf32, #tpu.memory_space<hbm>>
      %dma_start3A_60 = arith.constant 0 : i32
      %dma_start3A_61 = tpu.memref_slice %arg9[%add3A_49, %dma_start3A_60] : memref<10240x128xf32, #tpu.memory_space<vmem_shared>> -> memref<128x128xf32, #tpu.memory_space<vmem_shared>>
      tpu.enqueue_dma source(%dma_start3A_61 : memref<128x128xf32, #tpu.memory_space<vmem_shared>>) target(%dma_start3A_59 : memref<128x128xf32, #tpu.memory_space<hbm>>) target_semaphore(%run_scoped3A : memref<!tpu.dma_semaphore, #tpu.memory_space<semaphore_mem>>)
      %dma_wait3A = arith.constant 0 : i32
      %dma_wait3A_62 = tpu.memref_slice %arg5[%arg0, %add3A_49, %dma_wait3A] : memref<2x10240x128xf32, #tpu.memory_space<hbm>> -> memref<1x128x128xf32, #tpu.memory_space<hbm>>
      %dma_wait3A_63 = tpu.memref_squeeze %dma_wait3A_62 : memref<1x128x128xf32, #tpu.memory_space<hbm>> -> memref<128x128xf32, #tpu.memory_space<hbm>>
      %dma_wait3A_64 = arith.constant 0 : i32
      %dma_wait3A_65 = tpu.memref_slice %arg9[%add3A_49, %dma_wait3A_64] : memref<10240x128xf32, #tpu.memory_space<vmem_shared>> -> memref<128x128xf32, #tpu.memory_space<vmem_shared>>
      tpu.wait_dma2 semaphore(%run_scoped3A : memref<!tpu.dma_semaphore, #tpu.memory_space<semaphore_mem>>) src(%dma_wait3A_65 : memref<128x128xf32, #tpu.memory_space<vmem_shared>>) dst(%dma_wait3A_63 : memref<128x128xf32, #tpu.memory_space<hbm>>)
      tpu.yield
    }) : () -> ()
    %mul3A_50 = arith.constant 640 : i32
    %mul3A_51 = arith.muli %arg1, %mul3A_50 : i32
    %add3A_52 = arith.constant 384 : i32
    %add3A_53 = arith.addi %mul3A_51, %add3A_52 : i32
    "tpu.region"() ({
      %run_scoped3A = tpu.sem_alloc : memref<!tpu.dma_semaphore, #tpu.memory_space<semaphore_mem>>
      %dma_start3A = arith.constant 0 : i32
      %dma_start3A_58 = tpu.memref_slice %arg5[%arg0, %add3A_53, %dma_start3A] : memref<2x10240x128xf32, #tpu.memory_space<hbm>> -> memref<1x128x128xf32, #tpu.memory_space<hbm>>
      %dma_start3A_59 = tpu.memref_squeeze %dma_start3A_58 : memref<1x128x128xf32, #tpu.memory_space<hbm>> -> memref<128x128xf32, #tpu.memory_space<hbm>>
      %dma_start3A_60 = arith.constant 0 : i32
      %dma_start3A_61 = tpu.memref_slice %arg9[%add3A_53, %dma_start3A_60] : memref<10240x128xf32, #tpu.memory_space<vmem_shared>> -> memref<128x128xf32, #tpu.memory_space<vmem_shared>>
      tpu.enqueue_dma source(%dma_start3A_61 : memref<128x128xf32, #tpu.memory_space<vmem_shared>>) target(%dma_start3A_59 : memref<128x128xf32, #tpu.memory_space<hbm>>) target_semaphore(%run_scoped3A : memref<!tpu.dma_semaphore, #tpu.memory_space<semaphore_mem>>)
      %dma_wait3A = arith.constant 0 : i32
      %dma_wait3A_62 = tpu.memref_slice %arg5[%arg0, %add3A_53, %dma_wait3A] : memref<2x10240x128xf32, #tpu.memory_space<hbm>> -> memref<1x128x128xf32, #tpu.memory_space<hbm>>
      %dma_wait3A_63 = tpu.memref_squeeze %dma_wait3A_62 : memref<1x128x128xf32, #tpu.memory_space<hbm>> -> memref<128x128xf32, #tpu.memory_space<hbm>>
      %dma_wait3A_64 = arith.constant 0 : i32
      %dma_wait3A_65 = tpu.memref_slice %arg9[%add3A_53, %dma_wait3A_64] : memref<10240x128xf32, #tpu.memory_space<vmem_shared>> -> memref<128x128xf32, #tpu.memory_space<vmem_shared>>
      tpu.wait_dma2 semaphore(%run_scoped3A : memref<!tpu.dma_semaphore, #tpu.memory_space<semaphore_mem>>) src(%dma_wait3A_65 : memref<128x128xf32, #tpu.memory_space<vmem_shared>>) dst(%dma_wait3A_63 : memref<128x128xf32, #tpu.memory_space<hbm>>)
      tpu.yield
    }) : () -> ()
    %mul3A_54 = arith.constant 640 : i32
    %mul3A_55 = arith.muli %arg1, %mul3A_54 : i32
    %add3A_56 = arith.constant 512 : i32
    %add3A_57 = arith.addi %mul3A_55, %add3A_56 : i32
    "tpu.region"() ({
      %run_scoped3A = tpu.sem_alloc : memref<!tpu.dma_semaphore, #tpu.memory_space<semaphore_mem>>
      %dma_start3A = arith.constant 0 : i32
      %dma_start3A_58 = tpu.memref_slice %arg5[%arg0, %add3A_57, %dma_start3A] : memref<2x10240x128xf32, #tpu.memory_space<hbm>> -> memref<1x128x128xf32, #tpu.memory_space<hbm>>
      %dma_start3A_59 = tpu.memref_squeeze %dma_start3A_58 : memref<1x128x128xf32, #tpu.memory_space<hbm>> -> memref<128x128xf32, #tpu.memory_space<hbm>>
      %dma_start3A_60 = arith.constant 0 : i32
      %dma_start3A_61 = tpu.memref_slice %arg9[%add3A_57, %dma_start3A_60] : memref<10240x128xf32, #tpu.memory_space<vmem_shared>> -> memref<128x128xf32, #tpu.memory_space<vmem_shared>>
      tpu.enqueue_dma source(%dma_start3A_61 : memref<128x128xf32, #tpu.memory_space<vmem_shared>>) target(%dma_start3A_59 : memref<128x128xf32, #tpu.memory_space<hbm>>) target_semaphore(%run_scoped3A : memref<!tpu.dma_semaphore, #tpu.memory_space<semaphore_mem>>)
      %dma_wait3A = arith.constant 0 : i32
      %dma_wait3A_62 = tpu.memref_slice %arg5[%arg0, %add3A_57, %dma_wait3A] : memref<2x10240x128xf32, #tpu.memory_space<hbm>> -> memref<1x128x128xf32, #tpu.memory_space<hbm>>
      %dma_wait3A_63 = tpu.memref_squeeze %dma_wait3A_62 : memref<1x128x128xf32, #tpu.memory_space<hbm>> -> memref<128x128xf32, #tpu.memory_space<hbm>>
      %dma_wait3A_64 = arith.constant 0 : i32
      %dma_wait3A_65 = tpu.memref_slice %arg9[%add3A_57, %dma_wait3A_64] : memref<10240x128xf32, #tpu.memory_space<vmem_shared>> -> memref<128x128xf32, #tpu.memory_space<vmem_shared>>
      tpu.wait_dma2 semaphore(%run_scoped3A : memref<!tpu.dma_semaphore, #tpu.memory_space<semaphore_mem>>) src(%dma_wait3A_65 : memref<128x128xf32, #tpu.memory_space<vmem_shared>>) dst(%dma_wait3A_63 : memref<128x128xf32, #tpu.memory_space<hbm>>)
      tpu.yield
    }) : () -> ()
    return
  }
}

module attributes {stable_mosaic.version = 14 : i64} {
  func.func @_b0_body(%arg0: i32, %arg1: memref<256x128xf32, #tpu.memory_space<vmem>>, %arg2: memref<2x256xf32, #tpu.memory_space<vmem>>, %arg3: memref<128x128xf32, #tpu.memory_space<vmem>>, %arg4: memref<1x128xf32, #tpu.memory_space<vmem>>, %arg5: memref<256x128xf32, #tpu.memory_space<vmem>>) attributes {dimension_semantics = [#tpu.dimension_semantics<arbitrary>], iteration_bounds = array<i64: 40>, scalar_prefetch = 0 : i64, scratch_operands = 0 : i64, tpu.core_type = #tpu.core_type<tc>, window_params = [{transform_indices = @transform_0, window_bounds = array<i64: 256, 128>}, {transform_indices = @transform_1, window_bounds = array<i64: 2, 256>}, {pipeline_mode = #tpu.pipeline_mode<synchronous>, transform_indices = @transform_2, window_bounds = array<i64: 128, 128>}, {pipeline_mode = #tpu.pipeline_mode<synchronous>, transform_indices = @transform_3, window_bounds = array<i64: 1, 128>}, {transform_indices = @transform_4, window_bounds = array<i64: 256, 128>}]} {
    %get3A = arith.constant 0 : index
    %get3A_0 = arith.constant 0 : index
    %get3A_1 = vector.load %arg2[%get3A, %get3A_0] : memref<2x256xf32, #tpu.memory_space<vmem>>, vector<1x256xf32>
    %get3A_2 = vector.shape_cast %get3A_1 : vector<1x256xf32> to vector<256xf32>
    %get3A_3 = arith.constant 1 : index
    %get3A_4 = arith.constant 0 : index
    %get3A_5 = vector.load %arg2[%get3A_3, %get3A_4] : memref<2x256xf32, #tpu.memory_space<vmem>>, vector<1x256xf32>
    %get3A_6 = vector.shape_cast %get3A_5 : vector<1x256xf32> to vector<256xf32>
    %add3A = arith.addf %get3A_2, %get3A_6 : vector<256xf32>
    %add3A_7 = arith.constant 1.000000e+00 : f32
    %add3A_8 = vector.broadcast %add3A_7 : f32 to vector<256xf32>
    %add3A_9 = arith.addf %add3A, %add3A_8 : vector<256xf32>
    %rsqrt3A = math.rsqrt %add3A_9 : vector<256xf32>
    %get3A_10 = arith.constant 0 : index
    %get3A_11 = arith.constant 0 : index
    %get3A_12 = vector.load %arg1[%get3A_10, %get3A_11] : memref<256x128xf32, #tpu.memory_space<vmem>>, vector<256x128xf32>
    %get3A_13 = arith.constant 0 : index
    %get3A_14 = arith.constant 0 : index
    %get3A_15 = vector.load %arg3[%get3A_13, %get3A_14] : memref<128x128xf32, #tpu.memory_space<vmem>>, vector<128x128xf32>
    %dot_general3A = arith.constant dense<0.000000e+00> : vector<256x128xf32>
    %dot_general3A_16 = tpu.matmul %get3A_12, %get3A_15, %dot_general3A {dimension_numbers = #tpu.dot_dimension_numbers<[1], [0], [0], [1], [0, 0, 1, 1], [], []>, transpose_lhs_hint = false} : vector<256x128xf32>, vector<128x128xf32>, vector<256x128xf32> -> vector<256x128xf32>
    %get3A_17 = arith.constant 0 : index
    %get3A_18 = arith.constant 0 : index
    %get3A_19 = vector.load %arg4[%get3A_17, %get3A_18] : memref<1x128xf32, #tpu.memory_space<vmem>>, vector<1x128xf32>
    %add3A_20 = vector.broadcast %get3A_19 : vector<1x128xf32> to vector<256x128xf32>
    %add3A_21 = arith.addf %dot_general3A_16, %add3A_20 : vector<256x128xf32>
    %mul3A = arith.constant 256 : i32
    %mul3A_22 = arith.muli %arg0, %mul3A : i32
    %iota3A = tpu.iota {dimensions = array<i32: 0>} : vector<256x1xi32>
    %add3A_23 = vector.broadcast %mul3A_22 : i32 to vector<256x1xi32>
    %add3A_24 = arith.addi %add3A_23, %iota3A : vector<256x1xi32>
    %lt3A = arith.constant 10000 : i32
    %lt3A_25 = vector.broadcast %lt3A : i32 to vector<256x1xi32>
    %lt3A_26 = arith.cmpi slt, %add3A_24, %lt3A_25 : vector<256x1xi32>
    %broadcast_in_dim3A = vector.shape_cast %rsqrt3A : vector<256xf32> to vector<256x1xf32>
    %mul3A_27 = vector.broadcast %broadcast_in_dim3A : vector<256x1xf32> to vector<256x128xf32>
    %mul3A_28 = arith.mulf %mul3A_27, %add3A_21 : vector<256x128xf32>
    %jit3A = arith.constant 0.000000e+00 : f32
    %broadcast_in_dim3A_29 = vector.shape_cast %lt3A_26 : vector<256x1xi1> to vector<256x1xi1>
    %broadcast_in_dim3A_30 = vector.broadcast %broadcast_in_dim3A_29 : vector<256x1xi1> to vector<256x128xi1>
    %broadcast_in_dim3A_31 = vector.broadcast %jit3A : f32 to vector<256x128xf32>
    %select_n3A = arith.select %broadcast_in_dim3A_30, %mul3A_28, %broadcast_in_dim3A_31 : vector<256x128xi1>, vector<256x128xf32>
    %swap3A = arith.constant 0 : index
    %swap3A_32 = arith.constant 0 : index
    %swap3A_33 = vector.load %arg5[%swap3A, %swap3A_32] : memref<256x128xf32, #tpu.memory_space<vmem>>, vector<256x128xf32>
    tpu.vector_store %arg5[%swap3A, %swap3A_32], %select_n3A {strides = array<i32>} : memref<256x128xf32, #tpu.memory_space<vmem>>, vector<256x128xf32>,
    return
  }
  func.func @transform_0(%arg0: i32) -> (i32, i32) {
    %c0_i32 = arith.constant 0 : i32
    %c0_i32_0 = arith.constant 0 : i32
    return %arg0, %c0_i32 : i32, i32
  }
  func.func @transform_1(%arg0: i32) -> (i32, i32) {
    %c0_i32 = arith.constant 0 : i32
    %c0_i32_0 = arith.constant 0 : i32
    return %c0_i32, %arg0 : i32, i32
  }
  func.func @transform_2(%arg0: i32) -> (i32, i32) {
    %c0_i32 = arith.constant 0 : i32
    %c0_i32_0 = arith.constant 0 : i32
    %c0_i32_1 = arith.constant 0 : i32
    return %c0_i32, %c0_i32_0 : i32, i32
  }
  func.func @transform_3(%arg0: i32) -> (i32, i32) {
    %c0_i32 = arith.constant 0 : i32
    %c0_i32_0 = arith.constant 0 : i32
    %c0_i32_1 = arith.constant 0 : i32
    return %c0_i32, %c0_i32_0 : i32, i32
  }
  func.func @transform_4(%arg0: i32) -> (i32, i32) {
    %c0_i32 = arith.constant 0 : i32
    %c0_i32_0 = arith.constant 0 : i32
    return %arg0, %c0_i32 : i32, i32
  }
}

module attributes {stable_mosaic.version = 14 : i64} {
  func.func @_fin_body(%arg0: i32, %arg1: memref<2x256x128xf32, #tpu.memory_space<vmem>>, %arg2: memref<256x128xf32, #tpu.memory_space<vmem>>, %arg3: memref<2x256xf32, #tpu.memory_space<vmem>>, %arg4: memref<1x128xf32, #tpu.memory_space<vmem>>, %arg5: memref<1x128xf32, #tpu.memory_space<vmem>>, %arg6: memref<128x64xf32, #tpu.memory_space<vmem>>, %arg7: memref<1x64xf32, #tpu.memory_space<vmem>>, %arg8: memref<1x64xf32, #tpu.memory_space<vmem>>, %arg9: memref<1x64xf32, #tpu.memory_space<vmem>>, %arg10: memref<1x64xf32, #tpu.memory_space<vmem>>, %arg11: memref<1x1xf32, #tpu.memory_space<vmem>>, %arg12: memref<1x1xf32, #tpu.memory_space<vmem>>, %arg13: memref<1x128xf32, #tpu.memory_space<vmem>>) attributes {dimension_semantics = [#tpu.dimension_semantics<arbitrary>], iteration_bounds = array<i64: 40>, scalar_prefetch = 0 : i64, scratch_operands = 1 : i64, tpu.core_type = #tpu.core_type<tc>, window_params = [{transform_indices = @transform_0, window_bounds = array<i64: 2, 256, 128>}, {transform_indices = @transform_1, window_bounds = array<i64: 256, 128>}, {transform_indices = @transform_2, window_bounds = array<i64: 2, 256>}, {pipeline_mode = #tpu.pipeline_mode<synchronous>, transform_indices = @transform_3, window_bounds = array<i64: 1, 128>}, {pipeline_mode = #tpu.pipeline_mode<synchronous>, transform_indices = @transform_4, window_bounds = array<i64: 1, 128>}, {pipeline_mode = #tpu.pipeline_mode<synchronous>, transform_indices = @transform_5, window_bounds = array<i64: 128, 64>}, {pipeline_mode = #tpu.pipeline_mode<synchronous>, transform_indices = @transform_6, window_bounds = array<i64: 1, 64>}, {pipeline_mode = #tpu.pipeline_mode<synchronous>, transform_indices = @transform_7, window_bounds = array<i64: 1, 64>}, {pipeline_mode = #tpu.pipeline_mode<synchronous>, transform_indices = @transform_8, window_bounds = array<i64: 1, 64>}, {pipeline_mode = #tpu.pipeline_mode<synchronous>, transform_indices = @transform_9, window_bounds = array<i64: 1, 64>}, {pipeline_mode = #tpu.pipeline_mode<synchronous>, transform_indices = @transform_10, window_bounds = array<i64: 1, 1>}, {pipeline_mode = #tpu.pipeline_mode<synchronous>, transform_indices = @transform_11, window_bounds = array<i64: 1, 1>}]} {
    %get3A = arith.constant 0 : index
    %get3A_0 = arith.constant 0 : index
    %get3A_1 = vector.load %arg3[%get3A, %get3A_0] : memref<2x256xf32, #tpu.memory_space<vmem>>, vector<1x256xf32>
    %get3A_2 = vector.shape_cast %get3A_1 : vector<1x256xf32> to vector<256xf32>
    %get3A_3 = arith.constant 1 : index
    %get3A_4 = arith.constant 0 : index
    %get3A_5 = vector.load %arg3[%get3A_3, %get3A_4] : memref<2x256xf32, #tpu.memory_space<vmem>>, vector<1x256xf32>
    %get3A_6 = vector.shape_cast %get3A_5 : vector<1x256xf32> to vector<256xf32>
    %add3A = arith.addf %get3A_2, %get3A_6 : vector<256xf32>
    %add3A_7 = arith.constant 1.000000e+00 : f32
    %add3A_8 = vector.broadcast %add3A_7 : f32 to vector<256xf32>
    %add3A_9 = arith.addf %add3A, %add3A_8 : vector<256xf32>
    %rsqrt3A = math.rsqrt %add3A_9 : vector<256xf32>
    %get3A_10 = arith.constant 0 : index
    %get3A_11 = arith.constant 0 : index
    %get3A_12 = arith.constant 0 : index
    %get3A_13 = vector.load %arg1[%get3A_10, %get3A_11, %get3A_12] : memref<2x256x128xf32, #tpu.memory_space<vmem>>, vector<1x256x128xf32>
    %get3A_14 = vector.shape_cast %get3A_13 : vector<1x256x128xf32> to vector<256x128xf32>
    %get3A_15 = arith.constant 1 : index
    %get3A_16 = arith.constant 0 : index
    %get3A_17 = arith.constant 0 : index
    %get3A_18 = vector.load %arg1[%get3A_15, %get3A_16, %get3A_17] : memref<2x256x128xf32, #tpu.memory_space<vmem>>, vector<1x256x128xf32>
    %get3A_19 = vector.shape_cast %get3A_18 : vector<1x256x128xf32> to vector<256x128xf32>
    %add3A_20 = arith.addf %get3A_14, %get3A_19 : vector<256x128xf32>
    %get3A_21 = arith.constant 0 : index
    %get3A_22 = arith.constant 0 : index
    %get3A_23 = vector.load %arg2[%get3A_21, %get3A_22] : memref<256x128xf32, #tpu.memory_space<vmem>>, vector<256x128xf32>
    %add3A_24 = arith.addf %add3A_20, %get3A_23 : vector<256x128xf32>
    %get3A_25 = arith.constant 0 : index
    %get3A_26 = arith.constant 0 : index
    %get3A_27 = vector.load %arg4[%get3A_25, %get3A_26] : memref<1x128xf32, #tpu.memory_space<vmem>>, vector<1x128xf32>
    %mul3A = arith.constant 0.999994993 : f32
    %mul3A_28 = vector.broadcast %mul3A : f32 to vector<1x128xf32>
    %mul3A_29 = arith.mulf %get3A_27, %mul3A_28 : vector<1x128xf32>
    %broadcast_in_dim3A = vector.shape_cast %rsqrt3A : vector<256xf32> to vector<256x1xf32>
    %mul3A_30 = vector.broadcast %broadcast_in_dim3A : vector<256x1xf32> to vector<256x128xf32>
    %mul3A_31 = arith.mulf %mul3A_30, %add3A_24 : vector<256x128xf32>
    %mul3A_32 = vector.broadcast %mul3A_29 : vector<1x128xf32> to vector<256x128xf32>
    %mul3A_33 = arith.mulf %mul3A_32, %mul3A_31 : vector<256x128xf32>
    %get3A_34 = arith.constant 0 : index
    %get3A_35 = arith.constant 0 : index
    %get3A_36 = vector.load %arg5[%get3A_34, %get3A_35] : memref<1x128xf32, #tpu.memory_space<vmem>>, vector<1x128xf32>
    %add3A_37 = vector.broadcast %get3A_36 : vector<1x128xf32> to vector<256x128xf32>
    %add3A_38 = arith.addf %mul3A_33, %add3A_37 : vector<256x128xf32>
    %max3A = arith.constant 0.000000e+00 : f32
    %max3A_39 = vector.broadcast %max3A : f32 to vector<256x128xf32>
    %max3A_40 = arith.maximumf %add3A_38, %max3A_39 : vector<256x128xf32>
    %mul3A_41 = arith.constant 256 : i32
    %mul3A_42 = arith.muli %arg0, %mul3A_41 : i32
    %iota3A = tpu.iota {dimensions = array<i32: 0>} : vector<256x1xi32>
    %add3A_43 = vector.broadcast %mul3A_42 : i32 to vector<256x1xi32>
    %add3A_44 = arith.addi %add3A_43, %iota3A : vector<256x1xi32>
    %lt3A = arith.constant 10000 : i32
    %lt3A_45 = vector.broadcast %lt3A : i32 to vector<256x1xi32>
    %lt3A_46 = arith.cmpi slt, %add3A_44, %lt3A_45 : vector<256x1xi32>
    %jit3A = arith.constant 0.000000e+00 : f32
    %broadcast_in_dim3A_47 = vector.shape_cast %lt3A_46 : vector<256x1xi1> to vector<256x1xi1>
    %broadcast_in_dim3A_48 = vector.broadcast %broadcast_in_dim3A_47 : vector<256x1xi1> to vector<256x128xi1>
    %broadcast_in_dim3A_49 = vector.broadcast %jit3A : f32 to vector<256x128xf32>
    %select_n3A = arith.select %broadcast_in_dim3A_48, %max3A_40, %broadcast_in_dim3A_49 : vector<256x128xi1>, vector<256x128xf32>
    %reduce_sum3A = arith.constant dense<0.000000e+00> : vector<128xf32>
    %reduce_sum3A_50 = vector.multi_reduction <add>, %select_n3A, %reduce_sum3A [0] : vector<256x128xf32> to vector<128xf32>
    %broadcast_in_dim3A_51 = vector.shape_cast %reduce_sum3A_50 : vector<128xf32> to vector<1x128xf32>
    %eq3A = arith.constant 0 : i32
    %eq3A_52 = arith.cmpi eq, %arg0, %eq3A : i32
    %convert_element_type3A = arith.extui %eq3A_52 : i1 to i32
    %cond3A = arith.constant 0 : i32
    %cond3A_53 = arith.cmpi ne, %convert_element_type3A, %cond3A : i32
    scf.if %cond3A_53 {
      %broadcast_in_dim3A_65 = arith.constant 0.000000e+00 : f32
      %broadcast_in_dim3A_66 = vector.broadcast %broadcast_in_dim3A_65 : f32 to vector<1x128xf32>
      %swap3A_67 = arith.constant 0 : index
      %swap3A_68 = arith.constant 0 : index
      %swap3A_69 = vector.load %arg13[%swap3A_67, %swap3A_68] : memref<1x128xf32, #tpu.memory_space<vmem>>, vector<1x128xf32>
      tpu.vector_store %arg13[%swap3A_67, %swap3A_68], %broadcast_in_dim3A_66 {strides = array<i32>} : memref<1x128xf32, #tpu.memory_space<vmem>>, vector<1x128xf32>,
    } else {
    }
    %get3A_54 = arith.constant 0 : index
    %get3A_55 = arith.constant 0 : index
    %get3A_56 = vector.load %arg13[%get3A_54, %get3A_55] : memref<1x128xf32, #tpu.memory_space<vmem>>, vector<1x128xf32>
    %add3A_57 = arith.addf %get3A_56, %broadcast_in_dim3A_51 : vector<1x128xf32>
    %swap3A = arith.constant 0 : index
    %swap3A_58 = arith.constant 0 : index
    %swap3A_59 = vector.load %arg13[%swap3A, %swap3A_58] : memref<1x128xf32, #tpu.memory_space<vmem>>, vector<1x128xf32>
    tpu.vector_store %arg13[%swap3A, %swap3A_58], %add3A_57 {strides = array<i32>} : memref<1x128xf32, #tpu.memory_space<vmem>>, vector<1x128xf32>,
    %eq3A_60 = arith.constant 39 : i32
    %eq3A_61 = arith.cmpi eq, %arg0, %eq3A_60 : i32
    %convert_element_type3A_62 = arith.extui %eq3A_61 : i1 to i32
    %cond3A_63 = arith.constant 0 : i32
    %cond3A_64 = arith.cmpi ne, %convert_element_type3A_62, %cond3A_63 : i32
    scf.if %cond3A_64 {
      %get3A_65 = arith.constant 0 : index
      %get3A_66 = arith.constant 0 : index
      %get3A_67 = vector.load %arg13[%get3A_65, %get3A_66] : memref<1x128xf32, #tpu.memory_space<vmem>>, vector<1x128xf32>
      %mul3A_68 = arith.constant 9.99999974E-5 : f32
      %mul3A_69 = vector.broadcast %mul3A_68 : f32 to vector<1x128xf32>
      %mul3A_70 = arith.mulf %get3A_67, %mul3A_69 : vector<1x128xf32>
      %get3A_71 = arith.constant 0 : index
      %get3A_72 = arith.constant 0 : index
      %get3A_73 = vector.load %arg6[%get3A_71, %get3A_72] : memref<128x64xf32, #tpu.memory_space<vmem>>, vector<128x64xf32>
      %dot_general3A = arith.constant dense<0.000000e+00> : vector<1x64xf32>
      %dot_general3A_74 = tpu.matmul %mul3A_70, %get3A_73, %dot_general3A {dimension_numbers = #tpu.dot_dimension_numbers<[1], [0], [0], [1], [0, 0, 1, 1], [], []>, transpose_lhs_hint = false} : vector<1x128xf32>, vector<128x64xf32>, vector<1x64xf32> -> vector<1x64xf32>
      %get3A_75 = arith.constant 0 : index
      %get3A_76 = arith.constant 0 : index
      %get3A_77 = vector.load %arg7[%get3A_75, %get3A_76] : memref<1x64xf32, #tpu.memory_space<vmem>>, vector<1x64xf32>
      %add3A_78 = arith.addf %dot_general3A_74, %get3A_77 : vector<1x64xf32>
      %get3A_79 = arith.constant 0 : index
      %get3A_80 = arith.constant 0 : index
      %get3A_81 = vector.load %arg8[%get3A_79, %get3A_80] : memref<1x64xf32, #tpu.memory_space<vmem>>, vector<1x64xf32>
      %mul3A_82 = arith.constant 0.999994993 : f32
      %mul3A_83 = vector.broadcast %mul3A_82 : f32 to vector<1x64xf32>
      %mul3A_84 = arith.mulf %get3A_81, %mul3A_83 : vector<1x64xf32>
      %mul3A_85 = arith.mulf %mul3A_84, %add3A_78 : vector<1x64xf32>
      %get3A_86 = arith.constant 0 : index
      %get3A_87 = arith.constant 0 : index
      %get3A_88 = vector.load %arg9[%get3A_86, %get3A_87] : memref<1x64xf32, #tpu.memory_space<vmem>>, vector<1x64xf32>
      %add3A_89 = arith.addf %mul3A_85, %get3A_88 : vector<1x64xf32>
      %max3A_90 = arith.constant 0.000000e+00 : f32
      %max3A_91 = vector.broadcast %max3A_90 : f32 to vector<1x64xf32>
      %max3A_92 = arith.maximumf %add3A_89, %max3A_91 : vector<1x64xf32>
      %get3A_93 = arith.constant 0 : index
      %get3A_94 = arith.constant 0 : index
      %get3A_95 = vector.load %arg10[%get3A_93, %get3A_94] : memref<1x64xf32, #tpu.memory_space<vmem>>, vector<1x64xf32>
      %mul3A_96 = arith.mulf %max3A_92, %get3A_95 : vector<1x64xf32>
      %reduce_sum3A_97 = arith.constant dense<0.000000e+00> : vector<1xf32>
      %reduce_sum3A_98 = vector.multi_reduction <add>, %mul3A_96, %reduce_sum3A_97 [1] : vector<1x64xf32> to vector<1xf32>
      %broadcast_in_dim3A_99 = vector.shape_cast %reduce_sum3A_98 : vector<1xf32> to vector<1x1xf32>
      %get3A_100 = arith.constant 0 : index
      %get3A_101 = arith.constant 0 : index
      %get3A_102 = vector.load %arg11[%get3A_100, %get3A_101] : memref<1x1xf32, #tpu.memory_space<vmem>>, vector<1x1xf32>
      %add3A_103 = arith.addf %broadcast_in_dim3A_99, %get3A_102 : vector<1x1xf32>
      %swap3A_104 = arith.constant 0 : index
      %swap3A_105 = arith.constant 0 : index
      %swap3A_106 = vector.load %arg12[%swap3A_104, %swap3A_105] : memref<1x1xf32, #tpu.memory_space<vmem>>, vector<1x1xf32>
      tpu.vector_store %arg12[%swap3A_104, %swap3A_105], %add3A_103 {strides = array<i32>} : memref<1x1xf32, #tpu.memory_space<vmem>>, vector<1x1xf32>,
    } else {
    }
    return
  }
  func.func @transform_0(%arg0: i32) -> (i32, i32, i32) {
    %c0_i32 = arith.constant 0 : i32
    %c0_i32_0 = arith.constant 0 : i32
    %c0_i32_1 = arith.constant 0 : i32
    return %c0_i32, %arg0, %c0_i32_0 : i32, i32, i32
  }
  func.func @transform_1(%arg0: i32) -> (i32, i32) {
    %c0_i32 = arith.constant 0 : i32
    %c0_i32_0 = arith.constant 0 : i32
    return %arg0, %c0_i32 : i32, i32
  }
  func.func @transform_2(%arg0: i32) -> (i32, i32) {
    %c0_i32 = arith.constant 0 : i32
    %c0_i32_0 = arith.constant 0 : i32
    return %c0_i32, %arg0 : i32, i32
  }
  func.func @transform_3(%arg0: i32) -> (i32, i32) {
    %c0_i32 = arith.constant 0 : i32
    %c0_i32_0 = arith.constant 0 : i32
    %c0_i32_1 = arith.constant 0 : i32
    return %c0_i32, %c0_i32_0 : i32, i32
  }
  func.func @transform_4(%arg0: i32) -> (i32, i32) {
    %c0_i32 = arith.constant 0 : i32
    %c0_i32_0 = arith.constant 0 : i32
    %c0_i32_1 = arith.constant 0 : i32
    return %c0_i32, %c0_i32_0 : i32, i32
  }
  func.func @transform_5(%arg0: i32) -> (i32, i32) {
    %c0_i32 = arith.constant 0 : i32
    %c0_i32_0 = arith.constant 0 : i32
    %c0_i32_1 = arith.constant 0 : i32
    return %c0_i32, %c0_i32_0 : i32, i32
  }
  func.func @transform_6(%arg0: i32) -> (i32, i32) {
    %c0_i32 = arith.constant 0 : i32
    %c0_i32_0 = arith.constant 0 : i32
    %c0_i32_1 = arith.constant 0 : i32
    return %c0_i32, %c0_i32_0 : i32, i32
  }
  func.func @transform_7(%arg0: i32) -> (i32, i32) {
    %c0_i32 = arith.constant 0 : i32
    %c0_i32_0 = arith.constant 0 : i32
    %c0_i32_1 = arith.constant 0 : i32
    return %c0_i32, %c0_i32_0 : i32, i32
  }
  func.func @transform_8(%arg0: i32) -> (i32, i32) {
    %c0_i32 = arith.constant 0 : i32
    %c0_i32_0 = arith.constant 0 : i32
    %c0_i32_1 = arith.constant 0 : i32
    return %c0_i32, %c0_i32_0 : i32, i32
  }
  func.func @transform_9(%arg0: i32) -> (i32, i32) {
    %c0_i32 = arith.constant 0 : i32
    %c0_i32_0 = arith.constant 0 : i32
    %c0_i32_1 = arith.constant 0 : i32
    return %c0_i32, %c0_i32_0 : i32, i32
  }
  func.func @transform_10(%arg0: i32) -> (i32, i32) {
    %c0_i32 = arith.constant 0 : i32
    %c0_i32_0 = arith.constant 0 : i32
    %c0_i32_1 = arith.constant 0 : i32
    return %c0_i32, %c0_i32_0 : i32, i32
  }
  func.func @transform_11(%arg0: i32) -> (i32, i32) {
    %c0_i32 = arith.constant 0 : i32
    %c0_i32_0 = arith.constant 0 : i32
    %c0_i32_1 = arith.constant 0 : i32
    return %c0_i32, %c0_i32_0 : i32, i32
  }
}

module attributes {stable_mosaic.version = 14 : i64} {
  func.func @_mid_body(%arg0: i32, %arg1: memref<2x256x128xf32, #tpu.memory_space<vmem>>, %arg2: memref<256x128xf32, #tpu.memory_space<vmem>>, %arg3: memref<2x256xf32, #tpu.memory_space<vmem>>, %arg4: memref<1x128xf32, #tpu.memory_space<vmem>>, %arg5: memref<1x128xf32, #tpu.memory_space<vmem>>, %arg6: memref<128x128xf32, #tpu.memory_space<vmem>>, %arg7: memref<1x128xf32, #tpu.memory_space<vmem>>, %arg8: memref<256x128xf32, #tpu.memory_space<vmem>>) attributes {dimension_semantics = [#tpu.dimension_semantics<arbitrary>], iteration_bounds = array<i64: 40>, scalar_prefetch = 0 : i64, scratch_operands = 0 : i64, tpu.core_type = #tpu.core_type<tc>, window_params = [{transform_indices = @transform_0, window_bounds = array<i64: 2, 256, 128>}, {transform_indices = @transform_1, window_bounds = array<i64: 256, 128>}, {transform_indices = @transform_2, window_bounds = array<i64: 2, 256>}, {pipeline_mode = #tpu.pipeline_mode<synchronous>, transform_indices = @transform_3, window_bounds = array<i64: 1, 128>}, {pipeline_mode = #tpu.pipeline_mode<synchronous>, transform_indices = @transform_4, window_bounds = array<i64: 1, 128>}, {pipeline_mode = #tpu.pipeline_mode<synchronous>, transform_indices = @transform_5, window_bounds = array<i64: 128, 128>}, {pipeline_mode = #tpu.pipeline_mode<synchronous>, transform_indices = @transform_6, window_bounds = array<i64: 1, 128>}, {transform_indices = @transform_7, window_bounds = array<i64: 256, 128>}]} {
    %get3A = arith.constant 0 : index
    %get3A_0 = arith.constant 0 : index
    %get3A_1 = vector.load %arg3[%get3A, %get3A_0] : memref<2x256xf32, #tpu.memory_space<vmem>>, vector<1x256xf32>
    %get3A_2 = vector.shape_cast %get3A_1 : vector<1x256xf32> to vector<256xf32>
    %get3A_3 = arith.constant 1 : index
    %get3A_4 = arith.constant 0 : index
    %get3A_5 = vector.load %arg3[%get3A_3, %get3A_4] : memref<2x256xf32, #tpu.memory_space<vmem>>, vector<1x256xf32>
    %get3A_6 = vector.shape_cast %get3A_5 : vector<1x256xf32> to vector<256xf32>
    %add3A = arith.addf %get3A_2, %get3A_6 : vector<256xf32>
    %add3A_7 = arith.constant 1.000000e+00 : f32
    %add3A_8 = vector.broadcast %add3A_7 : f32 to vector<256xf32>
    %add3A_9 = arith.addf %add3A, %add3A_8 : vector<256xf32>
    %rsqrt3A = math.rsqrt %add3A_9 : vector<256xf32>
    %get3A_10 = arith.constant 0 : index
    %get3A_11 = arith.constant 0 : index
    %get3A_12 = arith.constant 0 : index
    %get3A_13 = vector.load %arg1[%get3A_10, %get3A_11, %get3A_12] : memref<2x256x128xf32, #tpu.memory_space<vmem>>, vector<1x256x128xf32>
    %get3A_14 = vector.shape_cast %get3A_13 : vector<1x256x128xf32> to vector<256x128xf32>
    %get3A_15 = arith.constant 1 : index
    %get3A_16 = arith.constant 0 : index
    %get3A_17 = arith.constant 0 : index
    %get3A_18 = vector.load %arg1[%get3A_15, %get3A_16, %get3A_17] : memref<2x256x128xf32, #tpu.memory_space<vmem>>, vector<1x256x128xf32>
    %get3A_19 = vector.shape_cast %get3A_18 : vector<1x256x128xf32> to vector<256x128xf32>
    %add3A_20 = arith.addf %get3A_14, %get3A_19 : vector<256x128xf32>
    %get3A_21 = arith.constant 0 : index
    %get3A_22 = arith.constant 0 : index
    %get3A_23 = vector.load %arg2[%get3A_21, %get3A_22] : memref<256x128xf32, #tpu.memory_space<vmem>>, vector<256x128xf32>
    %add3A_24 = arith.addf %add3A_20, %get3A_23 : vector<256x128xf32>
    %get3A_25 = arith.constant 0 : index
    %get3A_26 = arith.constant 0 : index
    %get3A_27 = vector.load %arg4[%get3A_25, %get3A_26] : memref<1x128xf32, #tpu.memory_space<vmem>>, vector<1x128xf32>
    %mul3A = arith.constant 0.999994993 : f32
    %mul3A_28 = vector.broadcast %mul3A : f32 to vector<1x128xf32>
    %mul3A_29 = arith.mulf %get3A_27, %mul3A_28 : vector<1x128xf32>
    %broadcast_in_dim3A = vector.shape_cast %rsqrt3A : vector<256xf32> to vector<256x1xf32>
    %mul3A_30 = vector.broadcast %broadcast_in_dim3A : vector<256x1xf32> to vector<256x128xf32>
    %mul3A_31 = arith.mulf %mul3A_30, %add3A_24 : vector<256x128xf32>
    %mul3A_32 = vector.broadcast %mul3A_29 : vector<1x128xf32> to vector<256x128xf32>
    %mul3A_33 = arith.mulf %mul3A_32, %mul3A_31 : vector<256x128xf32>
    %get3A_34 = arith.constant 0 : index
    %get3A_35 = arith.constant 0 : index
    %get3A_36 = vector.load %arg5[%get3A_34, %get3A_35] : memref<1x128xf32, #tpu.memory_space<vmem>>, vector<1x128xf32>
    %add3A_37 = vector.broadcast %get3A_36 : vector<1x128xf32> to vector<256x128xf32>
    %add3A_38 = arith.addf %mul3A_33, %add3A_37 : vector<256x128xf32>
    %max3A = arith.constant 0.000000e+00 : f32
    %max3A_39 = vector.broadcast %max3A : f32 to vector<256x128xf32>
    %max3A_40 = arith.maximumf %add3A_38, %max3A_39 : vector<256x128xf32>
    %get3A_41 = arith.constant 0 : index
    %get3A_42 = arith.constant 0 : index
    %get3A_43 = vector.load %arg6[%get3A_41, %get3A_42] : memref<128x128xf32, #tpu.memory_space<vmem>>, vector<128x128xf32>
    %dot_general3A = arith.constant dense<0.000000e+00> : vector<256x128xf32>
    %dot_general3A_44 = tpu.matmul %max3A_40, %get3A_43, %dot_general3A {dimension_numbers = #tpu.dot_dimension_numbers<[1], [0], [0], [1], [0, 0, 1, 1], [], []>, transpose_lhs_hint = false} : vector<256x128xf32>, vector<128x128xf32>, vector<256x128xf32> -> vector<256x128xf32>
    %get3A_45 = arith.constant 0 : index
    %get3A_46 = arith.constant 0 : index
    %get3A_47 = vector.load %arg7[%get3A_45, %get3A_46] : memref<1x128xf32, #tpu.memory_space<vmem>>, vector<1x128xf32>
    %add3A_48 = vector.broadcast %get3A_47 : vector<1x128xf32> to vector<256x128xf32>
    %add3A_49 = arith.addf %dot_general3A_44, %add3A_48 : vector<256x128xf32>
    %mul3A_50 = arith.constant 256 : i32
    %mul3A_51 = arith.muli %arg0, %mul3A_50 : i32
    %iota3A = tpu.iota {dimensions = array<i32: 0>} : vector<256x1xi32>
    %add3A_52 = vector.broadcast %mul3A_51 : i32 to vector<256x1xi32>
    %add3A_53 = arith.addi %add3A_52, %iota3A : vector<256x1xi32>
    %lt3A = arith.constant 10000 : i32
    %lt3A_54 = vector.broadcast %lt3A : i32 to vector<256x1xi32>
    %lt3A_55 = arith.cmpi slt, %add3A_53, %lt3A_54 : vector<256x1xi32>
    %broadcast_in_dim3A_56 = vector.shape_cast %rsqrt3A : vector<256xf32> to vector<256x1xf32>
    %mul3A_57 = vector.broadcast %broadcast_in_dim3A_56 : vector<256x1xf32> to vector<256x128xf32>
    %mul3A_58 = arith.mulf %mul3A_57, %add3A_49 : vector<256x128xf32>
    %jit3A = arith.constant 0.000000e+00 : f32
    %broadcast_in_dim3A_59 = vector.shape_cast %lt3A_55 : vector<256x1xi1> to vector<256x1xi1>
    %broadcast_in_dim3A_60 = vector.broadcast %broadcast_in_dim3A_59 : vector<256x1xi1> to vector<256x128xi1>
    %broadcast_in_dim3A_61 = vector.broadcast %jit3A : f32 to vector<256x128xf32>
    %select_n3A = arith.select %broadcast_in_dim3A_60, %mul3A_58, %broadcast_in_dim3A_61 : vector<256x128xi1>, vector<256x128xf32>
    %swap3A = arith.constant 0 : index
    %swap3A_62 = arith.constant 0 : index
    %swap3A_63 = vector.load %arg8[%swap3A, %swap3A_62] : memref<256x128xf32, #tpu.memory_space<vmem>>, vector<256x128xf32>
    tpu.vector_store %arg8[%swap3A, %swap3A_62], %select_n3A {strides = array<i32>} : memref<256x128xf32, #tpu.memory_space<vmem>>, vector<256x128xf32>,
    return
  }
  func.func @transform_0(%arg0: i32) -> (i32, i32, i32) {
    %c0_i32 = arith.constant 0 : i32
    %c0_i32_0 = arith.constant 0 : i32
    %c0_i32_1 = arith.constant 0 : i32
    return %c0_i32, %arg0, %c0_i32_0 : i32, i32, i32
  }
  func.func @transform_1(%arg0: i32) -> (i32, i32) {
    %c0_i32 = arith.constant 0 : i32
    %c0_i32_0 = arith.constant 0 : i32
    return %arg0, %c0_i32 : i32, i32
  }
  func.func @transform_2(%arg0: i32) -> (i32, i32) {
    %c0_i32 = arith.constant 0 : i32
    %c0_i32_0 = arith.constant 0 : i32
    return %c0_i32, %arg0 : i32, i32
  }
  func.func @transform_3(%arg0: i32) -> (i32, i32) {
    %c0_i32 = arith.constant 0 : i32
    %c0_i32_0 = arith.constant 0 : i32
    %c0_i32_1 = arith.constant 0 : i32
    return %c0_i32, %c0_i32_0 : i32, i32
  }
  func.func @transform_4(%arg0: i32) -> (i32, i32) {
    %c0_i32 = arith.constant 0 : i32
    %c0_i32_0 = arith.constant 0 : i32
    %c0_i32_1 = arith.constant 0 : i32
    return %c0_i32, %c0_i32_0 : i32, i32
  }
  func.func @transform_5(%arg0: i32) -> (i32, i32) {
    %c0_i32 = arith.constant 0 : i32
    %c0_i32_0 = arith.constant 0 : i32
    %c0_i32_1 = arith.constant 0 : i32
    return %c0_i32, %c0_i32_0 : i32, i32
  }
  func.func @transform_6(%arg0: i32) -> (i32, i32) {
    %c0_i32 = arith.constant 0 : i32
    %c0_i32_0 = arith.constant 0 : i32
    %c0_i32_1 = arith.constant 0 : i32
    return %c0_i32, %c0_i32_0 : i32, i32
  }
  func.func @transform_7(%arg0: i32) -> (i32, i32) {
    %c0_i32 = arith.constant 0 : i32
    %c0_i32_0 = arith.constant 0 : i32
    return %arg0, %c0_i32 : i32, i32
  }
}

</mosaic_0001>

<sc_bundles>
// kernel: kernel.10.cloned.1.call-start
scs
__scs_entry_jumppad:
0x0: {  	(pc) =	sbr.rel $0x88, $3  }
0x1: {  	(tag) =	ssettag $0x0;
	lr =	simm.s32 $0x1  }
0x2: {  	[smem:$0x3F8D] =	sst lr;
	_ =	strace $0xD0000000  }
0x3: {  	_ = 	snop  }
0x4: {  	_ = 	snop  }
0x5: {  	_ = 	snop  }
0x6: {  	_ = 	snop  }
0x7: {  	_ = 	snop  }
__scs_overlays_trampoline_lowered:
0x8: {  	[smem:$0x3F9C] =	sst s0  }
0x9: {  	[smem:$0x3F9D] =	sst s1  }
0xa: {  	[smem:$0x3F9E] =	sst s2  }
0xb: {  	[smem:$0x3F9F] =	sst s3  }
0xc: {  	[smem:$0x3FA0] =	sst s4  }
0xd: {  	[smem:$0x3FA1] =	sst s5  }
0xe: {  	[smem:$0x3FA2] =	sst s6  }
0xf: {  	[smem:$0x3FA3] =	sst s7  }
0x10: {  	[smem:$0x3FA4] =	sst s8  }
0x11: {  	[smem:$0x3FA5] =	sst s9;
	s0 =	simm.s32 @!p0 $0x0  }
0x12: {  	s1 =	sld [smem:$0x3F8B];
	s0 =	simm.s32 @p0 $0x1  }
0x13: {  	[smem:$0x3FA6] =	sst s0;
	s0 =	simm.s32 @!p1 $0x0  }
0x14: {  	s2 =	sld [smem:$0x3F8A];
	s0 =	simm.s32 @p1 $0x1  }
0x15: {  	[smem:$0x3FA7] =	sst s0;
	s0 =	simm.s32 @!p2 $0x0  }
0x16: {  	s3 =	sld [smem:$0x3FDB];
	s0 =	simm.s32 @p2 $0x1  }
0x17: {  	s4 =	simm.s32 $0x1BF5;
	[smem:$0x3FA9] =	sst s0  }
0x18: {  	s0 =	sld [smem:$0x3F8C];
	_ =	swait.ge [sflag:s4], $0x0  }
0x19: {  	s7 =	sld [smem:$0x3F8D]  }
0x1a: {  	s8 =	sadd.s32 $0xFFFFE003, lr  }
0x1b: {  	s9 =	sadd.s32 $0xFFFFFEF7, lr;
	s5 =	simm.s32 $0xFFFFFFFF;
	p2 =	slt.u32 s8, $0xFFFFF086  }
0x1c: {  	p1 =	slt.u32 s9, $0xF7A;
	s5 =	simm.s32 @!p2 $0x0  }
0x1d: {  	s5 =	simm.s32 @p1 $0x1;
	p0 =	seq.s32 s7, s2  }
0x1e: {  	s7 =	smul.u32 @!p0 $0xF7A, s2;
	p2 =	seq.s32 @!p0 s5, $0x0  }
0x1f: {  	s9 =	smul.u32 $0xF7A, s1;
	s8 =	simm.s32 @!p0 $0x1BF5;
	p2 =	por !p2, p0  }
0x20: {  	[sflag:s8] =	ssyncset.s32 @!p0 $0xFFFFF086;
	s6 =	sadd.s32 @!p0 s3, s7;
	s7 =	simm.s32 @!p0 $0x108  }
0x21: {  	s3 =	sadd.s32 s3, s9;
	s6 =	sadd.s32 @!p0 $0x88, s6;
	s7 =	simm.s32 @p2 $0x1082  }
0x22: {  	[simem:s7], [sflag:s8] =	dma.local @!p0 [hbm:s6], $0xF7A  }
0x23: {  	s9 =	sor.u32 $0xD0000000, s2;
	s6 =	simm.s32 $0x108;
	_ =	swait.ge @!p0 [sflag:s8], $0x0  }
0x24: {  	s3 =	sadd.s32 $0x88, s3;
	s6 =	simm.s32 @!p1 $0x1082;
	[sflag:s4] =	ssyncset.s32 $0xFFFFF086  }
0x25: {  	[simem:s6], [sflag:s4] =	dma.local [hbm:s3], $0xF7A  }
0x26: {  	[smem:$0x3F8D] =	sst s1;
	(tag) =	ssettag s2;
	_ =	strace s9  }
0x27: {  	s1 =	sld [smem:$0x3F9D]  }
0x28: {  	s2 =	sld [smem:$0x3F9E]  }
0x29: {  	s4 =	sld [smem:$0x3FA0]  }
0x2a: {  	p0 =	seq.s32 s5, $0x0;
	s5 =	sld [smem:$0x3FA1]  }
0x2b: {  	s6 =	sld [smem:$0x3FA2]  }
0x2c: {  	s7 =	sld [smem:$0x3FA3]  }
0x2d: {  	s3 =	simm.s32 $0x108;
	s8 =	sld [smem:$0x3FA4]  }
0x2e: {  	s3 =	simm.s32 @!p0 $0x1082;
	s9 =	sld [smem:$0x3FA5]  }
0x2f: {  	lr =	sadd.s32 s0, s3;
	s0 =	sld [smem:$0x3F9C]  }
0x30: {  	s3 =	sld [smem:$0x3F9F]  }
0x31: {  	[smem:$0x3FA8] =	sst s10  }
0x32: {  	s10 =	sld [smem:$0x3FA6];
	_ =	sdelay $0x3  }
0x33: {  	p0 =	seq.s32 s10, $0x1;
	s10 =	sld [smem:$0x3FA8];
	_ =	sdelay $0x3  }
0x34: {  	[smem:$0x3FA8] =	sst s10  }
0x35: {  	s10 =	sld [smem:$0x3FA7];
	_ =	sdelay $0x3  }
0x36: {  	p1 =	seq.s32 s10, $0x1;
	s10 =	sld [smem:$0x3FA8];
	_ =	sdelay $0x3  }
0x37: {  	[smem:$0x3FA8] =	sst s10  }
0x38: {  	s10 =	sld [smem:$0x3FA9]  }
0x39: {  	_ = 	snop;
	(pc) =	sbr.ind lr, $3  }
0x3a: {  	_ = 	snop  }
0x3b: {  	_ = 	snop  }
0x3c: {  	p2 =	seq.s32 s10, $0x1;
	s10 =	sld [smem:$0x3FA8]  }
0x3d: {  	_ =	shalt  }
0x3e: {  	_ =	shalt  }
0x3f: {  	_ =	shalt  }
0x40: {  	_ =	shalt  }
0x41: {  	_ =	shalt  }
0x42: {  	_ =	shalt  }
0x43: {  	_ =	shalt  }
0x44: {  	_ =	shalt  }
0x45: {  	_ =	shalt  }
0x46: {  	_ =	shalt  }
0x47: {  	_ =	shalt  }
0x48: {  	_ =	shalt  }
0x49: {  	_ =	shalt  }
0x4a: {  	_ =	shalt  }
0x4b: {  	_ =	shalt  }
0x4c: {  	_ =	shalt  }
0x4d: {  	_ =	shalt  }
0x4e: {  	_ =	shalt  }
0x4f: {  	_ =	shalt  }
0x50: {  	_ =	shalt  }
0x51: {  	_ =	shalt  }
0x52: {  	_ =	shalt  }
0x53: {  	_ =	shalt  }
0x54: {  	_ =	shalt  }
0x55: {  	_ =	shalt  }
0x56: {  	_ =	shalt  }
0x57: {  	_ =	shalt  }
0x58: {  	_ =	shalt  }
0x59: {  	_ =	shalt  }
0x5a: {  	_ =	shalt  }
0x5b: {  	_ =	shalt  }
0x5c: {  	_ =	shalt  }
0x5d: {  	_ =	shalt  }
0x5e: {  	_ =	shalt  }
0x5f: {  	_ =	shalt  }
0x60: {  	_ =	shalt  }
0x61: {  	_ =	shalt  }
0x62: {  	_ =	shalt  }
0x63: {  	_ =	shalt  }
0x64: {  	_ =	shalt  }
0x65: {  	_ =	shalt  }
0x66: {  	_ =	shalt  }
0x67: {  	_ =	shalt  }
0x68: {  	_ =	shalt  }
0x69: {  	_ =	shalt  }
0x6a: {  	_ =	shalt  }
0x6b: {  	_ =	shalt  }
0x6c: {  	_ =	shalt  }
0x6d: {  	_ =	shalt  }
0x6e: {  	_ =	shalt  }
0x6f: {  	_ =	shalt  }
0x70: {  	_ =	shalt  }
0x71: {  	_ =	shalt  }
0x72: {  	_ =	shalt  }
0x73: {  	_ =	shalt  }
0x74: {  	_ =	shalt  }
0x75: {  	_ =	shalt  }
0x76: {  	_ =	shalt  }
0x77: {  	_ =	shalt  }
0x78: {  	_ =	shalt  }
0x79: {  	_ =	shalt  }
0x7a: {  	_ =	shalt  }
0x7b: {  	_ =	shalt  }
0x7c: {  	_ =	shalt  }
0x7d: {  	_ =	shalt  }
0x7e: {  	_ =	shalt  }
0x7f: {  	_ =	shalt  }
0x80: {  	_ =	shalt  }
0x81: {  	_ =	shalt  }
0x82: {  	_ =	shalt  }
0x83: {  	_ =	shalt  }
0x84: {  	_ =	shalt  }
0x85: {  	_ =	shalt  }
0x86: {  	_ =	shalt  }
0x87: {  	_ =	shalt  }
.Lfunc_end0:
.L_simem_size_0:
called_computation_lowered:
.L_overlay_start_0:
0x88: {  	s2 =	sld [smem:$0x3FD9]  }
0x89: {  	s3 =	sld [smem:$0x3FFE];
	_ =	sdelay $0x1  }
0x8a: {  	s1 =	srdreg.scid  }
0x8b: {  	s0 =	sand.u32 $0x1, s1  }
0x8c: {  	s16 =	sshll.u32 s0, $0xA;
	s2 =	sadd.s32 s3, s2  }
0x8d: {  	s2 =	sadd.s32 s2, s16  }
0x8e: {  	[smem:$0x3FB4] =	sst s2  }
0x8f: {  	_ = 	snop  }
0x90: {  	(tm) =	ssettm $0x1  }
0x91: {  	s17 =	sld [smem:$0x3FFB];
	_ =	sdelay $0x3  }
0x92: {  	_ =	strace s17  }
0x93: {  	s2 =	sld [smem:$0x3FFC];
	_ =	sdelay $0x3  }
0x94: {  	_ =	strace s2  }
0x95: {  	s2 =	sld [smem:$0x3FFD];
	_ =	sdelay $0x3  }
0x96: {  	_ =	strace s2  }
0x97: {  	_ =	strace $0x8FFFFFFF  }
0x98: {  	s18 =	sld [smem:$0x3FDB];
	_ =	sdelay $0x1  }
0x99: {  	s19 =	simm.s32 $_scs_section_size  }
0x9a: {  	s4 =	simm.s32 $_size__tile_overlayer_lowered;
	s5 =	simm.s32 $_tile_overlayer_lowered  }
0x9b: {  	s22 =	simm.s32 $0x1BFF;
	s21 =	sshll.u32 s5, $0x1;
	s2 =	sadd.s32 s19, s18  }
0x9c: {  	s6 =	simm.s32 $0x0;
	s20 =	sshll.u32 s4, $0x1;
	s4 =	sadd.s32 s21, s2  }
0x9d: {  	[timem:s6], [sflag:s22] =	dma.local [hbm:s4], s20  }
0x9e: {  	_ =	swait.ge [sflag:s22], s20  }
0x9f: {  	s3 =	ssub.s32 $0x0, s20;
	[sflag:s22] =	ssyncset.done $0x0  }
0xa0: {  	[sflag:s22] =	ssyncadd.s32 s3;
	_ =	sdelay $0x1  }
0xa1: {  	s23 =	simm.s32 $0x1B8B  }
0xa2: {  	_ =	swait.ge [sflag:s23], $0x1  }
0xa3: {  	[sflag:s23] =	ssyncset.done $0x0  }
0xa4: {  	s25 =	simm.s32 $0x1B8E;
	s24 =	sld [smem:$0x3FFE];
	[sflag:s23] =	ssyncadd.s32 $0xFFFFFFFF  }
0xa5: {  	s26 =	simm.s32 $execute0_lowered;
	[smem:$0x3FD2] =	sst s25  }
0xa6: {  	s4 =	sshll.u32 s26, $0x1;
	_ =	strace $0x80000046;
	[dreg:$0x1] =	wrdreg $0xFFFFFFFF  }
0xa7: {  	s28 =	simm.s32 $_size_execute0_lowered;
	s2 =	sadd.s32 s2, s4;
	[dreg:$0x0] =	wrdreg $0x0  }
0xa8: {  	s4 =	sshll.u32 s28, $0x1;
	[dreg:$0x2] =	wrdreg s2  }
0xa9: {  	[dreg:$0x3] =	wrdreg s4  }
0xaa: {  	[dreg:$0x4] =	wrdreg $0xC0  }
0xab: {  	_ =	task [dreg:s6], $0x5FFFF  }
0xac: {  	[dreg:$0x1] =	wrdreg $0xFFFFFFFF  }
0xad: {  	[dreg:$0x0] =	wrdreg $0x60  }
0xae: {  	[dreg:$0x2] =	wrdreg s24  }
0xaf: {  	[dreg:$0x3] =	wrdreg $0x2B000  }
0xb0: {  	[dreg:$0x4] =	wrdreg $0x9  }
0xb1: {  	_ =	task.clear_ibuf [dreg:s6], $0x5FFFF;
	_ =	strace $0x90000046  }
0xb2: {  	s29 =	simm.s32 $0x9;
	_ =	strace $0x80000048  }
0xb3: {  	_ =	swait.ge [sflag:s29], $0x1  }
0xb4: {  	[sflag:s29] =	ssyncadd.s32 $0xFFFFFFFF  }
0xb5: {  	_ =	strace $0x90000048  }
0xb6: {  	_ =	sfence  }
0xb7: {  	s30 =	sld [smem:$0x0];
	_ =	sdelay $0x2  }
0xb8: {  	s31 =	sshll.u32 s1, $0xD;
	s1 =	sshrl.u32 s1, $0x2  }
0xb9: {  	s3 =	sand.u32 $0x4000, s31;
	s1 =	sadd.s32 s1, s30  }
0xba: {  	s0 =	sor.u32 s3, s0;
	s1 =	sshll.u32 s1, $0x11  }
0xbb: {  	s0 =	sor.u32 s1, s0  }
0xbc: {  	s0 =	sadd.s32 $0x8F2B, s0  }
0xbd: {  	[sflag:s0] =	ssyncadd.remote.s32 $0x1  }
0xbe: {  	_ =	sfence.sel $0xFFFF  }
0xbf: {  	[dreg:$0x0] =	wrdreg $0xFFFFFFFF;
	(pc) =	sbr.abs _section_cstart, $3  }
0xc0: {  	[dreg:$0x1] =	wrdreg $0xFFFFFFFF  }
0xc1: {  	_ =	task.clear_ibuf [dreg:s6], $0x2FFFF;
	_ =	strace $0x9FFFFFFF  }
0xc2: {  	(tm) =	ssettm $0x7FFFFFFF  }
0xc3: {  	_ =	shalt  }
tec
execute0_lowered:
.L_overlay_start_1:
0x0: {  	(tag) =	ssettag $0x1  }
0x1: {  	s4 =	rddreg [dreg:$0x0]  }
0x2: {  	s2 =	rddreg [dreg:$0x1]  }
0x3: {  	s3 =	srdreg.scid;
	s1 =	stileid.u32  }
0x4: {  	s0 =	rddreg [dreg:$0x2];
	s10 =	simm.s32 $0x80;
	s11 =	simm.s32 $0x2800  }
0x5: {  	s14 =	simm.s32 $0x20;
	s15 =	simm.s32 $0x10;
	s16 =	simm.s32 $0x0  }
0x6: {  	s5 =	sand.u32 $0x1, s3;
	s6 =	sshll.u32 s1, $0x1;
	s7 =	smul.u32 $0x500, s1  }
0x7: {  	s3 =	simm.s32 $0x0;
	s30 =	smul.u32 $0xA00, s1;
	s12 =	sshll.u32 s1, $0x6  }
0x8: {  	s6 =	sor.u32 s5, s6;
	[smem:$0x7FF] =	sst s3;
	s8 =	sshll.u32 s5, $0x7  }
0x9: {  	s5 =	ssub.s32 $0x2, s5;
	s12 =	sor.u32 $0x1C01, s12;
	s6 =	smul.u32 $0x500, s6  }
0xa: {  	_ =	strace $0x80000047;
	s7 =	sor.u32 s8, s7;
	s31 =	sshrl.u32 s5, $0x1  }
0xb: {  	s8 =	sshrl.u32 s30, $0x2;
	s7 =	sshrl.u32 s7, $0x3;
	s9 =	ssub.s32 s5, s31  }
0xc: {  	s5 =	sadd.s32 s8, s2;
	s8 =	simm.s32 $0x1;
	s6 =	sadd.s32 s6, s4  }
0xd: {  	s7 =	sadd.s32 s7, s4;
	s13 =	sshrl.u32 s5, $0x3;
	s4 =	sadd.s32 $0x4800, s6  }
0xe: {  	v0 =	vimm.f32 $0.0e+00;
	v1 =	vimm.f32 $1.000000000e+00;
	s6 =	sadd.s32 $0xE800, s7;
	s7 =	smax.u32 s9, $0x1;
	s9 =	simm.s32 $0x2880  }
.LBB2_1:
0xf: {  	[tilespmem:$0x2880] =	vst v0  }
0x10: {  	[tilespmem:$0x2890] =	vst v0  }
0x11: {  	[tilespmem:$0x28A0] =	vst v0  }
0x12: {  	[tilespmem:$0x28B0] =	vst v0  }
0x13: {  	[tilespmem:$0x28C0] =	vst v0  }
0x14: {  	[tilespmem:$0x28D0] =	vst v0  }
0x15: {  	[tilespmem:$0x28E0] =	vst v0  }
0x16: {  	[tilespmem:$0x28F0] =	vst v0  }
0x17: {  	[tilespmem:$0x2900] =	vst v0  }
0x18: {  	[tilespmem:$0x2910] =	vst v0  }
0x19: {  	[tilespmem:$0x2920] =	vst v0  }
0x1a: {  	[tilespmem:$0x2930] =	vst v0  }
0x1b: {  	[tilespmem:$0x2940] =	vst v0  }
0x1c: {  	[tilespmem:$0x2950] =	vst v0  }
0x1d: {  	[tilespmem:$0x2960] =	vst v0  }
0x1e: {  	[tilespmem:$0x2970] =	vst v0  }
0x1f: {  	[tilespmem:$0x2980] =	vst v0  }
0x20: {  	[tilespmem:$0x2990] =	vst v0  }
0x21: {  	[tilespmem:$0x29A0] =	vst v0  }
0x22: {  	[tilespmem:$0x29B0] =	vst v0  }
0x23: {  	[tilespmem:$0x29C0] =	vst v0  }
0x24: {  	[tilespmem:$0x29D0] =	vst v0  }
0x25: {  	[tilespmem:$0x29E0] =	vst v0  }
0x26: {  	[tilespmem:$0x29F0] =	vst v0  }
0x27: {  	[tilespmem:$0x2A00] =	vst v0  }
0x28: {  	[tilespmem:$0x2A10] =	vst v0  }
0x29: {  	[tilespmem:$0x2A20] =	vst v0  }
0x2a: {  	[tilespmem:$0x2A30] =	vst v0  }
0x2b: {  	[tilespmem:$0x2A40] =	vst v0  }
0x2c: {  	[tilespmem:$0x2A50] =	vst v0  }
0x2d: {  	[tilespmem:$0x2A60] =	vst v0  }
0x2e: {  	[tilespmem:$0x2A70] =	vst v0  }
0x2f: {  	[tilespmem:$0x2A80] =	vst v0  }
0x30: {  	[tilespmem:$0x2A90] =	vst v0  }
0x31: {  	[tilespmem:$0x2AA0] =	vst v0  }
0x32: {  	[tilespmem:$0x2AB0] =	vst v0  }
0x33: {  	[tilespmem:$0x2AC0] =	vst v0  }
0x34: {  	[tilespmem:$0x2AD0] =	vst v0  }
0x35: {  	[tilespmem:$0x2AE0] =	vst v0  }
0x36: {  	[tilespmem:$0x2AF0] =	vst v0  }
0x37: {  	[tilespmem:$0x2800] =	vst v1  }
0x38: {  	[tilespmem:$0x2810] =	vst v1  }
0x39: {  	[tilespmem:$0x2820] =	vst v1  }
0x3a: {  	[tilespmem:$0x2830] =	vst v1  }
0x3b: {  	[tilespmem:$0x2840] =	vst v1  }
0x3c: {  	[tilespmem:$0x2850] =	vst v1  }
0x3d: {  	[tilespmem:$0x2860] =	vst v1  }
0x3e: {  	[tilespmem:$0x2870] =	vst v1  }
0x3f: {  	[tilespmem:s3], [sflag:$0x1] =	stream.linear.gather [hbm4b:s4+s3], $0x2800, $0x38;
	[tilespmem:$0x2D80] =	vst v63  }
0x40: {  	_ =	swait.ge [sflag:s8], $0x2800  }
0x41: {  	[sflag:s8] =	ssyncset.done $0x0  }
0x42: {  	[sflag:s8] =	ssyncadd.s32 $0xFFFFD800  }
0x43: {  	[spmem:s5] =	stream.linear.scatter [tilespmem:s9], [sflag:$0x1], $0x280, $0x38;
	[tilespmem:$0x2D80] =	vst v63  }
0x44: {  	_ =	swait.ge [sflag:s8], $0x280  }
0x45: {  	[sflag:s8] =	ssyncset.done $0x0  }
0x46: {  	[sflag:s8] =	ssyncadd.s32 $0xFFFFFD80  }
0x47: {  	s17 =	simm.s32 $0x0;
	[bflag:$0x0] =	sbarrier.arrive $0xFFFF  }
0x48: {  	[spmem:s2] =	stream.indirect.scatter.add.f32 [tilespmem:s11], [sflag:$0x1], $0x1, s17, s10, $0xb8;
	[tilespmem:$0x2D80] =	vst v63  }
0x49: {  	_ =	swait.ge [sflag:s8], $0x80  }
0x4a: {  	s17 =	simm.s32 $0x200;
	[sflag:s8] =	ssyncset.done $0x0  }
.LBB2_2:
0x4b: {  	s18 =	sshra.s32 s17, $0x2;
	[sflag:s8] =	ssyncadd.s32 $0xFFFFFF80;
	p0 =	sne.s32 s17, $0x9E00  }
0x4c: {  	[spmem:s2] =	stream.indirect.scatter.add.f32 [tilespmem:s11], [sflag:$0x1], $0x1, s18, s10, $0xb8;
	[tilespmem:$0x2D80] =	vst v63  }
.Ltmp0:
0x4d: {  	_ = 	snop;
	(pc) =	sbr.rel @p0 .LBB2_2-.Ltmp0, $4  }
0x4e: {  	_ = 	snop  }
0x4f: {  	s17 =	sadd.s32 $0x200, s17  }
0x50: {  	_ =	swait.ge [sflag:s8], $0x80  }
0x51: {  	[sflag:s8] =	ssyncset.done $0x0  }
0x52: {  	s16 =	sadd.s32 $0x1, s16  }
0x53: {  	[sflag:s8] =	ssyncadd.s32 $0xFFFFFF80;
	p0 =	sne.s32 s16, s7  }
.Ltmp1:
0x54: {  	[bflag:$0x0] =	sbarrier.arrive $0xFFFF;
	(pc) =	sbr.rel @p0 .LBB2_1-.Ltmp1, $4  }
0x55: {  	[hbm:s6@s14], [sflag:s12] =	dma.strided [spmem:s13@s15], $0x50, s8, $0x10   }
0x56: {  	_ =	swait.ge [sflag:s8], $0x50  }
0x57: {  	[sflag:s8] =	ssyncset.done $0x0  }
0x58: {  	[sflag:s8] =	ssyncadd.s32 $0xFFFFFFB0  }
0x59: {  	_ =	sfence.sel $0x180000  }
0x5a: {  	[bflag:$0x0] =	sbarrier.arrive $0xFFFF  }
0x5b: {  	p0 =	sne.s32 s1, $0x0;
	_ =	strace $0x90000047  }
0x5c: {  	s0 =	sadd.s32 @!p0 $0x100000, s0;
	[bflag:$0x2] =	sbarrier.arrive $0xFFFF  }
0x5d: {  	[sflag:s0] =	ssyncadd.tile.s32 @!p0 $0x1;
	_ =	shalt  }
.Lfunc_end2:
_tile_overlayer_lowered:
.L_overlay_start_2:
0x5e: {  	(tag) =	ssettag $0x2  }
0x5f: {  	s0 =	rddreg [dreg:$0x0];
	s2 =	stileid.u32  }
0x60: {  	s1 =	rddreg [dreg:$0x1];
	p0 =	sne.s32 s2, $0x0  }
0x61: {  	s3 =	rddreg [dreg:$0x2];
	[bflag:$0x3] =	sbarrier.arrive $0xFFFF;
	s2 =	simm.s32 @!p0 $0x1C01  }
0x62: {  	[timem:s3], [sflag:s2] =	dma.local @!p0 [hbm:s0], s1  }
0x63: {  	s0 =	simm.s32 @!p0 $0x1  }
0x64: {  	_ =	swait.ge @!p0 [sflag:s0], s1  }
0x65: {  	s1 =	ssub.s32 @!p0 $0x0, s1;
	[sflag:s0] =	ssyncset.done @!p0 $0x0  }
0x66: {  	[sflag:s0] =	ssyncadd.s32 @!p0 s1  }
0x67: {  	[bflag:$0x3] =	sbarrier.arrive $0xFFFF  }
0x68: {  	_ =	shalt  }

// kernel: kernel.13.cloned.1.call-start
scs
__scs_entry_jumppad:
0x0: {  	(pc) =	sbr.rel $0x88, $3  }
0x1: {  	(tag) =	ssettag $0x0;
	lr =	simm.s32 $0x1  }
0x2: {  	[smem:$0x3F8D] =	sst lr;
	_ =	strace $0xD0000000  }
0x3: {  	_ = 	snop  }
0x4: {  	_ = 	snop  }
0x5: {  	_ = 	snop  }
0x6: {  	_ = 	snop  }
0x7: {  	_ = 	snop  }
__scs_overlays_trampoline_lowered:
0x8: {  	[smem:$0x3F9C] =	sst s0  }
0x9: {  	[smem:$0x3F9D] =	sst s1  }
0xa: {  	[smem:$0x3F9E] =	sst s2  }
0xb: {  	[smem:$0x3F9F] =	sst s3  }
0xc: {  	[smem:$0x3FA0] =	sst s4  }
0xd: {  	[smem:$0x3FA1] =	sst s5  }
0xe: {  	[smem:$0x3FA2] =	sst s6  }
0xf: {  	[smem:$0x3FA3] =	sst s7  }
0x10: {  	[smem:$0x3FA4] =	sst s8  }
0x11: {  	[smem:$0x3FA5] =	sst s9;
	s0 =	simm.s32 @!p0 $0x0  }
0x12: {  	s1 =	sld [smem:$0x3F8B];
	s0 =	simm.s32 @p0 $0x1  }
0x13: {  	[smem:$0x3FA6] =	sst s0;
	s0 =	simm.s32 @!p1 $0x0  }
0x14: {  	s2 =	sld [smem:$0x3F8A];
	s0 =	simm.s32 @p1 $0x1  }
0x15: {  	[smem:$0x3FA7] =	sst s0;
	s0 =	simm.s32 @!p2 $0x0  }
0x16: {  	s3 =	sld [smem:$0x3FDB];
	s0 =	simm.s32 @p2 $0x1  }
0x17: {  	s4 =	simm.s32 $0x1BF5;
	[smem:$0x3FA9] =	sst s0  }
0x18: {  	s0 =	sld [smem:$0x3F8C];
	_ =	swait.ge [sflag:s4], $0x0  }
0x19: {  	s7 =	sld [smem:$0x3F8D]  }
0x1a: {  	s8 =	sadd.s32 $0xFFFFE003, lr  }
0x1b: {  	s9 =	sadd.s32 $0xFFFFFEF7, lr;
	s5 =	simm.s32 $0xFFFFFFFF;
	p2 =	slt.u32 s8, $0xFFFFF086  }
0x1c: {  	p1 =	slt.u32 s9, $0xF7A;
	s5 =	simm.s32 @!p2 $0x0  }
0x1d: {  	s5 =	simm.s32 @p1 $0x1;
	p0 =	seq.s32 s7, s2  }
0x1e: {  	s7 =	smul.u32 @!p0 $0xF7A, s2;
	p2 =	seq.s32 @!p0 s5, $0x0  }
0x1f: {  	s9 =	smul.u32 $0xF7A, s1;
	s8 =	simm.s32 @!p0 $0x1BF5;
	p2 =	por !p2, p0  }
0x20: {  	[sflag:s8] =	ssyncset.s32 @!p0 $0xFFFFF086;
	s6 =	sadd.s32 @!p0 s3, s7;
	s7 =	simm.s32 @!p0 $0x108  }
0x21: {  	s3 =	sadd.s32 s3, s9;
	s6 =	sadd.s32 @!p0 $0x88, s6;
	s7 =	simm.s32 @p2 $0x1082  }
0x22: {  	[simem:s7], [sflag:s8] =	dma.local @!p0 [hbm:s6], $0xF7A  }
0x23: {  	s9 =	sor.u32 $0xD0000000, s2;
	s6 =	simm.s32 $0x108;
	_ =	swait.ge @!p0 [sflag:s8], $0x0  }
0x24: {  	s3 =	sadd.s32 $0x88, s3;
	s6 =	simm.s32 @!p1 $0x1082;
	[sflag:s4] =	ssyncset.s32 $0xFFFFF086  }
0x25: {  	[simem:s6], [sflag:s4] =	dma.local [hbm:s3], $0xF7A  }
0x26: {  	[smem:$0x3F8D] =	sst s1;
	(tag) =	ssettag s2;
	_ =	strace s9  }
0x27: {  	s1 =	sld [smem:$0x3F9D]  }
0x28: {  	s2 =	sld [smem:$0x3F9E]  }
0x29: {  	s4 =	sld [smem:$0x3FA0]  }
0x2a: {  	p0 =	seq.s32 s5, $0x0;
	s5 =	sld [smem:$0x3FA1]  }
0x2b: {  	s6 =	sld [smem:$0x3FA2]  }
0x2c: {  	s7 =	sld [smem:$0x3FA3]  }
0x2d: {  	s3 =	simm.s32 $0x108;
	s8 =	sld [smem:$0x3FA4]  }
0x2e: {  	s3 =	simm.s32 @!p0 $0x1082;
	s9 =	sld [smem:$0x3FA5]  }
0x2f: {  	lr =	sadd.s32 s0, s3;
	s0 =	sld [smem:$0x3F9C]  }
0x30: {  	s3 =	sld [smem:$0x3F9F]  }
0x31: {  	[smem:$0x3FA8] =	sst s10  }
0x32: {  	s10 =	sld [smem:$0x3FA6];
	_ =	sdelay $0x3  }
0x33: {  	p0 =	seq.s32 s10, $0x1;
	s10 =	sld [smem:$0x3FA8];
	_ =	sdelay $0x3  }
0x34: {  	[smem:$0x3FA8] =	sst s10  }
0x35: {  	s10 =	sld [smem:$0x3FA7];
	_ =	sdelay $0x3  }
0x36: {  	p1 =	seq.s32 s10, $0x1;
	s10 =	sld [smem:$0x3FA8];
	_ =	sdelay $0x3  }
0x37: {  	[smem:$0x3FA8] =	sst s10  }
0x38: {  	s10 =	sld [smem:$0x3FA9]  }
0x39: {  	_ = 	snop;
	(pc) =	sbr.ind lr, $3  }
0x3a: {  	_ = 	snop  }
0x3b: {  	_ = 	snop  }
0x3c: {  	p2 =	seq.s32 s10, $0x1;
	s10 =	sld [smem:$0x3FA8]  }
0x3d: {  	_ =	shalt  }
0x3e: {  	_ =	shalt  }
0x3f: {  	_ =	shalt  }
0x40: {  	_ =	shalt  }
0x41: {  	_ =	shalt  }
0x42: {  	_ =	shalt  }
0x43: {  	_ =	shalt  }
0x44: {  	_ =	shalt  }
0x45: {  	_ =	shalt  }
0x46: {  	_ =	shalt  }
0x47: {  	_ =	shalt  }
0x48: {  	_ =	shalt  }
0x49: {  	_ =	shalt  }
0x4a: {  	_ =	shalt  }
0x4b: {  	_ =	shalt  }
0x4c: {  	_ =	shalt  }
0x4d: {  	_ =	shalt  }
0x4e: {  	_ =	shalt  }
0x4f: {  	_ =	shalt  }
0x50: {  	_ =	shalt  }
0x51: {  	_ =	shalt  }
0x52: {  	_ =	shalt  }
0x53: {  	_ =	shalt  }
0x54: {  	_ =	shalt  }
0x55: {  	_ =	shalt  }
0x56: {  	_ =	shalt  }
0x57: {  	_ =	shalt  }
0x58: {  	_ =	shalt  }
0x59: {  	_ =	shalt  }
0x5a: {  	_ =	shalt  }
0x5b: {  	_ =	shalt  }
0x5c: {  	_ =	shalt  }
0x5d: {  	_ =	shalt  }
0x5e: {  	_ =	shalt  }
0x5f: {  	_ =	shalt  }
0x60: {  	_ =	shalt  }
0x61: {  	_ =	shalt  }
0x62: {  	_ =	shalt  }
0x63: {  	_ =	shalt  }
0x64: {  	_ =	shalt  }
0x65: {  	_ =	shalt  }
0x66: {  	_ =	shalt  }
0x67: {  	_ =	shalt  }
0x68: {  	_ =	shalt  }
0x69: {  	_ =	shalt  }
0x6a: {  	_ =	shalt  }
0x6b: {  	_ =	shalt  }
0x6c: {  	_ =	shalt  }
0x6d: {  	_ =	shalt  }
0x6e: {  	_ =	shalt  }
0x6f: {  	_ =	shalt  }
0x70: {  	_ =	shalt  }
0x71: {  	_ =	shalt  }
0x72: {  	_ =	shalt  }
0x73: {  	_ =	shalt  }
0x74: {  	_ =	shalt  }
0x75: {  	_ =	shalt  }
0x76: {  	_ =	shalt  }
0x77: {  	_ =	shalt  }
0x78: {  	_ =	shalt  }
0x79: {  	_ =	shalt  }
0x7a: {  	_ =	shalt  }
0x7b: {  	_ =	shalt  }
0x7c: {  	_ =	shalt  }
0x7d: {  	_ =	shalt  }
0x7e: {  	_ =	shalt  }
0x7f: {  	_ =	shalt  }
0x80: {  	_ =	shalt  }
0x81: {  	_ =	shalt  }
0x82: {  	_ =	shalt  }
0x83: {  	_ =	shalt  }
0x84: {  	_ =	shalt  }
0x85: {  	_ =	shalt  }
0x86: {  	_ =	shalt  }
0x87: {  	_ =	shalt  }
.Lfunc_end0:
.L_simem_size_0:
called_computation.1_lowered:
.L_overlay_start_0:
0x88: {  	s2 =	sld [smem:$0x3FD9]  }
0x89: {  	s3 =	sld [smem:$0x3FFE];
	_ =	sdelay $0x1  }
0x8a: {  	s1 =	srdreg.scid  }
0x8b: {  	s0 =	sand.u32 $0x1, s1  }
0x8c: {  	s16 =	sshll.u32 s0, $0xA;
	s2 =	sadd.s32 s3, s2  }
0x8d: {  	s2 =	sadd.s32 s2, s16  }
0x8e: {  	[smem:$0x3FB4] =	sst s2  }
0x8f: {  	_ = 	snop  }
0x90: {  	(tm) =	ssettm $0x1  }
0x91: {  	s17 =	sld [smem:$0x3FFB];
	_ =	sdelay $0x3  }
0x92: {  	_ =	strace s17  }
0x93: {  	s2 =	sld [smem:$0x3FFC];
	_ =	sdelay $0x3  }
0x94: {  	_ =	strace s2  }
0x95: {  	s2 =	sld [smem:$0x3FFD];
	_ =	sdelay $0x3  }
0x96: {  	_ =	strace s2  }
0x97: {  	_ =	strace $0x8FFFFFFF  }
0x98: {  	s18 =	sld [smem:$0x3FDB];
	_ =	sdelay $0x1  }
0x99: {  	s19 =	simm.s32 $_scs_section_size  }
0x9a: {  	s4 =	simm.s32 $_size__tile_overlayer_lowered;
	s5 =	simm.s32 $_tile_overlayer_lowered  }
0x9b: {  	s22 =	simm.s32 $0x1BFF;
	s21 =	sshll.u32 s5, $0x1;
	s2 =	sadd.s32 s19, s18  }
0x9c: {  	s6 =	simm.s32 $0x0;
	s20 =	sshll.u32 s4, $0x1;
	s4 =	sadd.s32 s21, s2  }
0x9d: {  	[timem:s6], [sflag:s22] =	dma.local [hbm:s4], s20  }
0x9e: {  	_ =	swait.ge [sflag:s22], s20  }
0x9f: {  	s3 =	ssub.s32 $0x0, s20;
	[sflag:s22] =	ssyncset.done $0x0  }
0xa0: {  	[sflag:s22] =	ssyncadd.s32 s3;
	_ =	sdelay $0x1  }
0xa1: {  	s23 =	simm.s32 $0x1B8B  }
0xa2: {  	_ =	swait.ge [sflag:s23], $0x1  }
0xa3: {  	[sflag:s23] =	ssyncset.done $0x0  }
0xa4: {  	s25 =	simm.s32 $0x1B8E;
	s24 =	sld [smem:$0x3FFE];
	[sflag:s23] =	ssyncadd.s32 $0xFFFFFFFF  }
0xa5: {  	s26 =	simm.s32 $execute0_lowered;
	[smem:$0x3FD2] =	sst s25  }
0xa6: {  	s4 =	sshll.u32 s26, $0x1;
	_ =	strace $0x80000049;
	[dreg:$0x1] =	wrdreg $0xFFFFFFFF  }
0xa7: {  	s28 =	simm.s32 $_size_execute0_lowered;
	s2 =	sadd.s32 s2, s4;
	[dreg:$0x0] =	wrdreg $0x0  }
0xa8: {  	s4 =	sshll.u32 s28, $0x1;
	[dreg:$0x2] =	wrdreg s2  }
0xa9: {  	[dreg:$0x3] =	wrdreg s4  }
0xaa: {  	[dreg:$0x4] =	wrdreg $0xC0  }
0xab: {  	_ =	task [dreg:s6], $0x5FFFF  }
0xac: {  	[dreg:$0x1] =	wrdreg $0xFFFFFFFF  }
0xad: {  	[dreg:$0x0] =	wrdreg $0x60  }
0xae: {  	[dreg:$0x2] =	wrdreg s24  }
0xaf: {  	[dreg:$0x3] =	wrdreg $0x41000  }
0xb0: {  	[dreg:$0x4] =	wrdreg $0x9  }
0xb1: {  	_ =	task.clear_ibuf [dreg:s6], $0x5FFFF;
	_ =	strace $0x90000049  }
0xb2: {  	s29 =	simm.s32 $0x9;
	_ =	strace $0x8000004B  }
0xb3: {  	_ =	swait.ge [sflag:s29], $0x1  }
0xb4: {  	[sflag:s29] =	ssyncadd.s32 $0xFFFFFFFF  }
0xb5: {  	_ =	strace $0x9000004B  }
0xb6: {  	_ =	sfence  }
0xb7: {  	s30 =	sld [smem:$0x0];
	_ =	sdelay $0x2  }
0xb8: {  	s31 =	sshll.u32 s1, $0xD;
	s1 =	sshrl.u32 s1, $0x2  }
0xb9: {  	s3 =	sand.u32 $0x4000, s31;
	s1 =	sadd.s32 s1, s30  }
0xba: {  	s0 =	sor.u32 s3, s0;
	s1 =	sshll.u32 s1, $0x11  }
0xbb: {  	s0 =	sor.u32 s1, s0  }
0xbc: {  	s0 =	sadd.s32 $0x8F2B, s0  }
0xbd: {  	[sflag:s0] =	ssyncadd.remote.s32 $0x1  }
0xbe: {  	_ =	sfence.sel $0xFFFF  }
0xbf: {  	[dreg:$0x0] =	wrdreg $0xFFFFFFFF;
	(pc) =	sbr.abs _section_cstart, $3  }
0xc0: {  	[dreg:$0x1] =	wrdreg $0xFFFFFFFF  }
0xc1: {  	_ =	task.clear_ibuf [dreg:s6], $0x2FFFF;
	_ =	strace $0x9FFFFFFF  }
0xc2: {  	(tm) =	ssettm $0x7FFFFFFF  }
0xc3: {  	_ =	shalt  }
tec
execute0_lowered:
.L_overlay_start_1:
0x0: {  	(tag) =	ssettag $0x1  }
0x1: {  	s5 =	rddreg [dreg:$0x0]  }
0x2: {  	s2 =	rddreg [dreg:$0x1]  }
0x3: {  	s0 =	rddreg [dreg:$0x2];
	s3 =	simm.s32 $0x0;
	s1 =	stileid.u32  }
0x4: {  	s4 =	srdreg.scid;
	s21 =	simm.s32 $0x0;
	s6 =	smul.u32 $0xA00, s1  }
0x5: {  	[smem:$0x7FF] =	sst s3;
	s12 =	sand.u32 $0x1, s4;
	s7 =	smul.u32 $0x50000, s1  }
0x6: {  	s4 =	sadd.s32 $0x23600, s5;
	s9 =	smul.u32 $0x14000, s1;
	s14 =	sadd.s32 $0x4B600, s5  }
0x7: {  	_ =	strace $0x8000004A;
	s24 =	ssub.s32 $0x2, s12;
	s13 =	smul.u32 $0x140000, s12  }
0x8: {  	s29 =	smul.u32 $0x500, s12;
	s16 =	sadd.s32 s6, s5;
	s8 =	sshrl.u32 s24, $0x1  }
0x9: {  	s7 =	sshrl.u32 s7, $0x2;
	s10 =	sadd.s32 $0x4000, s9;
	s11 =	sadd.s32 $0x8000, s9  }
0xa: {  	s17 =	sadd.s32 $0xC000, s9;
	s18 =	sadd.s32 $0x10000, s9;
	s15 =	ssub.s32 s24, s8  }
0xb: {  	s5 =	sadd.s32 s7, s2;
	s6 =	sadd.s32 s10, s2;
	s7 =	sadd.s32 s11, s2  }
0xc: {  	s8 =	sadd.s32 s17, s2;
	s19 =	sadd.s32 s9, s13;
	s9 =	sadd.s32 s18, s2  }
0xd: {  	s20 =	sadd.s32 s13, s10;
	s26 =	sadd.s32 s13, s11;
	s17 =	sadd.s32 s13, s17  }
0xe: {  	s18 =	sadd.s32 s13, s18;
	s31 =	sadd.s32 s29, s16;
	s19 =	sshrl.u32 s19, $0x3  }
0xf: {  	s25 =	sshrl.u32 s20, $0x3;
	s28 =	sshrl.u32 s26, $0x3;
	s17 =	sshrl.u32 s17, $0x3  }
0x10: {  	s30 =	sshrl.u32 s18, $0x3;
	s15 =	smax.u32 s15, $0x1;
	s16 =	sadd.s32 $0xF200, s31  }
0x11: {  	s18 =	simm.s32 $0x100;
	s20 =	simm.s32 $0x80;
	s10 =	sadd.s32 s14, s19  }
0x12: {  	s11 =	sadd.s32 s14, s25;
	s12 =	sadd.s32 s14, s28;
	s13 =	sadd.s32 s14, s17  }
0x13: {  	v0 =	vimm.f32 $0.0e+00;
	s14 =	sadd.s32 s14, s30;
	s17 =	sadd.s32 $0x19400, s31;
	s19 =	simm.s32 $0x1  }
.LBB2_1:
0x14: {  	s22 =	sand.u32 $0xFE00, s3  }
0x15: {  	s23 =	sand.u32 $0x70, s3;
	s24 =	sshrl.u32 s22, $0x2  }
0x16: {  	s22 =	simm.s32 $0x40;
	s24 =	sor.u32 s23, s24;
	s23 =	simm.s32 $0x0  }
.LBB2_2:
0x17: {  	p0 =	sne.s32 s22, $0xFFC0  }
0x18: {  	[tilespmem:s24+$0x100] =	vst v0;
	s23 =	sadd.s32 $0x10, s23;
	s24 =	smov.u32 s22;
	s22 =	sadd.s32 $0x40, s22  }
.Ltmp0:
0x19: {  	(pc) =	sbr.rel @p0 .LBB2_2-.Ltmp0, $4  }
0x1a: {  	_ = 	snop  }
0x1b: {  	s24 =	sand.u32 $0xFE00, s24  }
0x1c: {  	s25 =	sand.u32 $0x70, s23;
	s24 =	sshrl.u32 s24, $0x2  }
0x1d: {  	s24 =	sor.u32 s25, s24  }
0x1e: {  	[tilespmem:s24+$0x100] =	vst v0  }
0x1f: {  	[spmem:s5] =	stream.linear.scatter [tilespmem:s18], [sflag:$0x1], $0x4000, $0x38;
	[tilespmem:$0x18100] =	vst v63  }
0x20: {  	_ =	swait.ge [sflag:s19], $0x4000  }
0x21: {  	[sflag:s19] =	ssyncset.done $0x0  }
0x22: {  	[sflag:s19] =	ssyncadd.s32 $0xFFFFC000  }
0x23: {  	[spmem:s6] =	stream.linear.scatter [tilespmem:s18], [sflag:$0x1], $0x4000, $0x38;
	[tilespmem:$0x18100] =	vst v63  }
0x24: {  	_ =	swait.ge [sflag:s19], $0x4000  }
0x25: {  	[sflag:s19] =	ssyncset.done $0x0  }
0x26: {  	[sflag:s19] =	ssyncadd.s32 $0xFFFFC000  }
0x27: {  	[spmem:s7] =	stream.linear.scatter [tilespmem:s18], [sflag:$0x1], $0x4000, $0x38;
	[tilespmem:$0x18100] =	vst v63  }
0x28: {  	_ =	swait.ge [sflag:s19], $0x4000  }
0x29: {  	[sflag:s19] =	ssyncset.done $0x0  }
0x2a: {  	[sflag:s19] =	ssyncadd.s32 $0xFFFFC000  }
0x2b: {  	[spmem:s8] =	stream.linear.scatter [tilespmem:s18], [sflag:$0x1], $0x4000, $0x38;
	[tilespmem:$0x18100] =	vst v63  }
0x2c: {  	_ =	swait.ge [sflag:s19], $0x4000  }
0x2d: {  	[sflag:s19] =	ssyncset.done $0x0  }
0x2e: {  	[sflag:s19] =	ssyncadd.s32 $0xFFFFC000  }
0x2f: {  	[spmem:s9] =	stream.linear.scatter [tilespmem:s18], [sflag:$0x1], $0x4000, $0x38;
	[tilespmem:$0x18100] =	vst v63  }
0x30: {  	_ =	swait.ge [sflag:s19], $0x4000  }
0x31: {  	[sflag:s19] =	ssyncset.done $0x0  }
0x32: {  	[sflag:s19] =	ssyncadd.s32 $0xFFFFC000  }
0x33: {  	s22 =	sadd.s32 $0x0, s17;
	[bflag:$0x0] =	sbarrier.arrive $0xFFFF  }
0x34: {  	[tilespmem:s3], [sflag:$0x1] =	stream.linear.gather [hbm4b:s22+s3], $0x80, $0x38;
	[tilespmem:$0x18100] =	vst v63  }
0x35: {  	_ =	swait.ge [sflag:s19], $0x80  }
0x36: {  	[sflag:s19] =	ssyncset.done $0x0  }
0x37: {  	s31 =	sadd.s32 $0x0, s16;
	[sflag:s19] =	ssyncadd.s32 $0xFFFFFF80  }
0x38: {  	[tilespmem:s20], [sflag:$0x1] =	stream.linear.gather [hbm4b:s31+s3], $0x80, $0x38;
	[tilespmem:$0x18100] =	vst v63  }
0x39: {  	_ =	swait.ge [sflag:s19], $0x80  }
0x3a: {  	[sflag:s19] =	ssyncset.done $0x0  }
0x3b: {  	[sflag:s19] =	ssyncadd.s32 $0xFFFFFF80  }
0x3c: {  	[tilespmem:s18], [sflag:$0x1] =	stream.indirect.gather [hbm4b:s4+s20], $0x80, s3, s20, $0xb8;
	[tilespmem:$0x18100] =	vst v63  }
0x3d: {  	_ =	swait.ge [sflag:s19], $0x4000  }
0x3e: {  	[sflag:s19] =	ssyncset.done $0x0  }
0x3f: {  	[sflag:s19] =	ssyncadd.s32 $0xFFFFC000  }
0x40: {  	[spmem:s2] =	stream.indirect.scatter.add.f32 [tilespmem:s18], [sflag:$0x1], $0x80, s20, s20, $0xb8;
	[tilespmem:$0x18100] =	vst v63  }
0x41: {  	_ =	swait.ge [sflag:s19], $0x4000  }
0x42: {  	s23 =	simm.s32 $0x20;
	s22 =	simm.s32 $0x10;
	[sflag:s19] =	ssyncset.done $0x0  }
.LBB2_4:
0x43: {  	s24 =	sadd.s32 s22, s17  }
0x44: {  	[sflag:s19] =	ssyncadd.s32 $0xFFFFC000;
	s25 =	smov.u32 s23;
	s26 =	sadd.s32 $0x10, s23  }
0x45: {  	[tilespmem:s3], [sflag:$0x1] =	stream.linear.gather [hbm4b:s24+s3], $0x80, $0x38;
	[tilespmem:$0x18100] =	vst v63  }
0x46: {  	p0 =	sne.s32 s23, $0x4F0;
	_ =	swait.ge [sflag:s19], $0x80  }
0x47: {  	[sflag:s19] =	ssyncset.done $0x0  }
0x48: {  	s23 =	sadd.s32 s22, s16;
	s22 =	smov.u32 s25;
	[sflag:s19] =	ssyncadd.s32 $0xFFFFFF80  }
0x49: {  	[tilespmem:s20], [sflag:$0x1] =	stream.linear.gather [hbm4b:s23+s3], $0x80, $0x38;
	[tilespmem:$0x18100] =	vst v63  }
0x4a: {  	_ =	swait.ge [sflag:s19], $0x80  }
0x4b: {  	[sflag:s19] =	ssyncset.done $0x0  }
0x4c: {  	[sflag:s19] =	ssyncadd.s32 $0xFFFFFF80  }
0x4d: {  	[tilespmem:s18], [sflag:$0x1] =	stream.indirect.gather [hbm4b:s4+s20], $0x80, s3, s20, $0xb8;
	[tilespmem:$0x18100] =	vst v63  }
0x4e: {  	_ =	swait.ge [sflag:s19], $0x4000  }
.Ltmp1:
0x4f: {  	[sflag:s19] =	ssyncset.done $0x0;
	(pc) =	sbr.rel @p0 .LBB2_4-.Ltmp1, $4  }
0x50: {  	[sflag:s19] =	ssyncadd.s32 $0xFFFFC000  }
0x51: {  	[spmem:s2] =	stream.indirect.scatter.add.f32 [tilespmem:s18], [sflag:$0x1], $0x80, s20, s20, $0xb8;
	[tilespmem:$0x18100] =	vst v63  }
0x52: {  	_ =	swait.ge [sflag:s19], $0x4000  }
0x53: {  	s23 =	smov.u32 s26;
	[sflag:s19] =	ssyncset.done $0x0  }
0x54: {  	s23 =	sadd.s32 s22, s17;
	[sflag:s19] =	ssyncadd.s32 $0xFFFFC000  }
0x55: {  	[tilespmem:s3], [sflag:$0x1] =	stream.linear.gather [hbm4b:s23+s3], $0x80, $0x38;
	[tilespmem:$0x18100] =	vst v63  }
0x56: {  	_ =	swait.ge [sflag:s19], $0x80  }
0x57: {  	[sflag:s19] =	ssyncset.done $0x0  }
0x58: {  	s24 =	sadd.s32 s22, s16;
	[sflag:s19] =	ssyncadd.s32 $0xFFFFFF80  }
0x59: {  	[tilespmem:s20], [sflag:$0x1] =	stream.linear.gather [hbm4b:s24+s3], $0x80, $0x38;
	[tilespmem:$0x18100] =	vst v63  }
0x5a: {  	_ =	swait.ge [sflag:s19], $0x80  }
0x5b: {  	[sflag:s19] =	ssyncset.done $0x0  }
0x5c: {  	[sflag:s19] =	ssyncadd.s32 $0xFFFFFF80  }
0x5d: {  	[tilespmem:s18], [sflag:$0x1] =	stream.indirect.gather [hbm4b:s4+s20], $0x80, s3, s20, $0xb8;
	[tilespmem:$0x18100] =	vst v63  }
0x5e: {  	_ =	swait.ge [sflag:s19], $0x4000  }
0x5f: {  	[sflag:s19] =	ssyncset.done $0x0  }
0x60: {  	[sflag:s19] =	ssyncadd.s32 $0xFFFFC000  }
0x61: {  	[spmem:s2] =	stream.indirect.scatter.add.f32 [tilespmem:s18], [sflag:$0x1], $0x80, s20, s20, $0xb8;
	[tilespmem:$0x18100] =	vst v63  }
0x62: {  	_ =	swait.ge [sflag:s19], $0x4000  }
0x63: {  	[sflag:s19] =	ssyncset.done $0x0  }
0x64: {  	s25 =	sshll.u32 s1, $0x6;
	[sflag:s19] =	ssyncadd.s32 $0xFFFFC000  }
0x65: {  	s26 =	sshrl.u32 s5, $0x3;
	s22 =	sor.u32 $0x1C01, s25;
	[bflag:$0x0] =	sbarrier.arrive $0xFFFF  }
0x66: {  	[hbm:s10], [sflag:s22] =	dma.local [spmem:s26], $0x800  }
0x67: {  	_ =	swait.ge [sflag:s19], $0x800  }
0x68: {  	[sflag:s19] =	ssyncset.done $0x0  }
0x69: {  	s28 =	sshrl.u32 s6, $0x3;
	[sflag:s19] =	ssyncadd.s32 $0xFFFFF800  }
0x6a: {  	[hbm:s11], [sflag:s22] =	dma.local [spmem:s28], $0x800  }
0x6b: {  	_ =	swait.ge [sflag:s19], $0x800  }
0x6c: {  	[sflag:s19] =	ssyncset.done $0x0  }
0x6d: {  	s29 =	sshrl.u32 s7, $0x3;
	[sflag:s19] =	ssyncadd.s32 $0xFFFFF800  }
0x6e: {  	[hbm:s12], [sflag:s22] =	dma.local [spmem:s29], $0x800  }
0x6f: {  	_ =	swait.ge [sflag:s19], $0x800  }
0x70: {  	[sflag:s19] =	ssyncset.done $0x0  }
0x71: {  	s30 =	sshrl.u32 s8, $0x3;
	[sflag:s19] =	ssyncadd.s32 $0xFFFFF800  }
0x72: {  	[hbm:s13], [sflag:s22] =	dma.local [spmem:s30], $0x800  }
0x73: {  	s21 =	sadd.s32 $0x1, s21;
	_ =	swait.ge [sflag:s19], $0x800  }
0x74: {  	p0 =	sne.s32 s21, s15;
	[sflag:s19] =	ssyncset.done $0x0  }
.Ltmp2:
0x75: {  	s31 =	sshrl.u32 s9, $0x3;
	[sflag:s19] =	ssyncadd.s32 $0xFFFFF800;
	(pc) =	sbr.rel @p0 .LBB2_1-.Ltmp2, $4  }
0x76: {  	[hbm:s14], [sflag:s22] =	dma.local [spmem:s31], $0x800  }
0x77: {  	_ =	swait.ge [sflag:s19], $0x800  }
0x78: {  	[sflag:s19] =	ssyncset.done $0x0  }
0x79: {  	[sflag:s19] =	ssyncadd.s32 $0xFFFFF800  }
0x7a: {  	_ =	sfence.sel $0x180000  }
0x7b: {  	[bflag:$0x0] =	sbarrier.arrive $0xFFFF  }
0x7c: {  	p0 =	sne.s32 s1, $0x0;
	_ =	strace $0x9000004A  }
0x7d: {  	s0 =	sadd.s32 @!p0 $0x100000, s0;
	[bflag:$0x2] =	sbarrier.arrive $0xFFFF  }
0x7e: {  	[sflag:s0] =	ssyncadd.tile.s32 @!p0 $0x1;
	_ =	shalt  }
.Lfunc_end2:
_tile_overlayer_lowered:
.L_overlay_start_2:
0x7f: {  	(tag) =	ssettag $0x2  }
0x80: {  	s0 =	rddreg [dreg:$0x0];
	s2 =	stileid.u32  }
0x81: {  	s1 =	rddreg [dreg:$0x1];
	p0 =	sne.s32 s2, $0x0  }
0x82: {  	s3 =	rddreg [dreg:$0x2];
	[bflag:$0x3] =	sbarrier.arrive $0xFFFF;
	s2 =	simm.s32 @!p0 $0x1C01  }
0x83: {  	[timem:s3], [sflag:s2] =	dma.local @!p0 [hbm:s0], s1  }
0x84: {  	s0 =	simm.s32 @!p0 $0x1  }
0x85: {  	_ =	swait.ge @!p0 [sflag:s0], s1  }
0x86: {  	s1 =	ssub.s32 @!p0 $0x0, s1;
	[sflag:s0] =	ssyncset.done @!p0 $0x0  }
0x87: {  	[sflag:s0] =	ssyncadd.s32 @!p0 s1  }
0x88: {  	[bflag:$0x3] =	sbarrier.arrive $0xFFFF  }
0x89: {  	_ =	shalt  }

// kernel: kernel.16.cloned.1.call-start
scs
__scs_entry_jumppad:
0x0: {  	(pc) =	sbr.rel $0x88, $3  }
0x1: {  	(tag) =	ssettag $0x0;
	lr =	simm.s32 $0x1  }
0x2: {  	[smem:$0x3F8D] =	sst lr;
	_ =	strace $0xD0000000  }
0x3: {  	_ = 	snop  }
0x4: {  	_ = 	snop  }
0x5: {  	_ = 	snop  }
0x6: {  	_ = 	snop  }
0x7: {  	_ = 	snop  }
__scs_overlays_trampoline_lowered:
0x8: {  	[smem:$0x3F9C] =	sst s0  }
0x9: {  	[smem:$0x3F9D] =	sst s1  }
0xa: {  	[smem:$0x3F9E] =	sst s2  }
0xb: {  	[smem:$0x3F9F] =	sst s3  }
0xc: {  	[smem:$0x3FA0] =	sst s4  }
0xd: {  	[smem:$0x3FA1] =	sst s5  }
0xe: {  	[smem:$0x3FA2] =	sst s6  }
0xf: {  	[smem:$0x3FA3] =	sst s7  }
0x10: {  	[smem:$0x3FA4] =	sst s8  }
0x11: {  	[smem:$0x3FA5] =	sst s9;
	s0 =	simm.s32 @!p0 $0x0  }
0x12: {  	s1 =	sld [smem:$0x3F8B];
	s0 =	simm.s32 @p0 $0x1  }
0x13: {  	[smem:$0x3FA6] =	sst s0;
	s0 =	simm.s32 @!p1 $0x0  }
0x14: {  	s2 =	sld [smem:$0x3F8A];
	s0 =	simm.s32 @p1 $0x1  }
0x15: {  	[smem:$0x3FA7] =	sst s0;
	s0 =	simm.s32 @!p2 $0x0  }
0x16: {  	s3 =	sld [smem:$0x3FDB];
	s0 =	simm.s32 @p2 $0x1  }
0x17: {  	s4 =	simm.s32 $0x1BF5;
	[smem:$0x3FA9] =	sst s0  }
0x18: {  	s0 =	sld [smem:$0x3F8C];
	_ =	swait.ge [sflag:s4], $0x0  }
0x19: {  	s7 =	sld [smem:$0x3F8D]  }
0x1a: {  	s8 =	sadd.s32 $0xFFFFE003, lr  }
0x1b: {  	s9 =	sadd.s32 $0xFFFFFEF7, lr;
	s5 =	simm.s32 $0xFFFFFFFF;
	p2 =	slt.u32 s8, $0xFFFFF086  }
0x1c: {  	p1 =	slt.u32 s9, $0xF7A;
	s5 =	simm.s32 @!p2 $0x0  }
0x1d: {  	s5 =	simm.s32 @p1 $0x1;
	p0 =	seq.s32 s7, s2  }
0x1e: {  	s7 =	smul.u32 @!p0 $0xF7A, s2;
	p2 =	seq.s32 @!p0 s5, $0x0  }
0x1f: {  	s9 =	smul.u32 $0xF7A, s1;
	s8 =	simm.s32 @!p0 $0x1BF5;
	p2 =	por !p2, p0  }
0x20: {  	[sflag:s8] =	ssyncset.s32 @!p0 $0xFFFFF086;
	s6 =	sadd.s32 @!p0 s3, s7;
	s7 =	simm.s32 @!p0 $0x108  }
0x21: {  	s3 =	sadd.s32 s3, s9;
	s6 =	sadd.s32 @!p0 $0x88, s6;
	s7 =	simm.s32 @p2 $0x1082  }
0x22: {  	[simem:s7], [sflag:s8] =	dma.local @!p0 [hbm:s6], $0xF7A  }
0x23: {  	s9 =	sor.u32 $0xD0000000, s2;
	s6 =	simm.s32 $0x108;
	_ =	swait.ge @!p0 [sflag:s8], $0x0  }
0x24: {  	s3 =	sadd.s32 $0x88, s3;
	s6 =	simm.s32 @!p1 $0x1082;
	[sflag:s4] =	ssyncset.s32 $0xFFFFF086  }
0x25: {  	[simem:s6], [sflag:s4] =	dma.local [hbm:s3], $0xF7A  }
0x26: {  	[smem:$0x3F8D] =	sst s1;
	(tag) =	ssettag s2;
	_ =	strace s9  }
0x27: {  	s1 =	sld [smem:$0x3F9D]  }
0x28: {  	s2 =	sld [smem:$0x3F9E]  }
0x29: {  	s4 =	sld [smem:$0x3FA0]  }
0x2a: {  	p0 =	seq.s32 s5, $0x0;
	s5 =	sld [smem:$0x3FA1]  }
0x2b: {  	s6 =	sld [smem:$0x3FA2]  }
0x2c: {  	s7 =	sld [smem:$0x3FA3]  }
0x2d: {  	s3 =	simm.s32 $0x108;
	s8 =	sld [smem:$0x3FA4]  }
0x2e: {  	s3 =	simm.s32 @!p0 $0x1082;
	s9 =	sld [smem:$0x3FA5]  }
0x2f: {  	lr =	sadd.s32 s0, s3;
	s0 =	sld [smem:$0x3F9C]  }
0x30: {  	s3 =	sld [smem:$0x3F9F]  }
0x31: {  	[smem:$0x3FA8] =	sst s10  }
0x32: {  	s10 =	sld [smem:$0x3FA6];
	_ =	sdelay $0x3  }
0x33: {  	p0 =	seq.s32 s10, $0x1;
	s10 =	sld [smem:$0x3FA8];
	_ =	sdelay $0x3  }
0x34: {  	[smem:$0x3FA8] =	sst s10  }
0x35: {  	s10 =	sld [smem:$0x3FA7];
	_ =	sdelay $0x3  }
0x36: {  	p1 =	seq.s32 s10, $0x1;
	s10 =	sld [smem:$0x3FA8];
	_ =	sdelay $0x3  }
0x37: {  	[smem:$0x3FA8] =	sst s10  }
0x38: {  	s10 =	sld [smem:$0x3FA9]  }
0x39: {  	_ = 	snop;
	(pc) =	sbr.ind lr, $3  }
0x3a: {  	_ = 	snop  }
0x3b: {  	_ = 	snop  }
0x3c: {  	p2 =	seq.s32 s10, $0x1;
	s10 =	sld [smem:$0x3FA8]  }
0x3d: {  	_ =	shalt  }
0x3e: {  	_ =	shalt  }
0x3f: {  	_ =	shalt  }
0x40: {  	_ =	shalt  }
0x41: {  	_ =	shalt  }
0x42: {  	_ =	shalt  }
0x43: {  	_ =	shalt  }
0x44: {  	_ =	shalt  }
0x45: {  	_ =	shalt  }
0x46: {  	_ =	shalt  }
0x47: {  	_ =	shalt  }
0x48: {  	_ =	shalt  }
0x49: {  	_ =	shalt  }
0x4a: {  	_ =	shalt  }
0x4b: {  	_ =	shalt  }
0x4c: {  	_ =	shalt  }
0x4d: {  	_ =	shalt  }
0x4e: {  	_ =	shalt  }
0x4f: {  	_ =	shalt  }
0x50: {  	_ =	shalt  }
0x51: {  	_ =	shalt  }
0x52: {  	_ =	shalt  }
0x53: {  	_ =	shalt  }
0x54: {  	_ =	shalt  }
0x55: {  	_ =	shalt  }
0x56: {  	_ =	shalt  }
0x57: {  	_ =	shalt  }
0x58: {  	_ =	shalt  }
0x59: {  	_ =	shalt  }
0x5a: {  	_ =	shalt  }
0x5b: {  	_ =	shalt  }
0x5c: {  	_ =	shalt  }
0x5d: {  	_ =	shalt  }
0x5e: {  	_ =	shalt  }
0x5f: {  	_ =	shalt  }
0x60: {  	_ =	shalt  }
0x61: {  	_ =	shalt  }
0x62: {  	_ =	shalt  }
0x63: {  	_ =	shalt  }
0x64: {  	_ =	shalt  }
0x65: {  	_ =	shalt  }
0x66: {  	_ =	shalt  }
0x67: {  	_ =	shalt  }
0x68: {  	_ =	shalt  }
0x69: {  	_ =	shalt  }
0x6a: {  	_ =	shalt  }
0x6b: {  	_ =	shalt  }
0x6c: {  	_ =	shalt  }
0x6d: {  	_ =	shalt  }
0x6e: {  	_ =	shalt  }
0x6f: {  	_ =	shalt  }
0x70: {  	_ =	shalt  }
0x71: {  	_ =	shalt  }
0x72: {  	_ =	shalt  }
0x73: {  	_ =	shalt  }
0x74: {  	_ =	shalt  }
0x75: {  	_ =	shalt  }
0x76: {  	_ =	shalt  }
0x77: {  	_ =	shalt  }
0x78: {  	_ =	shalt  }
0x79: {  	_ =	shalt  }
0x7a: {  	_ =	shalt  }
0x7b: {  	_ =	shalt  }
0x7c: {  	_ =	shalt  }
0x7d: {  	_ =	shalt  }
0x7e: {  	_ =	shalt  }
0x7f: {  	_ =	shalt  }
0x80: {  	_ =	shalt  }
0x81: {  	_ =	shalt  }
0x82: {  	_ =	shalt  }
0x83: {  	_ =	shalt  }
0x84: {  	_ =	shalt  }
0x85: {  	_ =	shalt  }
0x86: {  	_ =	shalt  }
0x87: {  	_ =	shalt  }
.Lfunc_end0:
.L_simem_size_0:
called_computation.2_lowered:
.L_overlay_start_0:
0x88: {  	s2 =	sld [smem:$0x3FD9]  }
0x89: {  	s3 =	sld [smem:$0x3FFE];
	_ =	sdelay $0x1  }
0x8a: {  	s1 =	srdreg.scid  }
0x8b: {  	s0 =	sand.u32 $0x1, s1  }
0x8c: {  	s16 =	sshll.u32 s0, $0xA;
	s2 =	sadd.s32 s3, s2  }
0x8d: {  	s2 =	sadd.s32 s2, s16  }
0x8e: {  	[smem:$0x3FB4] =	sst s2  }
0x8f: {  	_ = 	snop  }
0x90: {  	(tm) =	ssettm $0x1  }
0x91: {  	s17 =	sld [smem:$0x3FFB];
	_ =	sdelay $0x3  }
0x92: {  	_ =	strace s17  }
0x93: {  	s2 =	sld [smem:$0x3FFC];
	_ =	sdelay $0x3  }
0x94: {  	_ =	strace s2  }
0x95: {  	s2 =	sld [smem:$0x3FFD];
	_ =	sdelay $0x3  }
0x96: {  	_ =	strace s2  }
0x97: {  	_ =	strace $0x8FFFFFFF  }
0x98: {  	s18 =	sld [smem:$0x3FDB];
	_ =	sdelay $0x1  }
0x99: {  	s19 =	simm.s32 $_scs_section_size  }
0x9a: {  	s4 =	simm.s32 $_size__tile_overlayer_lowered;
	s5 =	simm.s32 $_tile_overlayer_lowered  }
0x9b: {  	s22 =	simm.s32 $0x1BFF;
	s21 =	sshll.u32 s5, $0x1;
	s2 =	sadd.s32 s19, s18  }
0x9c: {  	s6 =	simm.s32 $0x0;
	s20 =	sshll.u32 s4, $0x1;
	s4 =	sadd.s32 s21, s2  }
0x9d: {  	[timem:s6], [sflag:s22] =	dma.local [hbm:s4], s20  }
0x9e: {  	_ =	swait.ge [sflag:s22], s20  }
0x9f: {  	s3 =	ssub.s32 $0x0, s20;
	[sflag:s22] =	ssyncset.done $0x0  }
0xa0: {  	[sflag:s22] =	ssyncadd.s32 s3;
	_ =	sdelay $0x1  }
0xa1: {  	s23 =	simm.s32 $0x1B8B  }
0xa2: {  	_ =	swait.ge [sflag:s23], $0x1  }
0xa3: {  	[sflag:s23] =	ssyncset.done $0x0  }
0xa4: {  	s25 =	simm.s32 $0x1B8E;
	s24 =	sld [smem:$0x3FFE];
	[sflag:s23] =	ssyncadd.s32 $0xFFFFFFFF  }
0xa5: {  	s26 =	simm.s32 $execute0_lowered;
	[smem:$0x3FD2] =	sst s25  }
0xa6: {  	s4 =	sshll.u32 s26, $0x1;
	_ =	strace $0x8000004C;
	[dreg:$0x1] =	wrdreg $0xFFFFFFFF  }
0xa7: {  	s28 =	simm.s32 $_size_execute0_lowered;
	s2 =	sadd.s32 s2, s4;
	[dreg:$0x0] =	wrdreg $0x0  }
0xa8: {  	s4 =	sshll.u32 s28, $0x1;
	[dreg:$0x2] =	wrdreg s2  }
0xa9: {  	[dreg:$0x3] =	wrdreg s4  }
0xaa: {  	[dreg:$0x4] =	wrdreg $0xC0  }
0xab: {  	_ =	task [dreg:s6], $0x5FFFF  }
0xac: {  	[dreg:$0x1] =	wrdreg $0xFFFFFFFF  }
0xad: {  	[dreg:$0x0] =	wrdreg $0x60  }
0xae: {  	[dreg:$0x2] =	wrdreg s24  }
0xaf: {  	[dreg:$0x3] =	wrdreg $0x41000  }
0xb0: {  	[dreg:$0x4] =	wrdreg $0x9  }
0xb1: {  	_ =	task.clear_ibuf [dreg:s6], $0x5FFFF;
	_ =	strace $0x9000004C  }
0xb2: {  	s29 =	simm.s32 $0x9;
	_ =	strace $0x8000004E  }
0xb3: {  	_ =	swait.ge [sflag:s29], $0x1  }
0xb4: {  	[sflag:s29] =	ssyncadd.s32 $0xFFFFFFFF  }
0xb5: {  	_ =	strace $0x9000004E  }
0xb6: {  	_ =	sfence  }
0xb7: {  	s30 =	sld [smem:$0x0];
	_ =	sdelay $0x2  }
0xb8: {  	s31 =	sshll.u32 s1, $0xD;
	s1 =	sshrl.u32 s1, $0x2  }
0xb9: {  	s3 =	sand.u32 $0x4000, s31;
	s1 =	sadd.s32 s1, s30  }
0xba: {  	s0 =	sor.u32 s3, s0;
	s1 =	sshll.u32 s1, $0x11  }
0xbb: {  	s0 =	sor.u32 s1, s0  }
0xbc: {  	s0 =	sadd.s32 $0x8F2B, s0  }
0xbd: {  	[sflag:s0] =	ssyncadd.remote.s32 $0x1  }
0xbe: {  	_ =	sfence.sel $0xFFFF  }
0xbf: {  	[dreg:$0x0] =	wrdreg $0xFFFFFFFF;
	(pc) =	sbr.abs _section_cstart, $3  }
0xc0: {  	[dreg:$0x1] =	wrdreg $0xFFFFFFFF  }
0xc1: {  	_ =	task.clear_ibuf [dreg:s6], $0x2FFFF;
	_ =	strace $0x9FFFFFFF  }
0xc2: {  	(tm) =	ssettm $0x7FFFFFFF  }
0xc3: {  	_ =	shalt  }
tec
execute0_lowered:
.L_overlay_start_1:
0x0: {  	(tag) =	ssettag $0x1  }
0x1: {  	s5 =	rddreg [dreg:$0x0]  }
0x2: {  	s2 =	rddreg [dreg:$0x1]  }
0x3: {  	s0 =	rddreg [dreg:$0x2];
	s3 =	simm.s32 $0x0;
	s1 =	stileid.u32  }
0x4: {  	s4 =	srdreg.scid;
	s21 =	simm.s32 $0x0;
	s6 =	smul.u32 $0xA00, s1  }
0x5: {  	[smem:$0x7FF] =	sst s3;
	s12 =	sand.u32 $0x1, s4;
	s7 =	smul.u32 $0x50000, s1  }
0x6: {  	s4 =	sadd.s32 $0x23600, s5;
	s9 =	smul.u32 $0x14000, s1;
	s14 =	sadd.s32 $0x4B600, s5  }
0x7: {  	_ =	strace $0x8000004D;
	s24 =	ssub.s32 $0x2, s12;
	s13 =	smul.u32 $0x140000, s12  }
0x8: {  	s29 =	smul.u32 $0x500, s12;
	s16 =	sadd.s32 s6, s5;
	s8 =	sshrl.u32 s24, $0x1  }
0x9: {  	s7 =	sshrl.u32 s7, $0x2;
	s10 =	sadd.s32 $0x4000, s9;
	s11 =	sadd.s32 $0x8000, s9  }
0xa: {  	s17 =	sadd.s32 $0xC000, s9;
	s18 =	sadd.s32 $0x10000, s9;
	s15 =	ssub.s32 s24, s8  }
0xb: {  	s5 =	sadd.s32 s7, s2;
	s6 =	sadd.s32 s10, s2;
	s7 =	sadd.s32 s11, s2  }
0xc: {  	s8 =	sadd.s32 s17, s2;
	s19 =	sadd.s32 s9, s13;
	s9 =	sadd.s32 s18, s2  }
0xd: {  	s20 =	sadd.s32 s13, s10;
	s26 =	sadd.s32 s13, s11;
	s17 =	sadd.s32 s13, s17  }
0xe: {  	s18 =	sadd.s32 s13, s18;
	s31 =	sadd.s32 s29, s16;
	s19 =	sshrl.u32 s19, $0x3  }
0xf: {  	s25 =	sshrl.u32 s20, $0x3;
	s28 =	sshrl.u32 s26, $0x3;
	s17 =	sshrl.u32 s17, $0x3  }
0x10: {  	s30 =	sshrl.u32 s18, $0x3;
	s15 =	smax.u32 s15, $0x1;
	s16 =	sadd.s32 $0xF200, s31  }
0x11: {  	s18 =	simm.s32 $0x100;
	s20 =	simm.s32 $0x80;
	s10 =	sadd.s32 s14, s19  }
0x12: {  	s11 =	sadd.s32 s14, s25;
	s12 =	sadd.s32 s14, s28;
	s13 =	sadd.s32 s14, s17  }
0x13: {  	v0 =	vimm.f32 $0.0e+00;
	s14 =	sadd.s32 s14, s30;
	s17 =	sadd.s32 $0x19400, s31;
	s19 =	simm.s32 $0x1  }
.LBB2_1:
0x14: {  	s22 =	sand.u32 $0xFE00, s3  }
0x15: {  	s23 =	sand.u32 $0x70, s3;
	s24 =	sshrl.u32 s22, $0x2  }
0x16: {  	s22 =	simm.s32 $0x40;
	s24 =	sor.u32 s23, s24;
	s23 =	simm.s32 $0x0  }
.LBB2_2:
0x17: {  	p0 =	sne.s32 s22, $0xFFC0  }
0x18: {  	[tilespmem:s24+$0x100] =	vst v0;
	s23 =	sadd.s32 $0x10, s23;
	s24 =	smov.u32 s22;
	s22 =	sadd.s32 $0x40, s22  }
.Ltmp0:
0x19: {  	(pc) =	sbr.rel @p0 .LBB2_2-.Ltmp0, $4  }
0x1a: {  	_ = 	snop  }
0x1b: {  	s24 =	sand.u32 $0xFE00, s24  }
0x1c: {  	s25 =	sand.u32 $0x70, s23;
	s24 =	sshrl.u32 s24, $0x2  }
0x1d: {  	s24 =	sor.u32 s25, s24  }
0x1e: {  	[tilespmem:s24+$0x100] =	vst v0  }
0x1f: {  	[spmem:s5] =	stream.linear.scatter [tilespmem:s18], [sflag:$0x1], $0x4000, $0x38;
	[tilespmem:$0x18100] =	vst v63  }
0x20: {  	_ =	swait.ge [sflag:s19], $0x4000  }
0x21: {  	[sflag:s19] =	ssyncset.done $0x0  }
0x22: {  	[sflag:s19] =	ssyncadd.s32 $0xFFFFC000  }
0x23: {  	[spmem:s6] =	stream.linear.scatter [tilespmem:s18], [sflag:$0x1], $0x4000, $0x38;
	[tilespmem:$0x18100] =	vst v63  }
0x24: {  	_ =	swait.ge [sflag:s19], $0x4000  }
0x25: {  	[sflag:s19] =	ssyncset.done $0x0  }
0x26: {  	[sflag:s19] =	ssyncadd.s32 $0xFFFFC000  }
0x27: {  	[spmem:s7] =	stream.linear.scatter [tilespmem:s18], [sflag:$0x1], $0x4000, $0x38;
	[tilespmem:$0x18100] =	vst v63  }
0x28: {  	_ =	swait.ge [sflag:s19], $0x4000  }
0x29: {  	[sflag:s19] =	ssyncset.done $0x0  }
0x2a: {  	[sflag:s19] =	ssyncadd.s32 $0xFFFFC000  }
0x2b: {  	[spmem:s8] =	stream.linear.scatter [tilespmem:s18], [sflag:$0x1], $0x4000, $0x38;
	[tilespmem:$0x18100] =	vst v63  }
0x2c: {  	_ =	swait.ge [sflag:s19], $0x4000  }
0x2d: {  	[sflag:s19] =	ssyncset.done $0x0  }
0x2e: {  	[sflag:s19] =	ssyncadd.s32 $0xFFFFC000  }
0x2f: {  	[spmem:s9] =	stream.linear.scatter [tilespmem:s18], [sflag:$0x1], $0x4000, $0x38;
	[tilespmem:$0x18100] =	vst v63  }
0x30: {  	_ =	swait.ge [sflag:s19], $0x4000  }
0x31: {  	[sflag:s19] =	ssyncset.done $0x0  }
0x32: {  	[sflag:s19] =	ssyncadd.s32 $0xFFFFC000  }
0x33: {  	s22 =	sadd.s32 $0x0, s17;
	[bflag:$0x0] =	sbarrier.arrive $0xFFFF  }
0x34: {  	[tilespmem:s3], [sflag:$0x1] =	stream.linear.gather [hbm4b:s22+s3], $0x80, $0x38;
	[tilespmem:$0x18100] =	vst v63  }
0x35: {  	_ =	swait.ge [sflag:s19], $0x80  }
0x36: {  	[sflag:s19] =	ssyncset.done $0x0  }
0x37: {  	s31 =	sadd.s32 $0x0, s16;
	[sflag:s19] =	ssyncadd.s32 $0xFFFFFF80  }
0x38: {  	[tilespmem:s20], [sflag:$0x1] =	stream.linear.gather [hbm4b:s31+s3], $0x80, $0x38;
	[tilespmem:$0x18100] =	vst v63  }
0x39: {  	_ =	swait.ge [sflag:s19], $0x80  }
0x3a: {  	[sflag:s19] =	ssyncset.done $0x0  }
0x3b: {  	[sflag:s19] =	ssyncadd.s32 $0xFFFFFF80  }
0x3c: {  	[tilespmem:s18], [sflag:$0x1] =	stream.indirect.gather [hbm4b:s4+s20], $0x80, s3, s20, $0xb8;
	[tilespmem:$0x18100] =	vst v63  }
0x3d: {  	_ =	swait.ge [sflag:s19], $0x4000  }
0x3e: {  	[sflag:s19] =	ssyncset.done $0x0  }
0x3f: {  	[sflag:s19] =	ssyncadd.s32 $0xFFFFC000  }
0x40: {  	[spmem:s2] =	stream.indirect.scatter.add.f32 [tilespmem:s18], [sflag:$0x1], $0x80, s20, s20, $0xb8;
	[tilespmem:$0x18100] =	vst v63  }
0x41: {  	_ =	swait.ge [sflag:s19], $0x4000  }
0x42: {  	s23 =	simm.s32 $0x20;
	s22 =	simm.s32 $0x10;
	[sflag:s19] =	ssyncset.done $0x0  }
.LBB2_4:
0x43: {  	s24 =	sadd.s32 s22, s17  }
0x44: {  	[sflag:s19] =	ssyncadd.s32 $0xFFFFC000;
	s25 =	smov.u32 s23;
	s26 =	sadd.s32 $0x10, s23  }
0x45: {  	[tilespmem:s3], [sflag:$0x1] =	stream.linear.gather [hbm4b:s24+s3], $0x80, $0x38;
	[tilespmem:$0x18100] =	vst v63  }
0x46: {  	p0 =	sne.s32 s23, $0x4F0;
	_ =	swait.ge [sflag:s19], $0x80  }
0x47: {  	[sflag:s19] =	ssyncset.done $0x0  }
0x48: {  	s23 =	sadd.s32 s22, s16;
	s22 =	smov.u32 s25;
	[sflag:s19] =	ssyncadd.s32 $0xFFFFFF80  }
0x49: {  	[tilespmem:s20], [sflag:$0x1] =	stream.linear.gather [hbm4b:s23+s3], $0x80, $0x38;
	[tilespmem:$0x18100] =	vst v63  }
0x4a: {  	_ =	swait.ge [sflag:s19], $0x80  }
0x4b: {  	[sflag:s19] =	ssyncset.done $0x0  }
0x4c: {  	[sflag:s19] =	ssyncadd.s32 $0xFFFFFF80  }
0x4d: {  	[tilespmem:s18], [sflag:$0x1] =	stream.indirect.gather [hbm4b:s4+s20], $0x80, s3, s20, $0xb8;
	[tilespmem:$0x18100] =	vst v63  }
0x4e: {  	_ =	swait.ge [sflag:s19], $0x4000  }
.Ltmp1:
0x4f: {  	[sflag:s19] =	ssyncset.done $0x0;
	(pc) =	sbr.rel @p0 .LBB2_4-.Ltmp1, $4  }
0x50: {  	[sflag:s19] =	ssyncadd.s32 $0xFFFFC000  }
0x51: {  	[spmem:s2] =	stream.indirect.scatter.add.f32 [tilespmem:s18], [sflag:$0x1], $0x80, s20, s20, $0xb8;
	[tilespmem:$0x18100] =	vst v63  }
0x52: {  	_ =	swait.ge [sflag:s19], $0x4000  }
0x53: {  	s23 =	smov.u32 s26;
	[sflag:s19] =	ssyncset.done $0x0  }
0x54: {  	s23 =	sadd.s32 s22, s17;
	[sflag:s19] =	ssyncadd.s32 $0xFFFFC000  }
0x55: {  	[tilespmem:s3], [sflag:$0x1] =	stream.linear.gather [hbm4b:s23+s3], $0x80, $0x38;
	[tilespmem:$0x18100] =	vst v63  }
0x56: {  	_ =	swait.ge [sflag:s19], $0x80  }
0x57: {  	[sflag:s19] =	ssyncset.done $0x0  }
0x58: {  	s24 =	sadd.s32 s22, s16;
	[sflag:s19] =	ssyncadd.s32 $0xFFFFFF80  }
0x59: {  	[tilespmem:s20], [sflag:$0x1] =	stream.linear.gather [hbm4b:s24+s3], $0x80, $0x38;
	[tilespmem:$0x18100] =	vst v63  }
0x5a: {  	_ =	swait.ge [sflag:s19], $0x80  }
0x5b: {  	[sflag:s19] =	ssyncset.done $0x0  }
0x5c: {  	[sflag:s19] =	ssyncadd.s32 $0xFFFFFF80  }
0x5d: {  	[tilespmem:s18], [sflag:$0x1] =	stream.indirect.gather [hbm4b:s4+s20], $0x80, s3, s20, $0xb8;
	[tilespmem:$0x18100] =	vst v63  }
0x5e: {  	_ =	swait.ge [sflag:s19], $0x4000  }
0x5f: {  	[sflag:s19] =	ssyncset.done $0x0  }
0x60: {  	[sflag:s19] =	ssyncadd.s32 $0xFFFFC000  }
0x61: {  	[spmem:s2] =	stream.indirect.scatter.add.f32 [tilespmem:s18], [sflag:$0x1], $0x80, s20, s20, $0xb8;
	[tilespmem:$0x18100] =	vst v63  }
0x62: {  	_ =	swait.ge [sflag:s19], $0x4000  }
0x63: {  	[sflag:s19] =	ssyncset.done $0x0  }
0x64: {  	s25 =	sshll.u32 s1, $0x6;
	[sflag:s19] =	ssyncadd.s32 $0xFFFFC000  }
0x65: {  	s26 =	sshrl.u32 s5, $0x3;
	s22 =	sor.u32 $0x1C01, s25;
	[bflag:$0x0] =	sbarrier.arrive $0xFFFF  }
0x66: {  	[hbm:s10], [sflag:s22] =	dma.local [spmem:s26], $0x800  }
0x67: {  	_ =	swait.ge [sflag:s19], $0x800  }
0x68: {  	[sflag:s19] =	ssyncset.done $0x0  }
0x69: {  	s28 =	sshrl.u32 s6, $0x3;
	[sflag:s19] =	ssyncadd.s32 $0xFFFFF800  }
0x6a: {  	[hbm:s11], [sflag:s22] =	dma.local [spmem:s28], $0x800  }
0x6b: {  	_ =	swait.ge [sflag:s19], $0x800  }
0x6c: {  	[sflag:s19] =	ssyncset.done $0x0  }
0x6d: {  	s29 =	sshrl.u32 s7, $0x3;
	[sflag:s19] =	ssyncadd.s32 $0xFFFFF800  }
0x6e: {  	[hbm:s12], [sflag:s22] =	dma.local [spmem:s29], $0x800  }
0x6f: {  	_ =	swait.ge [sflag:s19], $0x800  }
0x70: {  	[sflag:s19] =	ssyncset.done $0x0  }
0x71: {  	s30 =	sshrl.u32 s8, $0x3;
	[sflag:s19] =	ssyncadd.s32 $0xFFFFF800  }
0x72: {  	[hbm:s13], [sflag:s22] =	dma.local [spmem:s30], $0x800  }
0x73: {  	s21 =	sadd.s32 $0x1, s21;
	_ =	swait.ge [sflag:s19], $0x800  }
0x74: {  	p0 =	sne.s32 s21, s15;
	[sflag:s19] =	ssyncset.done $0x0  }
.Ltmp2:
0x75: {  	s31 =	sshrl.u32 s9, $0x3;
	[sflag:s19] =	ssyncadd.s32 $0xFFFFF800;
	(pc) =	sbr.rel @p0 .LBB2_1-.Ltmp2, $4  }
0x76: {  	[hbm:s14], [sflag:s22] =	dma.local [spmem:s31], $0x800  }
0x77: {  	_ =	swait.ge [sflag:s19], $0x800  }
0x78: {  	[sflag:s19] =	ssyncset.done $0x0  }
0x79: {  	[sflag:s19] =	ssyncadd.s32 $0xFFFFF800  }
0x7a: {  	_ =	sfence.sel $0x180000  }
0x7b: {  	[bflag:$0x0] =	sbarrier.arrive $0xFFFF  }
0x7c: {  	p0 =	sne.s32 s1, $0x0;
	_ =	strace $0x9000004D  }
0x7d: {  	s0 =	sadd.s32 @!p0 $0x100000, s0;
	[bflag:$0x2] =	sbarrier.arrive $0xFFFF  }
0x7e: {  	[sflag:s0] =	ssyncadd.tile.s32 @!p0 $0x1;
	_ =	shalt  }
.Lfunc_end2:
_tile_overlayer_lowered:
.L_overlay_start_2:
0x7f: {  	(tag) =	ssettag $0x2  }
0x80: {  	s0 =	rddreg [dreg:$0x0];
	s2 =	stileid.u32  }
0x81: {  	s1 =	rddreg [dreg:$0x1];
	p0 =	sne.s32 s2, $0x0  }
0x82: {  	s3 =	rddreg [dreg:$0x2];
	[bflag:$0x3] =	sbarrier.arrive $0xFFFF;
	s2 =	simm.s32 @!p0 $0x1C01  }
0x83: {  	[timem:s3], [sflag:s2] =	dma.local @!p0 [hbm:s0], s1  }
0x84: {  	s0 =	simm.s32 @!p0 $0x1  }
0x85: {  	_ =	swait.ge @!p0 [sflag:s0], s1  }
0x86: {  	s1 =	ssub.s32 @!p0 $0x0, s1;
	[sflag:s0] =	ssyncset.done @!p0 $0x0  }
0x87: {  	[sflag:s0] =	ssyncadd.s32 @!p0 s1  }
0x88: {  	[bflag:$0x3] =	sbarrier.arrive $0xFFFF  }
0x89: {  	_ =	shalt  }

// kernel: kernel.19.cloned.1.call-start
scs
__scs_entry_jumppad:
0x0: {  	(pc) =	sbr.rel $0x88, $3  }
0x1: {  	(tag) =	ssettag $0x0;
	lr =	simm.s32 $0x1  }
0x2: {  	[smem:$0x3F8D] =	sst lr;
	_ =	strace $0xD0000000  }
0x3: {  	_ = 	snop  }
0x4: {  	_ = 	snop  }
0x5: {  	_ = 	snop  }
0x6: {  	_ = 	snop  }
0x7: {  	_ = 	snop  }
__scs_overlays_trampoline_lowered:
0x8: {  	[smem:$0x3F9C] =	sst s0  }
0x9: {  	[smem:$0x3F9D] =	sst s1  }
0xa: {  	[smem:$0x3F9E] =	sst s2  }
0xb: {  	[smem:$0x3F9F] =	sst s3  }
0xc: {  	[smem:$0x3FA0] =	sst s4  }
0xd: {  	[smem:$0x3FA1] =	sst s5  }
0xe: {  	[smem:$0x3FA2] =	sst s6  }
0xf: {  	[smem:$0x3FA3] =	sst s7  }
0x10: {  	[smem:$0x3FA4] =	sst s8  }
0x11: {  	[smem:$0x3FA5] =	sst s9;
	s0 =	simm.s32 @!p0 $0x0  }
0x12: {  	s1 =	sld [smem:$0x3F8B];
	s0 =	simm.s32 @p0 $0x1  }
0x13: {  	[smem:$0x3FA6] =	sst s0;
	s0 =	simm.s32 @!p1 $0x0  }
0x14: {  	s2 =	sld [smem:$0x3F8A];
	s0 =	simm.s32 @p1 $0x1  }
0x15: {  	[smem:$0x3FA7] =	sst s0;
	s0 =	simm.s32 @!p2 $0x0  }
0x16: {  	s3 =	sld [smem:$0x3FDB];
	s0 =	simm.s32 @p2 $0x1  }
0x17: {  	s4 =	simm.s32 $0x1BF5;
	[smem:$0x3FA9] =	sst s0  }
0x18: {  	s0 =	sld [smem:$0x3F8C];
	_ =	swait.ge [sflag:s4], $0x0  }
0x19: {  	s7 =	sld [smem:$0x3F8D]  }
0x1a: {  	s8 =	sadd.s32 $0xFFFFE003, lr  }
0x1b: {  	s9 =	sadd.s32 $0xFFFFFEF7, lr;
	s5 =	simm.s32 $0xFFFFFFFF;
	p2 =	slt.u32 s8, $0xFFFFF086  }
0x1c: {  	p1 =	slt.u32 s9, $0xF7A;
	s5 =	simm.s32 @!p2 $0x0  }
0x1d: {  	s5 =	simm.s32 @p1 $0x1;
	p0 =	seq.s32 s7, s2  }
0x1e: {  	s7 =	smul.u32 @!p0 $0xF7A, s2;
	p2 =	seq.s32 @!p0 s5, $0x0  }
0x1f: {  	s9 =	smul.u32 $0xF7A, s1;
	s8 =	simm.s32 @!p0 $0x1BF5;
	p2 =	por !p2, p0  }
0x20: {  	[sflag:s8] =	ssyncset.s32 @!p0 $0xFFFFF086;
	s6 =	sadd.s32 @!p0 s3, s7;
	s7 =	simm.s32 @!p0 $0x108  }
0x21: {  	s3 =	sadd.s32 s3, s9;
	s6 =	sadd.s32 @!p0 $0x88, s6;
	s7 =	simm.s32 @p2 $0x1082  }
0x22: {  	[simem:s7], [sflag:s8] =	dma.local @!p0 [hbm:s6], $0xF7A  }
0x23: {  	s9 =	sor.u32 $0xD0000000, s2;
	s6 =	simm.s32 $0x108;
	_ =	swait.ge @!p0 [sflag:s8], $0x0  }
0x24: {  	s3 =	sadd.s32 $0x88, s3;
	s6 =	simm.s32 @!p1 $0x1082;
	[sflag:s4] =	ssyncset.s32 $0xFFFFF086  }
0x25: {  	[simem:s6], [sflag:s4] =	dma.local [hbm:s3], $0xF7A  }
0x26: {  	[smem:$0x3F8D] =	sst s1;
	(tag) =	ssettag s2;
	_ =	strace s9  }
0x27: {  	s1 =	sld [smem:$0x3F9D]  }
0x28: {  	s2 =	sld [smem:$0x3F9E]  }
0x29: {  	s4 =	sld [smem:$0x3FA0]  }
0x2a: {  	p0 =	seq.s32 s5, $0x0;
	s5 =	sld [smem:$0x3FA1]  }
0x2b: {  	s6 =	sld [smem:$0x3FA2]  }
0x2c: {  	s7 =	sld [smem:$0x3FA3]  }
0x2d: {  	s3 =	simm.s32 $0x108;
	s8 =	sld [smem:$0x3FA4]  }
0x2e: {  	s3 =	simm.s32 @!p0 $0x1082;
	s9 =	sld [smem:$0x3FA5]  }
0x2f: {  	lr =	sadd.s32 s0, s3;
	s0 =	sld [smem:$0x3F9C]  }
0x30: {  	s3 =	sld [smem:$0x3F9F]  }
0x31: {  	[smem:$0x3FA8] =	sst s10  }
0x32: {  	s10 =	sld [smem:$0x3FA6];
	_ =	sdelay $0x3  }
0x33: {  	p0 =	seq.s32 s10, $0x1;
	s10 =	sld [smem:$0x3FA8];
	_ =	sdelay $0x3  }
0x34: {  	[smem:$0x3FA8] =	sst s10  }
0x35: {  	s10 =	sld [smem:$0x3FA7];
	_ =	sdelay $0x3  }
0x36: {  	p1 =	seq.s32 s10, $0x1;
	s10 =	sld [smem:$0x3FA8];
	_ =	sdelay $0x3  }
0x37: {  	[smem:$0x3FA8] =	sst s10  }
0x38: {  	s10 =	sld [smem:$0x3FA9]  }
0x39: {  	_ = 	snop;
	(pc) =	sbr.ind lr, $3  }
0x3a: {  	_ = 	snop  }
0x3b: {  	_ = 	snop  }
0x3c: {  	p2 =	seq.s32 s10, $0x1;
	s10 =	sld [smem:$0x3FA8]  }
0x3d: {  	_ =	shalt  }
0x3e: {  	_ =	shalt  }
0x3f: {  	_ =	shalt  }
0x40: {  	_ =	shalt  }
0x41: {  	_ =	shalt  }
0x42: {  	_ =	shalt  }
0x43: {  	_ =	shalt  }
0x44: {  	_ =	shalt  }
0x45: {  	_ =	shalt  }
0x46: {  	_ =	shalt  }
0x47: {  	_ =	shalt  }
0x48: {  	_ =	shalt  }
0x49: {  	_ =	shalt  }
0x4a: {  	_ =	shalt  }
0x4b: {  	_ =	shalt  }
0x4c: {  	_ =	shalt  }
0x4d: {  	_ =	shalt  }
0x4e: {  	_ =	shalt  }
0x4f: {  	_ =	shalt  }
0x50: {  	_ =	shalt  }
0x51: {  	_ =	shalt  }
0x52: {  	_ =	shalt  }
0x53: {  	_ =	shalt  }
0x54: {  	_ =	shalt  }
0x55: {  	_ =	shalt  }
0x56: {  	_ =	shalt  }
0x57: {  	_ =	shalt  }
0x58: {  	_ =	shalt  }
0x59: {  	_ =	shalt  }
0x5a: {  	_ =	shalt  }
0x5b: {  	_ =	shalt  }
0x5c: {  	_ =	shalt  }
0x5d: {  	_ =	shalt  }
0x5e: {  	_ =	shalt  }
0x5f: {  	_ =	shalt  }
0x60: {  	_ =	shalt  }
0x61: {  	_ =	shalt  }
0x62: {  	_ =	shalt  }
0x63: {  	_ =	shalt  }
0x64: {  	_ =	shalt  }
0x65: {  	_ =	shalt  }
0x66: {  	_ =	shalt  }
0x67: {  	_ =	shalt  }
0x68: {  	_ =	shalt  }
0x69: {  	_ =	shalt  }
0x6a: {  	_ =	shalt  }
0x6b: {  	_ =	shalt  }
0x6c: {  	_ =	shalt  }
0x6d: {  	_ =	shalt  }
0x6e: {  	_ =	shalt  }
0x6f: {  	_ =	shalt  }
0x70: {  	_ =	shalt  }
0x71: {  	_ =	shalt  }
0x72: {  	_ =	shalt  }
0x73: {  	_ =	shalt  }
0x74: {  	_ =	shalt  }
0x75: {  	_ =	shalt  }
0x76: {  	_ =	shalt  }
0x77: {  	_ =	shalt  }
0x78: {  	_ =	shalt  }
0x79: {  	_ =	shalt  }
0x7a: {  	_ =	shalt  }
0x7b: {  	_ =	shalt  }
0x7c: {  	_ =	shalt  }
0x7d: {  	_ =	shalt  }
0x7e: {  	_ =	shalt  }
0x7f: {  	_ =	shalt  }
0x80: {  	_ =	shalt  }
0x81: {  	_ =	shalt  }
0x82: {  	_ =	shalt  }
0x83: {  	_ =	shalt  }
0x84: {  	_ =	shalt  }
0x85: {  	_ =	shalt  }
0x86: {  	_ =	shalt  }
0x87: {  	_ =	shalt  }
.Lfunc_end0:
.L_simem_size_0:
called_computation.3_lowered:
.L_overlay_start_0:
0x88: {  	s2 =	sld [smem:$0x3FD9]  }
0x89: {  	s3 =	sld [smem:$0x3FFE];
	_ =	sdelay $0x1  }
0x8a: {  	s1 =	srdreg.scid  }
0x8b: {  	s0 =	sand.u32 $0x1, s1  }
0x8c: {  	s16 =	sshll.u32 s0, $0xA;
	s2 =	sadd.s32 s3, s2  }
0x8d: {  	s2 =	sadd.s32 s2, s16  }
0x8e: {  	[smem:$0x3FB4] =	sst s2  }
0x8f: {  	_ = 	snop  }
0x90: {  	(tm) =	ssettm $0x1  }
0x91: {  	s17 =	sld [smem:$0x3FFB];
	_ =	sdelay $0x3  }
0x92: {  	_ =	strace s17  }
0x93: {  	s2 =	sld [smem:$0x3FFC];
	_ =	sdelay $0x3  }
0x94: {  	_ =	strace s2  }
0x95: {  	s2 =	sld [smem:$0x3FFD];
	_ =	sdelay $0x3  }
0x96: {  	_ =	strace s2  }
0x97: {  	_ =	strace $0x8FFFFFFF  }
0x98: {  	s18 =	sld [smem:$0x3FDB];
	_ =	sdelay $0x1  }
0x99: {  	s19 =	simm.s32 $_scs_section_size  }
0x9a: {  	s4 =	simm.s32 $_size__tile_overlayer_lowered;
	s5 =	simm.s32 $_tile_overlayer_lowered  }
0x9b: {  	s22 =	simm.s32 $0x1BFF;
	s21 =	sshll.u32 s5, $0x1;
	s2 =	sadd.s32 s19, s18  }
0x9c: {  	s6 =	simm.s32 $0x0;
	s20 =	sshll.u32 s4, $0x1;
	s4 =	sadd.s32 s21, s2  }
0x9d: {  	[timem:s6], [sflag:s22] =	dma.local [hbm:s4], s20  }
0x9e: {  	_ =	swait.ge [sflag:s22], s20  }
0x9f: {  	s3 =	ssub.s32 $0x0, s20;
	[sflag:s22] =	ssyncset.done $0x0  }
0xa0: {  	[sflag:s22] =	ssyncadd.s32 s3;
	_ =	sdelay $0x1  }
0xa1: {  	s23 =	simm.s32 $0x1B8B  }
0xa2: {  	_ =	swait.ge [sflag:s23], $0x1  }
0xa3: {  	[sflag:s23] =	ssyncset.done $0x0  }
0xa4: {  	s25 =	simm.s32 $0x1B8E;
	s24 =	sld [smem:$0x3FFE];
	[sflag:s23] =	ssyncadd.s32 $0xFFFFFFFF  }
0xa5: {  	s26 =	simm.s32 $execute0_lowered;
	[smem:$0x3FD2] =	sst s25  }
0xa6: {  	s4 =	sshll.u32 s26, $0x1;
	_ =	strace $0x8000004F;
	[dreg:$0x1] =	wrdreg $0xFFFFFFFF  }
0xa7: {  	s28 =	simm.s32 $_size_execute0_lowered;
	s2 =	sadd.s32 s2, s4;
	[dreg:$0x0] =	wrdreg $0x0  }
0xa8: {  	s4 =	sshll.u32 s28, $0x1;
	[dreg:$0x2] =	wrdreg s2  }
0xa9: {  	[dreg:$0x3] =	wrdreg s4  }
0xaa: {  	[dreg:$0x4] =	wrdreg $0xC0  }
0xab: {  	_ =	task [dreg:s6], $0x5FFFF  }
0xac: {  	[dreg:$0x1] =	wrdreg $0xFFFFFFFF  }
0xad: {  	[dreg:$0x0] =	wrdreg $0x60  }
0xae: {  	[dreg:$0x2] =	wrdreg s24  }
0xaf: {  	[dreg:$0x3] =	wrdreg $0x41000  }
0xb0: {  	[dreg:$0x4] =	wrdreg $0x9  }
0xb1: {  	_ =	task.clear_ibuf [dreg:s6], $0x5FFFF;
	_ =	strace $0x9000004F  }
0xb2: {  	s29 =	simm.s32 $0x9;
	_ =	strace $0x80000051  }
0xb3: {  	_ =	swait.ge [sflag:s29], $0x1  }
0xb4: {  	[sflag:s29] =	ssyncadd.s32 $0xFFFFFFFF  }
0xb5: {  	_ =	strace $0x90000051  }
0xb6: {  	_ =	sfence  }
0xb7: {  	s30 =	sld [smem:$0x0];
	_ =	sdelay $0x2  }
0xb8: {  	s31 =	sshll.u32 s1, $0xD;
	s1 =	sshrl.u32 s1, $0x2  }
0xb9: {  	s3 =	sand.u32 $0x4000, s31;
	s1 =	sadd.s32 s1, s30  }
0xba: {  	s0 =	sor.u32 s3, s0;
	s1 =	sshll.u32 s1, $0x11  }
0xbb: {  	s0 =	sor.u32 s1, s0  }
0xbc: {  	s0 =	sadd.s32 $0x8F2B, s0  }
0xbd: {  	[sflag:s0] =	ssyncadd.remote.s32 $0x1  }
0xbe: {  	_ =	sfence.sel $0xFFFF  }
0xbf: {  	[dreg:$0x0] =	wrdreg $0xFFFFFFFF;
	(pc) =	sbr.abs _section_cstart, $3  }
0xc0: {  	[dreg:$0x1] =	wrdreg $0xFFFFFFFF  }
0xc1: {  	_ =	task.clear_ibuf [dreg:s6], $0x2FFFF;
	_ =	strace $0x9FFFFFFF  }
0xc2: {  	(tm) =	ssettm $0x7FFFFFFF  }
0xc3: {  	_ =	shalt  }
tec
execute0_lowered:
.L_overlay_start_1:
0x0: {  	(tag) =	ssettag $0x1  }
0x1: {  	s5 =	rddreg [dreg:$0x0]  }
0x2: {  	s2 =	rddreg [dreg:$0x1]  }
0x3: {  	s0 =	rddreg [dreg:$0x2];
	s3 =	simm.s32 $0x0;
	s1 =	stileid.u32  }
0x4: {  	s4 =	srdreg.scid;
	s21 =	simm.s32 $0x0;
	s6 =	smul.u32 $0xA00, s1  }
0x5: {  	[smem:$0x7FF] =	sst s3;
	s12 =	sand.u32 $0x1, s4;
	s7 =	smul.u32 $0x50000, s1  }
0x6: {  	s4 =	sadd.s32 $0x23600, s5;
	s9 =	smul.u32 $0x14000, s1;
	s14 =	sadd.s32 $0x4B600, s5  }
0x7: {  	_ =	strace $0x80000050;
	s24 =	ssub.s32 $0x2, s12;
	s13 =	smul.u32 $0x140000, s12  }
0x8: {  	s29 =	smul.u32 $0x500, s12;
	s16 =	sadd.s32 s6, s5;
	s8 =	sshrl.u32 s24, $0x1  }
0x9: {  	s7 =	sshrl.u32 s7, $0x2;
	s10 =	sadd.s32 $0x4000, s9;
	s11 =	sadd.s32 $0x8000, s9  }
0xa: {  	s17 =	sadd.s32 $0xC000, s9;
	s18 =	sadd.s32 $0x10000, s9;
	s15 =	ssub.s32 s24, s8  }
0xb: {  	s5 =	sadd.s32 s7, s2;
	s6 =	sadd.s32 s10, s2;
	s7 =	sadd.s32 s11, s2  }
0xc: {  	s8 =	sadd.s32 s17, s2;
	s19 =	sadd.s32 s9, s13;
	s9 =	sadd.s32 s18, s2  }
0xd: {  	s20 =	sadd.s32 s13, s10;
	s26 =	sadd.s32 s13, s11;
	s17 =	sadd.s32 s13, s17  }
0xe: {  	s18 =	sadd.s32 s13, s18;
	s31 =	sadd.s32 s29, s16;
	s19 =	sshrl.u32 s19, $0x3  }
0xf: {  	s25 =	sshrl.u32 s20, $0x3;
	s28 =	sshrl.u32 s26, $0x3;
	s17 =	sshrl.u32 s17, $0x3  }
0x10: {  	s30 =	sshrl.u32 s18, $0x3;
	s15 =	smax.u32 s15, $0x1;
	s16 =	sadd.s32 $0xF200, s31  }
0x11: {  	s18 =	simm.s32 $0x100;
	s20 =	simm.s32 $0x80;
	s10 =	sadd.s32 s14, s19  }
0x12: {  	s11 =	sadd.s32 s14, s25;
	s12 =	sadd.s32 s14, s28;
	s13 =	sadd.s32 s14, s17  }
0x13: {  	v0 =	vimm.f32 $0.0e+00;
	s14 =	sadd.s32 s14, s30;
	s17 =	sadd.s32 $0x19400, s31;
	s19 =	simm.s32 $0x1  }
.LBB2_1:
0x14: {  	s22 =	sand.u32 $0xFE00, s3  }
0x15: {  	s23 =	sand.u32 $0x70, s3;
	s24 =	sshrl.u32 s22, $0x2  }
0x16: {  	s22 =	simm.s32 $0x40;
	s24 =	sor.u32 s23, s24;
	s23 =	simm.s32 $0x0  }
.LBB2_2:
0x17: {  	p0 =	sne.s32 s22, $0xFFC0  }
0x18: {  	[tilespmem:s24+$0x100] =	vst v0;
	s23 =	sadd.s32 $0x10, s23;
	s24 =	smov.u32 s22;
	s22 =	sadd.s32 $0x40, s22  }
.Ltmp0:
0x19: {  	(pc) =	sbr.rel @p0 .LBB2_2-.Ltmp0, $4  }
0x1a: {  	_ = 	snop  }
0x1b: {  	s24 =	sand.u32 $0xFE00, s24  }
0x1c: {  	s25 =	sand.u32 $0x70, s23;
	s24 =	sshrl.u32 s24, $0x2  }
0x1d: {  	s24 =	sor.u32 s25, s24  }
0x1e: {  	[tilespmem:s24+$0x100] =	vst v0  }
0x1f: {  	[spmem:s5] =	stream.linear.scatter [tilespmem:s18], [sflag:$0x1], $0x4000, $0x38;
	[tilespmem:$0x18100] =	vst v63  }
0x20: {  	_ =	swait.ge [sflag:s19], $0x4000  }
0x21: {  	[sflag:s19] =	ssyncset.done $0x0  }
0x22: {  	[sflag:s19] =	ssyncadd.s32 $0xFFFFC000  }
0x23: {  	[spmem:s6] =	stream.linear.scatter [tilespmem:s18], [sflag:$0x1], $0x4000, $0x38;
	[tilespmem:$0x18100] =	vst v63  }
0x24: {  	_ =	swait.ge [sflag:s19], $0x4000  }
0x25: {  	[sflag:s19] =	ssyncset.done $0x0  }
0x26: {  	[sflag:s19] =	ssyncadd.s32 $0xFFFFC000  }
0x27: {  	[spmem:s7] =	stream.linear.scatter [tilespmem:s18], [sflag:$0x1], $0x4000, $0x38;
	[tilespmem:$0x18100] =	vst v63  }
0x28: {  	_ =	swait.ge [sflag:s19], $0x4000  }
0x29: {  	[sflag:s19] =	ssyncset.done $0x0  }
0x2a: {  	[sflag:s19] =	ssyncadd.s32 $0xFFFFC000  }
0x2b: {  	[spmem:s8] =	stream.linear.scatter [tilespmem:s18], [sflag:$0x1], $0x4000, $0x38;
	[tilespmem:$0x18100] =	vst v63  }
0x2c: {  	_ =	swait.ge [sflag:s19], $0x4000  }
0x2d: {  	[sflag:s19] =	ssyncset.done $0x0  }
0x2e: {  	[sflag:s19] =	ssyncadd.s32 $0xFFFFC000  }
0x2f: {  	[spmem:s9] =	stream.linear.scatter [tilespmem:s18], [sflag:$0x1], $0x4000, $0x38;
	[tilespmem:$0x18100] =	vst v63  }
0x30: {  	_ =	swait.ge [sflag:s19], $0x4000  }
0x31: {  	[sflag:s19] =	ssyncset.done $0x0  }
0x32: {  	[sflag:s19] =	ssyncadd.s32 $0xFFFFC000  }
0x33: {  	s22 =	sadd.s32 $0x0, s17;
	[bflag:$0x0] =	sbarrier.arrive $0xFFFF  }
0x34: {  	[tilespmem:s3], [sflag:$0x1] =	stream.linear.gather [hbm4b:s22+s3], $0x80, $0x38;
	[tilespmem:$0x18100] =	vst v63  }
0x35: {  	_ =	swait.ge [sflag:s19], $0x80  }
0x36: {  	[sflag:s19] =	ssyncset.done $0x0  }
0x37: {  	s31 =	sadd.s32 $0x0, s16;
	[sflag:s19] =	ssyncadd.s32 $0xFFFFFF80  }
0x38: {  	[tilespmem:s20], [sflag:$0x1] =	stream.linear.gather [hbm4b:s31+s3], $0x80, $0x38;
	[tilespmem:$0x18100] =	vst v63  }
0x39: {  	_ =	swait.ge [sflag:s19], $0x80  }
0x3a: {  	[sflag:s19] =	ssyncset.done $0x0  }
0x3b: {  	[sflag:s19] =	ssyncadd.s32 $0xFFFFFF80  }
0x3c: {  	[tilespmem:s18], [sflag:$0x1] =	stream.indirect.gather [hbm4b:s4+s20], $0x80, s3, s20, $0xb8;
	[tilespmem:$0x18100] =	vst v63  }
0x3d: {  	_ =	swait.ge [sflag:s19], $0x4000  }
0x3e: {  	[sflag:s19] =	ssyncset.done $0x0  }
0x3f: {  	[sflag:s19] =	ssyncadd.s32 $0xFFFFC000  }
0x40: {  	[spmem:s2] =	stream.indirect.scatter.add.f32 [tilespmem:s18], [sflag:$0x1], $0x80, s20, s20, $0xb8;
	[tilespmem:$0x18100] =	vst v63  }
0x41: {  	_ =	swait.ge [sflag:s19], $0x4000  }
0x42: {  	s23 =	simm.s32 $0x20;
	s22 =	simm.s32 $0x10;
	[sflag:s19] =	ssyncset.done $0x0  }
.LBB2_4:
0x43: {  	s24 =	sadd.s32 s22, s17  }
0x44: {  	[sflag:s19] =	ssyncadd.s32 $0xFFFFC000;
	s25 =	smov.u32 s23;
	s26 =	sadd.s32 $0x10, s23  }
0x45: {  	[tilespmem:s3], [sflag:$0x1] =	stream.linear.gather [hbm4b:s24+s3], $0x80, $0x38;
	[tilespmem:$0x18100] =	vst v63  }
0x46: {  	p0 =	sne.s32 s23, $0x4F0;
	_ =	swait.ge [sflag:s19], $0x80  }
0x47: {  	[sflag:s19] =	ssyncset.done $0x0  }
0x48: {  	s23 =	sadd.s32 s22, s16;
	s22 =	smov.u32 s25;
	[sflag:s19] =	ssyncadd.s32 $0xFFFFFF80  }
0x49: {  	[tilespmem:s20], [sflag:$0x1] =	stream.linear.gather [hbm4b:s23+s3], $0x80, $0x38;
	[tilespmem:$0x18100] =	vst v63  }
0x4a: {  	_ =	swait.ge [sflag:s19], $0x80  }
0x4b: {  	[sflag:s19] =	ssyncset.done $0x0  }
0x4c: {  	[sflag:s19] =	ssyncadd.s32 $0xFFFFFF80  }
0x4d: {  	[tilespmem:s18], [sflag:$0x1] =	stream.indirect.gather [hbm4b:s4+s20], $0x80, s3, s20, $0xb8;
	[tilespmem:$0x18100] =	vst v63  }
0x4e: {  	_ =	swait.ge [sflag:s19], $0x4000  }
.Ltmp1:
0x4f: {  	[sflag:s19] =	ssyncset.done $0x0;
	(pc) =	sbr.rel @p0 .LBB2_4-.Ltmp1, $4  }
0x50: {  	[sflag:s19] =	ssyncadd.s32 $0xFFFFC000  }
0x51: {  	[spmem:s2] =	stream.indirect.scatter.add.f32 [tilespmem:s18], [sflag:$0x1], $0x80, s20, s20, $0xb8;
	[tilespmem:$0x18100] =	vst v63  }
0x52: {  	_ =	swait.ge [sflag:s19], $0x4000  }
0x53: {  	s23 =	smov.u32 s26;
	[sflag:s19] =	ssyncset.done $0x0  }
0x54: {  	s23 =	sadd.s32 s22, s17;
	[sflag:s19] =	ssyncadd.s32 $0xFFFFC000  }
0x55: {  	[tilespmem:s3], [sflag:$0x1] =	stream.linear.gather [hbm4b:s23+s3], $0x80, $0x38;
	[tilespmem:$0x18100] =	vst v63  }
0x56: {  	_ =	swait.ge [sflag:s19], $0x80  }
0x57: {  	[sflag:s19] =	ssyncset.done $0x0  }
0x58: {  	s24 =	sadd.s32 s22, s16;
	[sflag:s19] =	ssyncadd.s32 $0xFFFFFF80  }
0x59: {  	[tilespmem:s20], [sflag:$0x1] =	stream.linear.gather [hbm4b:s24+s3], $0x80, $0x38;
	[tilespmem:$0x18100] =	vst v63  }
0x5a: {  	_ =	swait.ge [sflag:s19], $0x80  }
0x5b: {  	[sflag:s19] =	ssyncset.done $0x0  }
0x5c: {  	[sflag:s19] =	ssyncadd.s32 $0xFFFFFF80  }
0x5d: {  	[tilespmem:s18], [sflag:$0x1] =	stream.indirect.gather [hbm4b:s4+s20], $0x80, s3, s20, $0xb8;
	[tilespmem:$0x18100] =	vst v63  }
0x5e: {  	_ =	swait.ge [sflag:s19], $0x4000  }
0x5f: {  	[sflag:s19] =	ssyncset.done $0x0  }
0x60: {  	[sflag:s19] =	ssyncadd.s32 $0xFFFFC000  }
0x61: {  	[spmem:s2] =	stream.indirect.scatter.add.f32 [tilespmem:s18], [sflag:$0x1], $0x80, s20, s20, $0xb8;
	[tilespmem:$0x18100] =	vst v63  }
0x62: {  	_ =	swait.ge [sflag:s19], $0x4000  }
0x63: {  	[sflag:s19] =	ssyncset.done $0x0  }
0x64: {  	s25 =	sshll.u32 s1, $0x6;
	[sflag:s19] =	ssyncadd.s32 $0xFFFFC000  }
0x65: {  	s26 =	sshrl.u32 s5, $0x3;
	s22 =	sor.u32 $0x1C01, s25;
	[bflag:$0x0] =	sbarrier.arrive $0xFFFF  }
0x66: {  	[hbm:s10], [sflag:s22] =	dma.local [spmem:s26], $0x800  }
0x67: {  	_ =	swait.ge [sflag:s19], $0x800  }
0x68: {  	[sflag:s19] =	ssyncset.done $0x0  }
0x69: {  	s28 =	sshrl.u32 s6, $0x3;
	[sflag:s19] =	ssyncadd.s32 $0xFFFFF800  }
0x6a: {  	[hbm:s11], [sflag:s22] =	dma.local [spmem:s28], $0x800  }
0x6b: {  	_ =	swait.ge [sflag:s19], $0x800  }
0x6c: {  	[sflag:s19] =	ssyncset.done $0x0  }
0x6d: {  	s29 =	sshrl.u32 s7, $0x3;
	[sflag:s19] =	ssyncadd.s32 $0xFFFFF800  }
0x6e: {  	[hbm:s12], [sflag:s22] =	dma.local [spmem:s29], $0x800  }
0x6f: {  	_ =	swait.ge [sflag:s19], $0x800  }
0x70: {  	[sflag:s19] =	ssyncset.done $0x0  }
0x71: {  	s30 =	sshrl.u32 s8, $0x3;
	[sflag:s19] =	ssyncadd.s32 $0xFFFFF800  }
0x72: {  	[hbm:s13], [sflag:s22] =	dma.local [spmem:s30], $0x800  }
0x73: {  	s21 =	sadd.s32 $0x1, s21;
	_ =	swait.ge [sflag:s19], $0x800  }
0x74: {  	p0 =	sne.s32 s21, s15;
	[sflag:s19] =	ssyncset.done $0x0  }
.Ltmp2:
0x75: {  	s31 =	sshrl.u32 s9, $0x3;
	[sflag:s19] =	ssyncadd.s32 $0xFFFFF800;
	(pc) =	sbr.rel @p0 .LBB2_1-.Ltmp2, $4  }
0x76: {  	[hbm:s14], [sflag:s22] =	dma.local [spmem:s31], $0x800  }
0x77: {  	_ =	swait.ge [sflag:s19], $0x800  }
0x78: {  	[sflag:s19] =	ssyncset.done $0x0  }
0x79: {  	[sflag:s19] =	ssyncadd.s32 $0xFFFFF800  }
0x7a: {  	_ =	sfence.sel $0x180000  }
0x7b: {  	[bflag:$0x0] =	sbarrier.arrive $0xFFFF  }
0x7c: {  	p0 =	sne.s32 s1, $0x0;
	_ =	strace $0x90000050  }
0x7d: {  	s0 =	sadd.s32 @!p0 $0x100000, s0;
	[bflag:$0x2] =	sbarrier.arrive $0xFFFF  }
0x7e: {  	[sflag:s0] =	ssyncadd.tile.s32 @!p0 $0x1;
	_ =	shalt  }
.Lfunc_end2:
_tile_overlayer_lowered:
.L_overlay_start_2:
0x7f: {  	(tag) =	ssettag $0x2  }
0x80: {  	s0 =	rddreg [dreg:$0x0];
	s2 =	stileid.u32  }
0x81: {  	s1 =	rddreg [dreg:$0x1];
	p0 =	sne.s32 s2, $0x0  }
0x82: {  	s3 =	rddreg [dreg:$0x2];
	[bflag:$0x3] =	sbarrier.arrive $0xFFFF;
	s2 =	simm.s32 @!p0 $0x1C01  }
0x83: {  	[timem:s3], [sflag:s2] =	dma.local @!p0 [hbm:s0], s1  }
0x84: {  	s0 =	simm.s32 @!p0 $0x1  }
0x85: {  	_ =	swait.ge @!p0 [sflag:s0], s1  }
0x86: {  	s1 =	ssub.s32 @!p0 $0x0, s1;
	[sflag:s0] =	ssyncset.done @!p0 $0x0  }
0x87: {  	[sflag:s0] =	ssyncadd.s32 @!p0 s1  }
0x88: {  	[bflag:$0x3] =	sbarrier.arrive $0xFFFF  }
0x89: {  	_ =	shalt  }

</sc_bundles>
